<compile_context>
chip_gen: v7x
topology: tpu7x:2x2x1
jax: 0.10.2.dev20260603
libtpu: 0.0.44.dev20260713+nightly
codegen_flags: <defaults>
</compile_context>

<pallas_src>
import functools
import math

import jax
import jax.numpy as jnp
from jax import lax
from jax.experimental import pallas as pl
from jax.experimental.pallas import tpu as pltpu
from jax.experimental.pallas import tpu_sc as plsc

D_MODEL = 128
LANES = 16
CHUNK = 80
NBUF = 4
NUM_CORES = 2
NUM_SUBCORES = 16
NUM_WORKERS = NUM_CORES * NUM_SUBCORES


def _body(x_hbm, idx_hbm, msk_hbm, pe_hbm, out_hbm,
          pe_sh, idx_v, msk_v, eff_v, x_v, rows_v,
          sem_i, sem_g, sem_x, sem_o):
    n_tokens = idx_hbm.shape[0]
    per_w = n_tokens // NUM_WORKERS
    n_chunks = per_w // CHUNK
    scale = math.sqrt(float(D_MODEL))
    pad = pe_hbm.shape[0] - 1

    sid = lax.axis_index("s")
    wid = sid * NUM_CORES + lax.axis_index("c")
    base_w = wid * per_w

    @pl.when(sid == 0)
    def _():
        pltpu.sync_copy(pe_hbm, pe_sh)

    plsc.subcore_barrier()

    def issue_idx(c, b):
        base = base_w + c * CHUNK
        pltpu.async_copy(idx_hbm.at[pl.ds(base, CHUNK)], idx_v.at[b], sem_i.at[b])
        pltpu.async_copy(msk_hbm.at[pl.ds(base, CHUNK)], msk_v.at[b], sem_i.at[b])

    def wait_idx(c, b):
        base = base_w + c * CHUNK
        pltpu.make_async_copy(
            idx_hbm.at[pl.ds(base, CHUNK)], idx_v.at[b], sem_i.at[b]).wait()
        pltpu.make_async_copy(
            msk_hbm.at[pl.ds(base, CHUNK)], msk_v.at[b], sem_i.at[b]).wait()

    def issue_in(c, b):
        gc = wid * n_chunks + c
        pltpu.async_copy(pe_sh.at[eff_v.at[b]], rows_v.at[b], sem_g.at[b])
        pltpu.async_copy(x_hbm.at[gc], x_v.at[b], sem_x.at[b])

    def wait_in(c, b):
        gc = wid * n_chunks + c
        pltpu.make_async_copy(
            pe_sh.at[eff_v.at[b]], rows_v.at[b], sem_g.at[b]).wait()
        pltpu.make_async_copy(x_hbm.at[gc], x_v.at[b], sem_x.at[b]).wait()

    def issue_out(c, b):
        gc = wid * n_chunks + c
        pltpu.async_copy(rows_v.at[b], out_hbm.at[gc], sem_o.at[b])

    def wait_out(c, b):
        gc = wid * n_chunks + c
        pltpu.make_async_copy(rows_v.at[b], out_hbm.at[gc], sem_o.at[b]).wait()

    def compute_eff(b):
        @plsc.parallel_loop(0, CHUNK, step=LANES)
        def _eff(i):
            sl = pl.ds(i, LANES)
            m = msk_v[b, sl]
            eff_v[b, sl] = jnp.where(m != 0, pad, jnp.minimum(idx_v[b, sl], pad))

    def stage_b(c):
        b = c % NBUF

        wait_idx(c, b)
        compute_eff(b)

        @pl.when(c >= NBUF)
        def _():
            wait_out(c - NBUF, b)

        issue_in(c, b)

    issue_idx(0, 0)
    issue_idx(1, 1)
    issue_idx(2, 2)
    stage_b(0)
    stage_b(1)

    def outer(g, carry):
        for b in range(NBUF):
            c = NBUF * g + b
            s3 = (b + 3) % NBUF

            @pl.when(c + 3 < n_chunks)
            def _():
                issue_idx(c + 3, s3)

            @pl.when(c + 2 < n_chunks)
            def _():
                stage_b(c + 2)

            wait_in(c, b)

            @plsc.parallel_loop(0, CHUNK, unroll=4)
            def _fma(t):
                for j in range(D_MODEL // LANES):
                    sl = pl.ds(j * LANES, LANES)
                    plsc.addupdate(rows_v.at[b, t, sl], x_v[b, t, sl] * scale)

            issue_out(c, b)
        return carry

    lax.fori_loop(0, n_chunks // NBUF, outer, 0)
    for k in range(min(NBUF, n_chunks), 0, -1):
        wait_out(n_chunks - k, (n_chunks - k) % NBUF)


def kernel(x, mask, indices, pe):
    b, s, d = x.shape
    n = b * s
    x3 = x.reshape(n // CHUNK, CHUNK, d)
    idx = indices.reshape(n).astype(jnp.int32)
    msk = mask.reshape(n).astype(jnp.int32)
    pe_eff = pe.at[pe.shape[0] - 1].set(0.0)

    mesh = plsc.VectorSubcoreMesh(core_axis_name="c", subcore_axis_name="s")
    run = functools.partial(
        pl.kernel,
        mesh=mesh,
        out_type=jax.ShapeDtypeStruct((n // CHUNK, CHUNK, d), jnp.float32),
        scratch_types=[
            pltpu.VMEM_SHARED(pe.shape, jnp.float32),
            pltpu.VMEM((NBUF, CHUNK), jnp.int32),
            pltpu.VMEM((NBUF, CHUNK), jnp.int32),
            pltpu.VMEM((NBUF, CHUNK), jnp.int32),
            pltpu.VMEM((NBUF, CHUNK, D_MODEL), jnp.float32),
            pltpu.VMEM((NBUF, CHUNK, D_MODEL), jnp.float32),
            pltpu.SemaphoreType.DMA((NBUF,)),
            pltpu.SemaphoreType.DMA((NBUF,)),
            pltpu.SemaphoreType.DMA((NBUF,)),
            pltpu.SemaphoreType.DMA((NBUF,)),
        ],
    )(_body)
    out = run(x3, idx, msk, pe_eff)
    return out.reshape(b, s, d)

# --- scband reference (transcript-rebuilt; emitter-appended) ---
"""Pipeline reference for scband-learned-positional-encoding-45964740002145 (READ-ONLY COPY).

The authoritative reference and input builder live on the scoring server;
editing this copy changes nothing except your own understanding.
"""

import math
import jax, jax.numpy as jnp
import numpy as np

D_MODEL = 128
MAX_LEN = 5000
BATCH = 4096
SLATE = 200


def setup_inputs(seed: int = 0) -> dict:
    key = jax.random.key(seed)
    k1, k2, k3, k4 = jax.random.split(key, 4)
    x = jax.random.normal(k1, (BATCH, SLATE, D_MODEL), dtype=jnp.float32)
    mask = jax.random.randint(k2, (BATCH, SLATE), 0, 2).astype(jnp.bool_)
    indices = jax.random.randint(k3, (BATCH, SLATE), 0, MAX_LEN).astype(jnp.int64)
    # nn.Embedding(max_len + 1, d_model, padding_idx=-1): padding_idx normalizes to max_len,
    # and that row is zero-initialized.
    pe = jax.random.normal(k4, (MAX_LEN + 1, D_MODEL), dtype=jnp.float32) * 0.02
    pe = pe.at[MAX_LEN].set(0.0)
    return {"x": x, "mask": mask, "indices": indices, "pe": pe}


def reference(x, mask, indices, pe):
    pad_idx = pe.shape[0] - 1  # padding_idx=-1 -> max_len
    d_model = pe.shape[1]
    # padded_indices = indices.masked_fill(mask, padding_idx)
    padded_indices = jnp.where(mask, pad_idx, indices)
    # padded_indices[padded_indices > padding_idx] = padding_idx
    padded_indices = jnp.where(padded_indices > pad_idx, pad_idx, padded_indices)
    # ensure padding row contributes zeros (as in nn.Embedding with padding_idx)
    pe_eff = pe.at[pad_idx].set(0.0)
    out = math.sqrt(d_model) * x + jnp.take(pe_eff, padded_indices, axis=0)
    return out

if __name__ == "__main__":
    import jax
    _d = setup_inputs()
    print(jax.jit(kernel)(*tuple(_d.values())))

</pallas_src>

<mosaic_0001>
#map = affine_map<(d0, d1) -> (0, 0, 0)>
#map1 = affine_map<(d0, d1) -> (0)>
#map2 = affine_map<(d0, d1) -> (0, 0)>
module attributes {stable_mosaic.version = 14 : i64} {
  func.func @_body(%arg0: i32, %arg1: i32, %arg2: memref<10240x80x128xf32, #tpu.memory_space<hbm>>, %arg3: memref<819200xi32, #tpu.memory_space<hbm>>, %arg4: memref<819200xi32, #tpu.memory_space<hbm>>, %arg5: memref<5001x128xf32, #tpu.memory_space<hbm>>, %arg6: memref<10240x80x128xf32, #tpu.memory_space<hbm>>, %arg7: memref<5001x128xf32, #tpu.memory_space<vmem_shared>>, %arg8: memref<4x80xi32, #tpu.memory_space<vmem>>, %arg9: memref<4x80xi32, #tpu.memory_space<vmem>>, %arg10: memref<4x80xi32, #tpu.memory_space<vmem>>, %arg11: memref<4x80x128xf32, #tpu.memory_space<vmem>>, %arg12: memref<4x80x128xf32, #tpu.memory_space<vmem>>, %arg13: memref<4x!tpu.dma_semaphore, #tpu.memory_space<semaphore_mem>>, %arg14: memref<4x!tpu.dma_semaphore, #tpu.memory_space<semaphore_mem>>, %arg15: memref<4x!tpu.dma_semaphore, #tpu.memory_space<semaphore_mem>>, %arg16: memref<4x!tpu.dma_semaphore, #tpu.memory_space<semaphore_mem>>) attributes {dimension_semantics = [#tpu.dimension_semantics<core_parallel>, #tpu.dimension_semantics<subcore_parallel>], iteration_bounds = array<i64: 2, 16>, scalar_prefetch = 0 : i64, scratch_operands = 10 : i64, tpu.core_type = #tpu.core_type<sc_vector_subcore>, window_params = [{transform_indices = #map}, {transform_indices = #map1}, {transform_indices = #map1}, {transform_indices = #map2}, {transform_indices = #map}]} {
    %mul3A = arith.constant 2 : i32
    %mul3A_0 = arith.muli %arg1, %mul3A : i32
    %add3A = arith.addi %mul3A_0, %arg0 : i32
    %mul3A_1 = arith.constant 25600 : i32
    %mul3A_2 = arith.muli %add3A, %mul3A_1 : i32
    %eq3A = arith.constant 0 : i32
    %eq3A_3 = arith.cmpi eq, %arg1, %eq3A : i32
    %convert_element_type3A = arith.extui %eq3A_3 : i1 to i32
    %cond3A = arith.constant 0 : i32
    %cond3A_4 = arith.cmpi ne, %convert_element_type3A, %cond3A : i32
    scf.if %cond3A_4 {
      "tpu.region"() ({
        %run_scoped3A = tpu.sem_alloc : memref<!tpu.dma_semaphore, #tpu.memory_space<semaphore_mem>>
        tpu.enqueue_dma source(%arg5 : memref<5001x128xf32, #tpu.memory_space<hbm>>) target(%arg7 : memref<5001x128xf32, #tpu.memory_space<vmem_shared>>) target_semaphore(%run_scoped3A : memref<!tpu.dma_semaphore, #tpu.memory_space<semaphore_mem>>)
        tpu.wait_dma2 semaphore(%run_scoped3A : memref<!tpu.dma_semaphore, #tpu.memory_space<semaphore_mem>>) src(%arg5 : memref<5001x128xf32, #tpu.memory_space<hbm>>) dst(%arg7 : memref<5001x128xf32, #tpu.memory_space<vmem_shared>>)
        tpu.yield
      }) : () -> ()
    } else {
    }
    %barrier3A = arith.constant 0 : index
    tpu.barrier barrier_id(%barrier3A)
    %add3A_5 = arith.constant 0 : i32
    %add3A_6 = arith.addi %mul3A_2, %add3A_5 : i32
    %dma_start3A = arith.constant 0 : i32
    %dma_start3A_7 = arith.constant 0 : i32
    %dma_start3A_8 = arith.constant 0 : i32
    %dma_start3A_9 = tpu.memref_slice %arg8[%dma_start3A, %dma_start3A_8] : memref<4x80xi32, #tpu.memory_space<vmem>> -> memref<1x80xi32, #tpu.memory_space<vmem>>
    %dma_start3A_10 = tpu.memref_squeeze %dma_start3A_9 : memref<1x80xi32, #tpu.memory_space<vmem>> -> memref<80xi32, #tpu.memory_space<vmem>>
    %dma_start3A_11 = tpu.memref_slice %arg3[%add3A_6] : memref<819200xi32, #tpu.memory_space<hbm>> -> memref<80xi32, #tpu.memory_space<hbm>>
    %dma_start3A_12 = tpu.memref_slice %arg13[%dma_start3A_7] : memref<4x!tpu.dma_semaphore, #tpu.memory_space<semaphore_mem>> -> memref<1x!tpu.dma_semaphore, #tpu.memory_space<semaphore_mem>>
    %dma_start3A_13 = tpu.memref_squeeze %dma_start3A_12 : memref<1x!tpu.dma_semaphore, #tpu.memory_space<semaphore_mem>> -> memref<!tpu.dma_semaphore, #tpu.memory_space<semaphore_mem>>
    %dma_start3A_14 = arith.constant 0 : i32
    %dma_start3A_15 = tpu.memref_slice %arg8[%dma_start3A, %dma_start3A_14] : memref<4x80xi32, #tpu.memory_space<vmem>> -> memref<1x80xi32, #tpu.memory_space<vmem>>
    %dma_start3A_16 = tpu.memref_squeeze %dma_start3A_15 : memref<1x80xi32, #tpu.memory_space<vmem>> -> memref<80xi32, #tpu.memory_space<vmem>>
    %dma_start3A_17 = tpu.memref_slice %arg3[%add3A_6] : memref<819200xi32, #tpu.memory_space<hbm>> -> memref<80xi32, #tpu.memory_space<hbm>>
    tpu.enqueue_dma source(%dma_start3A_17 : memref<80xi32, #tpu.memory_space<hbm>>) target(%dma_start3A_16 : memref<80xi32, #tpu.memory_space<vmem>>) target_semaphore(%dma_start3A_13 : memref<!tpu.dma_semaphore, #tpu.memory_space<semaphore_mem>>)
    %dma_start3A_18 = arith.constant 0 : i32
    %dma_start3A_19 = arith.constant 0 : i32
    %dma_start3A_20 = arith.constant 0 : i32
    %dma_start3A_21 = tpu.memref_slice %arg9[%dma_start3A_18, %dma_start3A_20] : memref<4x80xi32, #tpu.memory_space<vmem>> -> memref<1x80xi32, #tpu.memory_space<vmem>>
    %dma_start3A_22 = tpu.memref_squeeze %dma_start3A_21 : memref<1x80xi32, #tpu.memory_space<vmem>> -> memref<80xi32, #tpu.memory_space<vmem>>
    %dma_start3A_23 = tpu.memref_slice %arg4[%add3A_6] : memref<819200xi32, #tpu.memory_space<hbm>> -> memref<80xi32, #tpu.memory_space<hbm>>
    %dma_start3A_24 = tpu.memref_slice %arg13[%dma_start3A_19] : memref<4x!tpu.dma_semaphore, #tpu.memory_space<semaphore_mem>> -> memref<1x!tpu.dma_semaphore, #tpu.memory_space<semaphore_mem>>
    %dma_start3A_25 = tpu.memref_squeeze %dma_start3A_24 : memref<1x!tpu.dma_semaphore, #tpu.memory_space<semaphore_mem>> -> memref<!tpu.dma_semaphore, #tpu.memory_space<semaphore_mem>>
    %dma_start3A_26 = arith.constant 0 : i32
    %dma_start3A_27 = tpu.memref_slice %arg9[%dma_start3A_18, %dma_start3A_26] : memref<4x80xi32, #tpu.memory_space<vmem>> -> memref<1x80xi32, #tpu.memory_space<vmem>>
    %dma_start3A_28 = tpu.memref_squeeze %dma_start3A_27 : memref<1x80xi32, #tpu.memory_space<vmem>> -> memref<80xi32, #tpu.memory_space<vmem>>
    %dma_start3A_29 = tpu.memref_slice %arg4[%add3A_6] : memref<819200xi32, #tpu.memory_space<hbm>> -> memref<80xi32, #tpu.memory_space<hbm>>
    tpu.enqueue_dma source(%dma_start3A_29 : memref<80xi32, #tpu.memory_space<hbm>>) target(%dma_start3A_28 : memref<80xi32, #tpu.memory_space<vmem>>) target_semaphore(%dma_start3A_25 : memref<!tpu.dma_semaphore, #tpu.memory_space<semaphore_mem>>)
    %add3A_30 = arith.constant 80 : i32
    %add3A_31 = arith.addi %mul3A_2, %add3A_30 : i32
    %dma_start3A_32 = arith.constant 1 : i32
    %dma_start3A_33 = arith.constant 1 : i32
    %dma_start3A_34 = arith.constant 0 : i32
    %dma_start3A_35 = tpu.memref_slice %arg8[%dma_start3A_32, %dma_start3A_34] : memref<4x80xi32, #tpu.memory_space<vmem>> -> memref<1x80xi32, #tpu.memory_space<vmem>>
    %dma_start3A_36 = tpu.memref_squeeze %dma_start3A_35 : memref<1x80xi32, #tpu.memory_space<vmem>> -> memref<80xi32, #tpu.memory_space<vmem>>
    %dma_start3A_37 = tpu.memref_slice %arg3[%add3A_31] : memref<819200xi32, #tpu.memory_space<hbm>> -> memref<80xi32, #tpu.memory_space<hbm>>
    %dma_start3A_38 = tpu.memref_slice %arg13[%dma_start3A_33] : memref<4x!tpu.dma_semaphore, #tpu.memory_space<semaphore_mem>> -> memref<1x!tpu.dma_semaphore, #tpu.memory_space<semaphore_mem>>
    %dma_start3A_39 = tpu.memref_squeeze %dma_start3A_38 : memref<1x!tpu.dma_semaphore, #tpu.memory_space<semaphore_mem>> -> memref<!tpu.dma_semaphore, #tpu.memory_space<semaphore_mem>>
    %dma_start3A_40 = arith.constant 0 : i32
    %dma_start3A_41 = tpu.memref_slice %arg8[%dma_start3A_32, %dma_start3A_40] : memref<4x80xi32, #tpu.memory_space<vmem>> -> memref<1x80xi32, #tpu.memory_space<vmem>>
    %dma_start3A_42 = tpu.memref_squeeze %dma_start3A_41 : memref<1x80xi32, #tpu.memory_space<vmem>> -> memref<80xi32, #tpu.memory_space<vmem>>
    %dma_start3A_43 = tpu.memref_slice %arg3[%add3A_31] : memref<819200xi32, #tpu.memory_space<hbm>> -> memref<80xi32, #tpu.memory_space<hbm>>
    tpu.enqueue_dma source(%dma_start3A_43 : memref<80xi32, #tpu.memory_space<hbm>>) target(%dma_start3A_42 : memref<80xi32, #tpu.memory_space<vmem>>) target_semaphore(%dma_start3A_39 : memref<!tpu.dma_semaphore, #tpu.memory_space<semaphore_mem>>)
    %dma_start3A_44 = arith.constant 1 : i32
    %dma_start3A_45 = arith.constant 1 : i32
    %dma_start3A_46 = arith.constant 0 : i32
    %dma_start3A_47 = tpu.memref_slice %arg9[%dma_start3A_44, %dma_start3A_46] : memref<4x80xi32, #tpu.memory_space<vmem>> -> memref<1x80xi32, #tpu.memory_space<vmem>>
    %dma_start3A_48 = tpu.memref_squeeze %dma_start3A_47 : memref<1x80xi32, #tpu.memory_space<vmem>> -> memref<80xi32, #tpu.memory_space<vmem>>
    %dma_start3A_49 = tpu.memref_slice %arg4[%add3A_31] : memref<819200xi32, #tpu.memory_space<hbm>> -> memref<80xi32, #tpu.memory_space<hbm>>
    %dma_start3A_50 = tpu.memref_slice %arg13[%dma_start3A_45] : memref<4x!tpu.dma_semaphore, #tpu.memory_space<semaphore_mem>> -> memref<1x!tpu.dma_semaphore, #tpu.memory_space<semaphore_mem>>
    %dma_start3A_51 = tpu.memref_squeeze %dma_start3A_50 : memref<1x!tpu.dma_semaphore, #tpu.memory_space<semaphore_mem>> -> memref<!tpu.dma_semaphore, #tpu.memory_space<semaphore_mem>>
    %dma_start3A_52 = arith.constant 0 : i32
    %dma_start3A_53 = tpu.memref_slice %arg9[%dma_start3A_44, %dma_start3A_52] : memref<4x80xi32, #tpu.memory_space<vmem>> -> memref<1x80xi32, #tpu.memory_space<vmem>>
    %dma_start3A_54 = tpu.memref_squeeze %dma_start3A_53 : memref<1x80xi32, #tpu.memory_space<vmem>> -> memref<80xi32, #tpu.memory_space<vmem>>
    %dma_start3A_55 = tpu.memref_slice %arg4[%add3A_31] : memref<819200xi32, #tpu.memory_space<hbm>> -> memref<80xi32, #tpu.memory_space<hbm>>
    tpu.enqueue_dma source(%dma_start3A_55 : memref<80xi32, #tpu.memory_space<hbm>>) target(%dma_start3A_54 : memref<80xi32, #tpu.memory_space<vmem>>) target_semaphore(%dma_start3A_51 : memref<!tpu.dma_semaphore, #tpu.memory_space<semaphore_mem>>)
    %add3A_56 = arith.constant 160 : i32
    %add3A_57 = arith.addi %mul3A_2, %add3A_56 : i32
    %dma_start3A_58 = arith.constant 2 : i32
    %dma_start3A_59 = arith.constant 2 : i32
    %dma_start3A_60 = arith.constant 0 : i32
    %dma_start3A_61 = tpu.memref_slice %arg8[%dma_start3A_58, %dma_start3A_60] : memref<4x80xi32, #tpu.memory_space<vmem>> -> memref<1x80xi32, #tpu.memory_space<vmem>>
    %dma_start3A_62 = tpu.memref_squeeze %dma_start3A_61 : memref<1x80xi32, #tpu.memory_space<vmem>> -> memref<80xi32, #tpu.memory_space<vmem>>
    %dma_start3A_63 = tpu.memref_slice %arg3[%add3A_57] : memref<819200xi32, #tpu.memory_space<hbm>> -> memref<80xi32, #tpu.memory_space<hbm>>
    %dma_start3A_64 = tpu.memref_slice %arg13[%dma_start3A_59] : memref<4x!tpu.dma_semaphore, #tpu.memory_space<semaphore_mem>> -> memref<1x!tpu.dma_semaphore, #tpu.memory_space<semaphore_mem>>
    %dma_start3A_65 = tpu.memref_squeeze %dma_start3A_64 : memref<1x!tpu.dma_semaphore, #tpu.memory_space<semaphore_mem>> -> memref<!tpu.dma_semaphore, #tpu.memory_space<semaphore_mem>>
    %dma_start3A_66 = arith.constant 0 : i32
    %dma_start3A_67 = tpu.memref_slice %arg8[%dma_start3A_58, %dma_start3A_66] : memref<4x80xi32, #tpu.memory_space<vmem>> -> memref<1x80xi32, #tpu.memory_space<vmem>>
    %dma_start3A_68 = tpu.memref_squeeze %dma_start3A_67 : memref<1x80xi32, #tpu.memory_space<vmem>> -> memref<80xi32, #tpu.memory_space<vmem>>
    %dma_start3A_69 = tpu.memref_slice %arg3[%add3A_57] : memref<819200xi32, #tpu.memory_space<hbm>> -> memref<80xi32, #tpu.memory_space<hbm>>
    tpu.enqueue_dma source(%dma_start3A_69 : memref<80xi32, #tpu.memory_space<hbm>>) target(%dma_start3A_68 : memref<80xi32, #tpu.memory_space<vmem>>) target_semaphore(%dma_start3A_65 : memref<!tpu.dma_semaphore, #tpu.memory_space<semaphore_mem>>)
    %dma_start3A_70 = arith.constant 2 : i32
    %dma_start3A_71 = arith.constant 2 : i32
    %dma_start3A_72 = arith.constant 0 : i32
    %dma_start3A_73 = tpu.memref_slice %arg9[%dma_start3A_70, %dma_start3A_72] : memref<4x80xi32, #tpu.memory_space<vmem>> -> memref<1x80xi32, #tpu.memory_space<vmem>>
    %dma_start3A_74 = tpu.memref_squeeze %dma_start3A_73 : memref<1x80xi32, #tpu.memory_space<vmem>> -> memref<80xi32, #tpu.memory_space<vmem>>
    %dma_start3A_75 = tpu.memref_slice %arg4[%add3A_57] : memref<819200xi32, #tpu.memory_space<hbm>> -> memref<80xi32, #tpu.memory_space<hbm>>
    %dma_start3A_76 = tpu.memref_slice %arg13[%dma_start3A_71] : memref<4x!tpu.dma_semaphore, #tpu.memory_space<semaphore_mem>> -> memref<1x!tpu.dma_semaphore, #tpu.memory_space<semaphore_mem>>
    %dma_start3A_77 = tpu.memref_squeeze %dma_start3A_76 : memref<1x!tpu.dma_semaphore, #tpu.memory_space<semaphore_mem>> -> memref<!tpu.dma_semaphore, #tpu.memory_space<semaphore_mem>>
    %dma_start3A_78 = arith.constant 0 : i32
    %dma_start3A_79 = tpu.memref_slice %arg9[%dma_start3A_70, %dma_start3A_78] : memref<4x80xi32, #tpu.memory_space<vmem>> -> memref<1x80xi32, #tpu.memory_space<vmem>>
    %dma_start3A_80 = tpu.memref_squeeze %dma_start3A_79 : memref<1x80xi32, #tpu.memory_space<vmem>> -> memref<80xi32, #tpu.memory_space<vmem>>
    %dma_start3A_81 = tpu.memref_slice %arg4[%add3A_57] : memref<819200xi32, #tpu.memory_space<hbm>> -> memref<80xi32, #tpu.memory_space<hbm>>
    tpu.enqueue_dma source(%dma_start3A_81 : memref<80xi32, #tpu.memory_space<hbm>>) target(%dma_start3A_80 : memref<80xi32, #tpu.memory_space<vmem>>) target_semaphore(%dma_start3A_77 : memref<!tpu.dma_semaphore, #tpu.memory_space<semaphore_mem>>)
    %add3A_82 = arith.constant 0 : i32
    %add3A_83 = arith.addi %mul3A_2, %add3A_82 : i32
    %dma_wait3A = arith.constant 0 : i32
    %dma_wait3A_84 = arith.constant 0 : i32
    %dma_wait3A_85 = arith.constant 0 : i32
    %dma_wait3A_86 = tpu.memref_slice %arg8[%dma_wait3A, %dma_wait3A_85] : memref<4x80xi32, #tpu.memory_space<vmem>> -> memref<1x80xi32, #tpu.memory_space<vmem>>
    %dma_wait3A_87 = tpu.memref_squeeze %dma_wait3A_86 : memref<1x80xi32, #tpu.memory_space<vmem>> -> memref<80xi32, #tpu.memory_space<vmem>>
    %dma_wait3A_88 = tpu.memref_slice %arg3[%add3A_83] : memref<819200xi32, #tpu.memory_space<hbm>> -> memref<80xi32, #tpu.memory_space<hbm>>
    %dma_wait3A_89 = tpu.memref_slice %arg13[%dma_wait3A_84] : memref<4x!tpu.dma_semaphore, #tpu.memory_space<semaphore_mem>> -> memref<1x!tpu.dma_semaphore, #tpu.memory_space<semaphore_mem>>
    %dma_wait3A_90 = tpu.memref_squeeze %dma_wait3A_89 : memref<1x!tpu.dma_semaphore, #tpu.memory_space<semaphore_mem>> -> memref<!tpu.dma_semaphore, #tpu.memory_space<semaphore_mem>>
    %dma_wait3A_91 = arith.constant 0 : i32
    %dma_wait3A_92 = tpu.memref_slice %arg8[%dma_wait3A, %dma_wait3A_91] : memref<4x80xi32, #tpu.memory_space<vmem>> -> memref<1x80xi32, #tpu.memory_space<vmem>>
    %dma_wait3A_93 = tpu.memref_squeeze %dma_wait3A_92 : memref<1x80xi32, #tpu.memory_space<vmem>> -> memref<80xi32, #tpu.memory_space<vmem>>
    %dma_wait3A_94 = tpu.memref_slice %arg3[%add3A_83] : memref<819200xi32, #tpu.memory_space<hbm>> -> memref<80xi32, #tpu.memory_space<hbm>>
    tpu.wait_dma2 semaphore(%dma_wait3A_90 : memref<!tpu.dma_semaphore, #tpu.memory_space<semaphore_mem>>) src(%dma_wait3A_94 : memref<80xi32, #tpu.memory_space<hbm>>) dst(%dma_wait3A_93 : memref<80xi32, #tpu.memory_space<vmem>>)
    %dma_wait3A_95 = arith.constant 0 : i32
    %dma_wait3A_96 = arith.constant 0 : i32
    %dma_wait3A_97 = arith.constant 0 : i32
    %dma_wait3A_98 = tpu.memref_slice %arg9[%dma_wait3A_95, %dma_wait3A_97] : memref<4x80xi32, #tpu.memory_space<vmem>> -> memref<1x80xi32, #tpu.memory_space<vmem>>
    %dma_wait3A_99 = tpu.memref_squeeze %dma_wait3A_98 : memref<1x80xi32, #tpu.memory_space<vmem>> -> memref<80xi32, #tpu.memory_space<vmem>>
    %dma_wait3A_100 = tpu.memref_slice %arg4[%add3A_83] : memref<819200xi32, #tpu.memory_space<hbm>> -> memref<80xi32, #tpu.memory_space<hbm>>
    %dma_wait3A_101 = tpu.memref_slice %arg13[%dma_wait3A_96] : memref<4x!tpu.dma_semaphore, #tpu.memory_space<semaphore_mem>> -> memref<1x!tpu.dma_semaphore, #tpu.memory_space<semaphore_mem>>
    %dma_wait3A_102 = tpu.memref_squeeze %dma_wait3A_101 : memref<1x!tpu.dma_semaphore, #tpu.memory_space<semaphore_mem>> -> memref<!tpu.dma_semaphore, #tpu.memory_space<semaphore_mem>>
    %dma_wait3A_103 = arith.constant 0 : i32
    %dma_wait3A_104 = tpu.memref_slice %arg9[%dma_wait3A_95, %dma_wait3A_103] : memref<4x80xi32, #tpu.memory_space<vmem>> -> memref<1x80xi32, #tpu.memory_space<vmem>>
    %dma_wait3A_105 = tpu.memref_squeeze %dma_wait3A_104 : memref<1x80xi32, #tpu.memory_space<vmem>> -> memref<80xi32, #tpu.memory_space<vmem>>
    %dma_wait3A_106 = tpu.memref_slice %arg4[%add3A_83] : memref<819200xi32, #tpu.memory_space<hbm>> -> memref<80xi32, #tpu.memory_space<hbm>>
    tpu.wait_dma2 semaphore(%dma_wait3A_102 : memref<!tpu.dma_semaphore, #tpu.memory_space<semaphore_mem>>) src(%dma_wait3A_106 : memref<80xi32, #tpu.memory_space<hbm>>) dst(%dma_wait3A_105 : memref<80xi32, #tpu.memory_space<vmem>>)
    %parallel_loop3A = arith.constant 0 : i32
    %parallel_loop3A_107 = arith.constant 80 : i32
    %parallel_loop3A_108 = arith.constant 16 : i32
    scf.for %parallel_loop3A_317 = %parallel_loop3A to %parallel_loop3A_107 step %parallel_loop3A_108  : i32 {
      %parallel_loop3A_318 = arith.constant 0 : i32
      %parallel_loop3A_319 = arith.index_cast %parallel_loop3A_318 : i32 to index
      %parallel_loop3A_320 = arith.index_cast %parallel_loop3A_317 : i32 to index
      %parallel_loop3A_321 = tpu.vector_load %arg9[%parallel_loop3A_319, %parallel_loop3A_320] {strides = array<i32>} : memref<4x80xi32, #tpu.memory_space<vmem>>, vector<1x16xi32>,
      %parallel_loop3A_322 = vector.shape_cast %parallel_loop3A_321 : vector<1x16xi32> to vector<16xi32>
      %parallel_loop3A_323 = arith.constant 0 : i32
      %parallel_loop3A_324 = vector.broadcast %parallel_loop3A_323 : i32 to vector<16xi32>
      %parallel_loop3A_325 = arith.cmpi ne, %parallel_loop3A_322, %parallel_loop3A_324 : vector<16xi32>
      %parallel_loop3A_326 = arith.constant 0 : i32
      %parallel_loop3A_327 = arith.index_cast %parallel_loop3A_326 : i32 to index
      %parallel_loop3A_328 = arith.index_cast %parallel_loop3A_317 : i32 to index
      %parallel_loop3A_329 = tpu.vector_load %arg8[%parallel_loop3A_327, %parallel_loop3A_328] {strides = array<i32>} : memref<4x80xi32, #tpu.memory_space<vmem>>, vector<1x16xi32>,
      %parallel_loop3A_330 = vector.shape_cast %parallel_loop3A_329 : vector<1x16xi32> to vector<16xi32>
      %parallel_loop3A_331 = arith.constant 5000 : i32
      %parallel_loop3A_332 = vector.broadcast %parallel_loop3A_331 : i32 to vector<16xi32>
      %parallel_loop3A_333 = arith.minsi %parallel_loop3A_330, %parallel_loop3A_332 : vector<16xi32>
      %parallel_loop3A_334 = arith.constant 5000 : i32
      %parallel_loop3A_335 = vector.broadcast %parallel_loop3A_334 : i32 to vector<16xi32>
      %parallel_loop3A_336 = arith.select %parallel_loop3A_325, %parallel_loop3A_335, %parallel_loop3A_333 : vector<16xi1>, vector<16xi32>
      %parallel_loop3A_337 = arith.constant 0 : i32
      %parallel_loop3A_338 = arith.index_cast %parallel_loop3A_337 : i32 to index
      %parallel_loop3A_339 = arith.index_cast %parallel_loop3A_317 : i32 to index
      %parallel_loop3A_340 = tpu.vector_load %arg10[%parallel_loop3A_338, %parallel_loop3A_339] {strides = array<i32>} : memref<4x80xi32, #tpu.memory_space<vmem>>, vector<1x16xi32>,
      %parallel_loop3A_341 = vector.shape_cast %parallel_loop3A_340 : vector<1x16xi32> to vector<16xi32>
      %parallel_loop3A_342 = vector.shape_cast %parallel_loop3A_336 : vector<16xi32> to vector<1x16xi32>
      tpu.vector_store %arg10[%parallel_loop3A_338, %parallel_loop3A_339], %parallel_loop3A_342 {strides = array<i32>} : memref<4x80xi32, #tpu.memory_space<vmem>>, vector<1x16xi32>,
    } {sc.loop_unroll_factor = 1 : i64, sc.parallel_access}
    %mul3A_109 = arith.constant 320 : i32
    %mul3A_110 = arith.muli %add3A, %mul3A_109 : i32
    %add3A_111 = arith.constant 0 : i32
    %add3A_112 = arith.addi %mul3A_110, %add3A_111 : i32
    %dma_start3A_113 = arith.constant 0 : i32
    %dma_start3A_114 = arith.constant 0 : i32
    %dma_start3A_115 = arith.constant 0 : i32
    %dma_start3A_116 = arith.constant 0 : i32
    %dma_start3A_117 = arith.constant 0 : i32
    %dma_start3A_118 = tpu.memref_slice %arg12[%dma_start3A_114, %dma_start3A_116, %dma_start3A_117] : memref<4x80x128xf32, #tpu.memory_space<vmem>> -> memref<1x80x128xf32, #tpu.memory_space<vmem>>
    %dma_start3A_119 = tpu.memref_squeeze %dma_start3A_118 : memref<1x80x128xf32, #tpu.memory_space<vmem>> -> memref<80x128xf32, #tpu.memory_space<vmem>>
    %dma_start3A_120 = arith.constant 0 : i32
    %dma_start3A_121 = tpu.memref_slice %arg10[%dma_start3A_113, %dma_start3A_120] : memref<4x80xi32, #tpu.memory_space<vmem>> -> memref<1x80xi32, #tpu.memory_space<vmem>>
    %dma_start3A_122 = tpu.memref_squeeze %dma_start3A_121 : memref<1x80xi32, #tpu.memory_space<vmem>> -> memref<80xi32, #tpu.memory_space<vmem>>
    %dma_start3A_123 = arith.constant 0 : i32
    %dma_start3A_124 = arith.constant 0 : i32
    %dma_start3A_125 = tpu.memref_slice %arg7[%dma_start3A_123, %dma_start3A_124] : memref<5001x128xf32, #tpu.memory_space<vmem_shared>> -> memref<5001x128xf32, #tpu.memory_space<vmem_shared>>
    %dma_start3A_126 = tpu.memref_slice %arg14[%dma_start3A_115] : memref<4x!tpu.dma_semaphore, #tpu.memory_space<semaphore_mem>> -> memref<1x!tpu.dma_semaphore, #tpu.memory_space<semaphore_mem>>
    %dma_start3A_127 = tpu.memref_squeeze %dma_start3A_126 : memref<1x!tpu.dma_semaphore, #tpu.memory_space<semaphore_mem>> -> memref<!tpu.dma_semaphore, #tpu.memory_space<semaphore_mem>>
    tpu.enqueue_indirect_dma source(%dma_start3A_125 : memref<5001x128xf32, #tpu.memory_space<vmem_shared>>) target(%dma_start3A_119 : memref<80x128xf32, #tpu.memory_space<vmem>>) offsets(%dma_start3A_122 : memref<80xi32, #tpu.memory_space<vmem>>) semaphore(%dma_start3A_127 : memref<!tpu.dma_semaphore, #tpu.memory_space<semaphore_mem>>)
    %dma_start3A_128 = arith.constant 0 : i32
    %dma_start3A_129 = arith.constant 0 : i32
    %dma_start3A_130 = arith.constant 0 : i32
    %dma_start3A_131 = arith.constant 0 : i32
    %dma_start3A_132 = tpu.memref_slice %arg11[%dma_start3A_128, %dma_start3A_130, %dma_start3A_131] : memref<4x80x128xf32, #tpu.memory_space<vmem>> -> memref<1x80x128xf32, #tpu.memory_space<vmem>>
    %dma_start3A_133 = tpu.memref_squeeze %dma_start3A_132 : memref<1x80x128xf32, #tpu.memory_space<vmem>> -> memref<80x128xf32, #tpu.memory_space<vmem>>
    %dma_start3A_134 = arith.constant 0 : i32
    %dma_start3A_135 = arith.constant 0 : i32
    %dma_start3A_136 = tpu.memref_slice %arg2[%add3A_112, %dma_start3A_134, %dma_start3A_135] : memref<10240x80x128xf32, #tpu.memory_space<hbm>> -> memref<1x80x128xf32, #tpu.memory_space<hbm>>
    %dma_start3A_137 = tpu.memref_squeeze %dma_start3A_136 : memref<1x80x128xf32, #tpu.memory_space<hbm>> -> memref<80x128xf32, #tpu.memory_space<hbm>>
    %dma_start3A_138 = tpu.memref_slice %arg15[%dma_start3A_129] : memref<4x!tpu.dma_semaphore, #tpu.memory_space<semaphore_mem>> -> memref<1x!tpu.dma_semaphore, #tpu.memory_space<semaphore_mem>>
    %dma_start3A_139 = tpu.memref_squeeze %dma_start3A_138 : memref<1x!tpu.dma_semaphore, #tpu.memory_space<semaphore_mem>> -> memref<!tpu.dma_semaphore, #tpu.memory_space<semaphore_mem>>
    %dma_start3A_140 = arith.constant 0 : i32
    %dma_start3A_141 = arith.constant 0 : i32
    %dma_start3A_142 = tpu.memref_slice %arg11[%dma_start3A_128, %dma_start3A_140, %dma_start3A_141] : memref<4x80x128xf32, #tpu.memory_space<vmem>> -> memref<1x80x128xf32, #tpu.memory_space<vmem>>
    %dma_start3A_143 = tpu.memref_squeeze %dma_start3A_142 : memref<1x80x128xf32, #tpu.memory_space<vmem>> -> memref<80x128xf32, #tpu.memory_space<vmem>>
    %dma_start3A_144 = arith.constant 0 : i32
    %dma_start3A_145 = arith.constant 0 : i32
    %dma_start3A_146 = tpu.memref_slice %arg2[%add3A_112, %dma_start3A_144, %dma_start3A_145] : memref<10240x80x128xf32, #tpu.memory_space<hbm>> -> memref<1x80x128xf32, #tpu.memory_space<hbm>>
    %dma_start3A_147 = tpu.memref_squeeze %dma_start3A_146 : memref<1x80x128xf32, #tpu.memory_space<hbm>> -> memref<80x128xf32, #tpu.memory_space<hbm>>
    tpu.enqueue_dma source(%dma_start3A_147 : memref<80x128xf32, #tpu.memory_space<hbm>>) target(%dma_start3A_143 : memref<80x128xf32, #tpu.memory_space<vmem>>) target_semaphore(%dma_start3A_139 : memref<!tpu.dma_semaphore, #tpu.memory_space<semaphore_mem>>)
    %add3A_148 = arith.constant 80 : i32
    %add3A_149 = arith.addi %mul3A_2, %add3A_148 : i32
    %dma_wait3A_150 = arith.constant 1 : i32
    %dma_wait3A_151 = arith.constant 1 : i32
    %dma_wait3A_152 = arith.constant 0 : i32
    %dma_wait3A_153 = tpu.memref_slice %arg8[%dma_wait3A_150, %dma_wait3A_152] : memref<4x80xi32, #tpu.memory_space<vmem>> -> memref<1x80xi32, #tpu.memory_space<vmem>>
    %dma_wait3A_154 = tpu.memref_squeeze %dma_wait3A_153 : memref<1x80xi32, #tpu.memory_space<vmem>> -> memref<80xi32, #tpu.memory_space<vmem>>
    %dma_wait3A_155 = tpu.memref_slice %arg3[%add3A_149] : memref<819200xi32, #tpu.memory_space<hbm>> -> memref<80xi32, #tpu.memory_space<hbm>>
    %dma_wait3A_156 = tpu.memref_slice %arg13[%dma_wait3A_151] : memref<4x!tpu.dma_semaphore, #tpu.memory_space<semaphore_mem>> -> memref<1x!tpu.dma_semaphore, #tpu.memory_space<semaphore_mem>>
    %dma_wait3A_157 = tpu.memref_squeeze %dma_wait3A_156 : memref<1x!tpu.dma_semaphore, #tpu.memory_space<semaphore_mem>> -> memref<!tpu.dma_semaphore, #tpu.memory_space<semaphore_mem>>
    %dma_wait3A_158 = arith.constant 0 : i32
    %dma_wait3A_159 = tpu.memref_slice %arg8[%dma_wait3A_150, %dma_wait3A_158] : memref<4x80xi32, #tpu.memory_space<vmem>> -> memref<1x80xi32, #tpu.memory_space<vmem>>
    %dma_wait3A_160 = tpu.memref_squeeze %dma_wait3A_159 : memref<1x80xi32, #tpu.memory_space<vmem>> -> memref<80xi32, #tpu.memory_space<vmem>>
    %dma_wait3A_161 = tpu.memref_slice %arg3[%add3A_149] : memref<819200xi32, #tpu.memory_space<hbm>> -> memref<80xi32, #tpu.memory_space<hbm>>
    tpu.wait_dma2 semaphore(%dma_wait3A_157 : memref<!tpu.dma_semaphore, #tpu.memory_space<semaphore_mem>>) src(%dma_wait3A_161 : memref<80xi32, #tpu.memory_space<hbm>>) dst(%dma_wait3A_160 : memref<80xi32, #tpu.memory_space<vmem>>)
    %dma_wait3A_162 = arith.constant 1 : i32
    %dma_wait3A_163 = arith.constant 1 : i32
    %dma_wait3A_164 = arith.constant 0 : i32
    %dma_wait3A_165 = tpu.memref_slice %arg9[%dma_wait3A_162, %dma_wait3A_164] : memref<4x80xi32, #tpu.memory_space<vmem>> -> memref<1x80xi32, #tpu.memory_space<vmem>>
    %dma_wait3A_166 = tpu.memref_squeeze %dma_wait3A_165 : memref<1x80xi32, #tpu.memory_space<vmem>> -> memref<80xi32, #tpu.memory_space<vmem>>
    %dma_wait3A_167 = tpu.memref_slice %arg4[%add3A_149] : memref<819200xi32, #tpu.memory_space<hbm>> -> memref<80xi32, #tpu.memory_space<hbm>>
    %dma_wait3A_168 = tpu.memref_slice %arg13[%dma_wait3A_163] : memref<4x!tpu.dma_semaphore, #tpu.memory_space<semaphore_mem>> -> memref<1x!tpu.dma_semaphore, #tpu.memory_space<semaphore_mem>>
    %dma_wait3A_169 = tpu.memref_squeeze %dma_wait3A_168 : memref<1x!tpu.dma_semaphore, #tpu.memory_space<semaphore_mem>> -> memref<!tpu.dma_semaphore, #tpu.memory_space<semaphore_mem>>
    %dma_wait3A_170 = arith.constant 0 : i32
    %dma_wait3A_171 = tpu.memref_slice %arg9[%dma_wait3A_162, %dma_wait3A_170] : memref<4x80xi32, #tpu.memory_space<vmem>> -> memref<1x80xi32, #tpu.memory_space<vmem>>
    %dma_wait3A_172 = tpu.memref_squeeze %dma_wait3A_171 : memref<1x80xi32, #tpu.memory_space<vmem>> -> memref<80xi32, #tpu.memory_space<vmem>>
    %dma_wait3A_173 = tpu.memref_slice %arg4[%add3A_149] : memref<819200xi32, #tpu.memory_space<hbm>> -> memref<80xi32, #tpu.memory_space<hbm>>
    tpu.wait_dma2 semaphore(%dma_wait3A_169 : memref<!tpu.dma_semaphore, #tpu.memory_space<semaphore_mem>>) src(%dma_wait3A_173 : memref<80xi32, #tpu.memory_space<hbm>>) dst(%dma_wait3A_172 : memref<80xi32, #tpu.memory_space<vmem>>)
    %parallel_loop3A_174 = arith.constant 0 : i32
    %parallel_loop3A_175 = arith.constant 80 : i32
    %parallel_loop3A_176 = arith.constant 16 : i32
    scf.for %parallel_loop3A_317 = %parallel_loop3A_174 to %parallel_loop3A_175 step %parallel_loop3A_176  : i32 {
      %parallel_loop3A_318 = arith.constant 1 : i32
      %parallel_loop3A_319 = arith.index_cast %parallel_loop3A_318 : i32 to index
      %parallel_loop3A_320 = arith.index_cast %parallel_loop3A_317 : i32 to index
      %parallel_loop3A_321 = tpu.vector_load %arg9[%parallel_loop3A_319, %parallel_loop3A_320] {strides = array<i32>} : memref<4x80xi32, #tpu.memory_space<vmem>>, vector<1x16xi32>,
      %parallel_loop3A_322 = vector.shape_cast %parallel_loop3A_321 : vector<1x16xi32> to vector<16xi32>
      %parallel_loop3A_323 = arith.constant 0 : i32
      %parallel_loop3A_324 = vector.broadcast %parallel_loop3A_323 : i32 to vector<16xi32>
      %parallel_loop3A_325 = arith.cmpi ne, %parallel_loop3A_322, %parallel_loop3A_324 : vector<16xi32>
      %parallel_loop3A_326 = arith.constant 1 : i32
      %parallel_loop3A_327 = arith.index_cast %parallel_loop3A_326 : i32 to index
      %parallel_loop3A_328 = arith.index_cast %parallel_loop3A_317 : i32 to index
      %parallel_loop3A_329 = tpu.vector_load %arg8[%parallel_loop3A_327, %parallel_loop3A_328] {strides = array<i32>} : memref<4x80xi32, #tpu.memory_space<vmem>>, vector<1x16xi32>,
      %parallel_loop3A_330 = vector.shape_cast %parallel_loop3A_329 : vector<1x16xi32> to vector<16xi32>
      %parallel_loop3A_331 = arith.constant 5000 : i32
      %parallel_loop3A_332 = vector.broadcast %parallel_loop3A_331 : i32 to vector<16xi32>
      %parallel_loop3A_333 = arith.minsi %parallel_loop3A_330, %parallel_loop3A_332 : vector<16xi32>
      %parallel_loop3A_334 = arith.constant 5000 : i32
      %parallel_loop3A_335 = vector.broadcast %parallel_loop3A_334 : i32 to vector<16xi32>
      %parallel_loop3A_336 = arith.select %parallel_loop3A_325, %parallel_loop3A_335, %parallel_loop3A_333 : vector<16xi1>, vector<16xi32>
      %parallel_loop3A_337 = arith.constant 1 : i32
      %parallel_loop3A_338 = arith.index_cast %parallel_loop3A_337 : i32 to index
      %parallel_loop3A_339 = arith.index_cast %parallel_loop3A_317 : i32 to index
      %parallel_loop3A_340 = tpu.vector_load %arg10[%parallel_loop3A_338, %parallel_loop3A_339] {strides = array<i32>} : memref<4x80xi32, #tpu.memory_space<vmem>>, vector<1x16xi32>,
      %parallel_loop3A_341 = vector.shape_cast %parallel_loop3A_340 : vector<1x16xi32> to vector<16xi32>
      %parallel_loop3A_342 = vector.shape_cast %parallel_loop3A_336 : vector<16xi32> to vector<1x16xi32>
      tpu.vector_store %arg10[%parallel_loop3A_338, %parallel_loop3A_339], %parallel_loop3A_342 {strides = array<i32>} : memref<4x80xi32, #tpu.memory_space<vmem>>, vector<1x16xi32>,
    } {sc.loop_unroll_factor = 1 : i64, sc.parallel_access}
    %mul3A_177 = arith.constant 320 : i32
    %mul3A_178 = arith.muli %add3A, %mul3A_177 : i32
    %add3A_179 = arith.constant 1 : i32
    %add3A_180 = arith.addi %mul3A_178, %add3A_179 : i32
    %dma_start3A_181 = arith.constant 1 : i32
    %dma_start3A_182 = arith.constant 1 : i32
    %dma_start3A_183 = arith.constant 1 : i32
    %dma_start3A_184 = arith.constant 0 : i32
    %dma_start3A_185 = arith.constant 0 : i32
    %dma_start3A_186 = tpu.memref_slice %arg12[%dma_start3A_182, %dma_start3A_184, %dma_start3A_185] : memref<4x80x128xf32, #tpu.memory_space<vmem>> -> memref<1x80x128xf32, #tpu.memory_space<vmem>>
    %dma_start3A_187 = tpu.memref_squeeze %dma_start3A_186 : memref<1x80x128xf32, #tpu.memory_space<vmem>> -> memref<80x128xf32, #tpu.memory_space<vmem>>
    %dma_start3A_188 = arith.constant 0 : i32
    %dma_start3A_189 = tpu.memref_slice %arg10[%dma_start3A_181, %dma_start3A_188] : memref<4x80xi32, #tpu.memory_space<vmem>> -> memref<1x80xi32, #tpu.memory_space<vmem>>
    %dma_start3A_190 = tpu.memref_squeeze %dma_start3A_189 : memref<1x80xi32, #tpu.memory_space<vmem>> -> memref<80xi32, #tpu.memory_space<vmem>>
    %dma_start3A_191 = arith.constant 0 : i32
    %dma_start3A_192 = arith.constant 0 : i32
    %dma_start3A_193 = tpu.memref_slice %arg7[%dma_start3A_191, %dma_start3A_192] : memref<5001x128xf32, #tpu.memory_space<vmem_shared>> -> memref<5001x128xf32, #tpu.memory_space<vmem_shared>>
    %dma_start3A_194 = tpu.memref_slice %arg14[%dma_start3A_183] : memref<4x!tpu.dma_semaphore, #tpu.memory_space<semaphore_mem>> -> memref<1x!tpu.dma_semaphore, #tpu.memory_space<semaphore_mem>>
    %dma_start3A_195 = tpu.memref_squeeze %dma_start3A_194 : memref<1x!tpu.dma_semaphore, #tpu.memory_space<semaphore_mem>> -> memref<!tpu.dma_semaphore, #tpu.memory_space<semaphore_mem>>
    tpu.enqueue_indirect_dma source(%dma_start3A_193 : memref<5001x128xf32, #tpu.memory_space<vmem_shared>>) target(%dma_start3A_187 : memref<80x128xf32, #tpu.memory_space<vmem>>) offsets(%dma_start3A_190 : memref<80xi32, #tpu.memory_space<vmem>>) semaphore(%dma_start3A_195 : memref<!tpu.dma_semaphore, #tpu.memory_space<semaphore_mem>>)
    %dma_start3A_196 = arith.constant 1 : i32
    %dma_start3A_197 = arith.constant 1 : i32
    %dma_start3A_198 = arith.constant 0 : i32
    %dma_start3A_199 = arith.constant 0 : i32
    %dma_start3A_200 = tpu.memref_slice %arg11[%dma_start3A_196, %dma_start3A_198, %dma_start3A_199] : memref<4x80x128xf32, #tpu.memory_space<vmem>> -> memref<1x80x128xf32, #tpu.memory_space<vmem>>
    %dma_start3A_201 = tpu.memref_squeeze %dma_start3A_200 : memref<1x80x128xf32, #tpu.memory_space<vmem>> -> memref<80x128xf32, #tpu.memory_space<vmem>>
    %dma_start3A_202 = arith.constant 0 : i32
    %dma_start3A_203 = arith.constant 0 : i32
    %dma_start3A_204 = tpu.memref_slice %arg2[%add3A_180, %dma_start3A_202, %dma_start3A_203] : memref<10240x80x128xf32, #tpu.memory_space<hbm>> -> memref<1x80x128xf32, #tpu.memory_space<hbm>>
    %dma_start3A_205 = tpu.memref_squeeze %dma_start3A_204 : memref<1x80x128xf32, #tpu.memory_space<hbm>> -> memref<80x128xf32, #tpu.memory_space<hbm>>
    %dma_start3A_206 = tpu.memref_slice %arg15[%dma_start3A_197] : memref<4x!tpu.dma_semaphore, #tpu.memory_space<semaphore_mem>> -> memref<1x!tpu.dma_semaphore, #tpu.memory_space<semaphore_mem>>
    %dma_start3A_207 = tpu.memref_squeeze %dma_start3A_206 : memref<1x!tpu.dma_semaphore, #tpu.memory_space<semaphore_mem>> -> memref<!tpu.dma_semaphore, #tpu.memory_space<semaphore_mem>>
    %dma_start3A_208 = arith.constant 0 : i32
    %dma_start3A_209 = arith.constant 0 : i32
    %dma_start3A_210 = tpu.memref_slice %arg11[%dma_start3A_196, %dma_start3A_208, %dma_start3A_209] : memref<4x80x128xf32, #tpu.memory_space<vmem>> -> memref<1x80x128xf32, #tpu.memory_space<vmem>>
    %dma_start3A_211 = tpu.memref_squeeze %dma_start3A_210 : memref<1x80x128xf32, #tpu.memory_space<vmem>> -> memref<80x128xf32, #tpu.memory_space<vmem>>
    %dma_start3A_212 = arith.constant 0 : i32
    %dma_start3A_213 = arith.constant 0 : i32
    %dma_start3A_214 = tpu.memref_slice %arg2[%add3A_180, %dma_start3A_212, %dma_start3A_213] : memref<10240x80x128xf32, #tpu.memory_space<hbm>> -> memref<1x80x128xf32, #tpu.memory_space<hbm>>
    %dma_start3A_215 = tpu.memref_squeeze %dma_start3A_214 : memref<1x80x128xf32, #tpu.memory_space<hbm>> -> memref<80x128xf32, #tpu.memory_space<hbm>>
    tpu.enqueue_dma source(%dma_start3A_215 : memref<80x128xf32, #tpu.memory_space<hbm>>) target(%dma_start3A_211 : memref<80x128xf32, #tpu.memory_space<vmem>>) target_semaphore(%dma_start3A_207 : memref<!tpu.dma_semaphore, #tpu.memory_space<semaphore_mem>>)
    %scan3A = arith.constant 0 : i32
    %scan3A_216 = arith.constant 0 : i32
    %scan3A_217 = arith.constant 80 : i32
    %scan3A_218 = arith.addi %scan3A_216, %scan3A_217 : i32
    %scan3A_219 = arith.constant 1 : i32
    scf.for %scan3A_317 = %scan3A_216 to %scan3A_218 step %scan3A_219  : i32 {
      %mul3A_318 = arith.constant 4 : i32
      %mul3A_319 = arith.muli %mul3A_318, %scan3A_317 : i32
      %add3A_320 = arith.constant 0 : i32
      %add3A_321 = arith.addi %mul3A_319, %add3A_320 : i32
      %add3A_322 = arith.constant 3 : i32
      %add3A_323 = arith.addi %add3A_321, %add3A_322 : i32
      %lt3A = arith.constant 320 : i32
      %lt3A_324 = arith.cmpi slt, %add3A_323, %lt3A : i32
      %convert_element_type3A_325 = arith.extui %lt3A_324 : i1 to i32
      %cond3A_326 = arith.constant 0 : i32
      %cond3A_327 = arith.cmpi ne, %convert_element_type3A_325, %cond3A_326 : i32
      scf.if %cond3A_327 {
        %add3A_645 = arith.constant 3 : i32
        %add3A_646 = arith.addi %add3A_321, %add3A_645 : i32
        %mul3A_647 = arith.constant 80 : i32
        %mul3A_648 = arith.muli %add3A_646, %mul3A_647 : i32
        %add3A_649 = arith.addi %mul3A_2, %mul3A_648 : i32
        %dma_start3A_650 = arith.constant 3 : i32
        %dma_start3A_651 = arith.constant 3 : i32
        %dma_start3A_652 = arith.constant 0 : i32
        %dma_start3A_653 = tpu.memref_slice %arg8[%dma_start3A_650, %dma_start3A_652] : memref<4x80xi32, #tpu.memory_space<vmem>> -> memref<1x80xi32, #tpu.memory_space<vmem>>
        %dma_start3A_654 = tpu.memref_squeeze %dma_start3A_653 : memref<1x80xi32, #tpu.memory_space<vmem>> -> memref<80xi32, #tpu.memory_space<vmem>>
        %dma_start3A_655 = tpu.memref_slice %arg3[%add3A_649] : memref<819200xi32, #tpu.memory_space<hbm>> -> memref<80xi32, #tpu.memory_space<hbm>>
        %dma_start3A_656 = tpu.memref_slice %arg13[%dma_start3A_651] : memref<4x!tpu.dma_semaphore, #tpu.memory_space<semaphore_mem>> -> memref<1x!tpu.dma_semaphore, #tpu.memory_space<semaphore_mem>>
        %dma_start3A_657 = tpu.memref_squeeze %dma_start3A_656 : memref<1x!tpu.dma_semaphore, #tpu.memory_space<semaphore_mem>> -> memref<!tpu.dma_semaphore, #tpu.memory_space<semaphore_mem>>
        %dma_start3A_658 = arith.constant 0 : i32
        %dma_start3A_659 = tpu.memref_slice %arg8[%dma_start3A_650, %dma_start3A_658] : memref<4x80xi32, #tpu.memory_space<vmem>> -> memref<1x80xi32, #tpu.memory_space<vmem>>
        %dma_start3A_660 = tpu.memref_squeeze %dma_start3A_659 : memref<1x80xi32, #tpu.memory_space<vmem>> -> memref<80xi32, #tpu.memory_space<vmem>>
        %dma_start3A_661 = tpu.memref_slice %arg3[%add3A_649] : memref<819200xi32, #tpu.memory_space<hbm>> -> memref<80xi32, #tpu.memory_space<hbm>>
        tpu.enqueue_dma source(%dma_start3A_661 : memref<80xi32, #tpu.memory_space<hbm>>) target(%dma_start3A_660 : memref<80xi32, #tpu.memory_space<vmem>>) target_semaphore(%dma_start3A_657 : memref<!tpu.dma_semaphore, #tpu.memory_space<semaphore_mem>>)
        %dma_start3A_662 = arith.constant 3 : i32
        %dma_start3A_663 = arith.constant 3 : i32
        %dma_start3A_664 = arith.constant 0 : i32
        %dma_start3A_665 = tpu.memref_slice %arg9[%dma_start3A_662, %dma_start3A_664] : memref<4x80xi32, #tpu.memory_space<vmem>> -> memref<1x80xi32, #tpu.memory_space<vmem>>
        %dma_start3A_666 = tpu.memref_squeeze %dma_start3A_665 : memref<1x80xi32, #tpu.memory_space<vmem>> -> memref<80xi32, #tpu.memory_space<vmem>>
        %dma_start3A_667 = tpu.memref_slice %arg4[%add3A_649] : memref<819200xi32, #tpu.memory_space<hbm>> -> memref<80xi32, #tpu.memory_space<hbm>>
        %dma_start3A_668 = tpu.memref_slice %arg13[%dma_start3A_663] : memref<4x!tpu.dma_semaphore, #tpu.memory_space<semaphore_mem>> -> memref<1x!tpu.dma_semaphore, #tpu.memory_space<semaphore_mem>>
        %dma_start3A_669 = tpu.memref_squeeze %dma_start3A_668 : memref<1x!tpu.dma_semaphore, #tpu.memory_space<semaphore_mem>> -> memref<!tpu.dma_semaphore, #tpu.memory_space<semaphore_mem>>
        %dma_start3A_670 = arith.constant 0 : i32
        %dma_start3A_671 = tpu.memref_slice %arg9[%dma_start3A_662, %dma_start3A_670] : memref<4x80xi32, #tpu.memory_space<vmem>> -> memref<1x80xi32, #tpu.memory_space<vmem>>
        %dma_start3A_672 = tpu.memref_squeeze %dma_start3A_671 : memref<1x80xi32, #tpu.memory_space<vmem>> -> memref<80xi32, #tpu.memory_space<vmem>>
        %dma_start3A_673 = tpu.memref_slice %arg4[%add3A_649] : memref<819200xi32, #tpu.memory_space<hbm>> -> memref<80xi32, #tpu.memory_space<hbm>>
        tpu.enqueue_dma source(%dma_start3A_673 : memref<80xi32, #tpu.memory_space<hbm>>) target(%dma_start3A_672 : memref<80xi32, #tpu.memory_space<vmem>>) target_semaphore(%dma_start3A_669 : memref<!tpu.dma_semaphore, #tpu.memory_space<semaphore_mem>>)
      } else {
      }
      %add3A_328 = arith.constant 2 : i32
      %add3A_329 = arith.addi %add3A_321, %add3A_328 : i32
      %lt3A_330 = arith.constant 320 : i32
      %lt3A_331 = arith.cmpi slt, %add3A_329, %lt3A_330 : i32
      %convert_element_type3A_332 = arith.extui %lt3A_331 : i1 to i32
      %cond3A_333 = arith.constant 0 : i32
      %cond3A_334 = arith.cmpi ne, %convert_element_type3A_332, %cond3A_333 : i32
      scf.if %cond3A_334 {
        %add3A_645 = arith.constant 2 : i32
        %add3A_646 = arith.addi %add3A_321, %add3A_645 : i32
        %jit3A = arith.constant 4 : i32
        %eq3A_647 = arith.constant 0 : i32
        %eq3A_648 = arith.cmpi eq, %jit3A, %eq3A_647 : i32
        %jit3A_649 = arith.constant 1 : i32
        %select_n3A = arith.select %eq3A_648, %jit3A_649, %jit3A : i32
        %rem3A = arith.remsi %add3A_646, %select_n3A : i32
        %ne3A = arith.constant 0 : i32
        %ne3A_650 = arith.cmpi ne, %rem3A, %ne3A : i32
        %lt3A_651 = arith.constant 0 : i32
        %lt3A_652 = arith.cmpi slt, %rem3A, %lt3A_651 : i32
        %lt3A_653 = arith.constant 0 : i32
        %lt3A_654 = arith.cmpi slt, %select_n3A, %lt3A_653 : i32
        %ne3A_655 = arith.xori %lt3A_652, %lt3A_654 : i1
        %and3A = arith.andi %ne3A_655, %ne3A_650 : i1
        %add3A_656 = arith.addi %rem3A, %select_n3A : i32
        %select_n3A_657 = arith.select %and3A, %add3A_656, %rem3A : i32
        %mul3A_658 = arith.constant 80 : i32
        %mul3A_659 = arith.muli %add3A_646, %mul3A_658 : i32
        %add3A_660 = arith.addi %mul3A_2, %mul3A_659 : i32
        %dma_wait3A_661 = arith.constant 0 : i32
        %dma_wait3A_662 = tpu.memref_slice %arg8[%select_n3A_657, %dma_wait3A_661] : memref<4x80xi32, #tpu.memory_space<vmem>> -> memref<1x80xi32, #tpu.memory_space<vmem>>
        %dma_wait3A_663 = tpu.memref_squeeze %dma_wait3A_662 : memref<1x80xi32, #tpu.memory_space<vmem>> -> memref<80xi32, #tpu.memory_space<vmem>>
        %dma_wait3A_664 = tpu.memref_slice %arg3[%add3A_660] : memref<819200xi32, #tpu.memory_space<hbm>> -> memref<80xi32, #tpu.memory_space<hbm>>
        %dma_wait3A_665 = tpu.memref_slice %arg13[%select_n3A_657] : memref<4x!tpu.dma_semaphore, #tpu.memory_space<semaphore_mem>> -> memref<1x!tpu.dma_semaphore, #tpu.memory_space<semaphore_mem>>
        %dma_wait3A_666 = tpu.memref_squeeze %dma_wait3A_665 : memref<1x!tpu.dma_semaphore, #tpu.memory_space<semaphore_mem>> -> memref<!tpu.dma_semaphore, #tpu.memory_space<semaphore_mem>>
        %dma_wait3A_667 = arith.constant 0 : i32
        %dma_wait3A_668 = tpu.memref_slice %arg8[%select_n3A_657, %dma_wait3A_667] : memref<4x80xi32, #tpu.memory_space<vmem>> -> memref<1x80xi32, #tpu.memory_space<vmem>>
        %dma_wait3A_669 = tpu.memref_squeeze %dma_wait3A_668 : memref<1x80xi32, #tpu.memory_space<vmem>> -> memref<80xi32, #tpu.memory_space<vmem>>
        %dma_wait3A_670 = tpu.memref_slice %arg3[%add3A_660] : memref<819200xi32, #tpu.memory_space<hbm>> -> memref<80xi32, #tpu.memory_space<hbm>>
        tpu.wait_dma2 semaphore(%dma_wait3A_666 : memref<!tpu.dma_semaphore, #tpu.memory_space<semaphore_mem>>) src(%dma_wait3A_670 : memref<80xi32, #tpu.memory_space<hbm>>) dst(%dma_wait3A_669 : memref<80xi32, #tpu.memory_space<vmem>>)
        %dma_wait3A_671 = arith.constant 0 : i32
        %dma_wait3A_672 = tpu.memref_slice %arg9[%select_n3A_657, %dma_wait3A_671] : memref<4x80xi32, #tpu.memory_space<vmem>> -> memref<1x80xi32, #tpu.memory_space<vmem>>
        %dma_wait3A_673 = tpu.memref_squeeze %dma_wait3A_672 : memref<1x80xi32, #tpu.memory_space<vmem>> -> memref<80xi32, #tpu.memory_space<vmem>>
        %dma_wait3A_674 = tpu.memref_slice %arg4[%add3A_660] : memref<819200xi32, #tpu.memory_space<hbm>> -> memref<80xi32, #tpu.memory_space<hbm>>
        %dma_wait3A_675 = tpu.memref_slice %arg13[%select_n3A_657] : memref<4x!tpu.dma_semaphore, #tpu.memory_space<semaphore_mem>> -> memref<1x!tpu.dma_semaphore, #tpu.memory_space<semaphore_mem>>
        %dma_wait3A_676 = tpu.memref_squeeze %dma_wait3A_675 : memref<1x!tpu.dma_semaphore, #tpu.memory_space<semaphore_mem>> -> memref<!tpu.dma_semaphore, #tpu.memory_space<semaphore_mem>>
        %dma_wait3A_677 = arith.constant 0 : i32
        %dma_wait3A_678 = tpu.memref_slice %arg9[%select_n3A_657, %dma_wait3A_677] : memref<4x80xi32, #tpu.memory_space<vmem>> -> memref<1x80xi32, #tpu.memory_space<vmem>>
        %dma_wait3A_679 = tpu.memref_squeeze %dma_wait3A_678 : memref<1x80xi32, #tpu.memory_space<vmem>> -> memref<80xi32, #tpu.memory_space<vmem>>
        %dma_wait3A_680 = tpu.memref_slice %arg4[%add3A_660] : memref<819200xi32, #tpu.memory_space<hbm>> -> memref<80xi32, #tpu.memory_space<hbm>>
        tpu.wait_dma2 semaphore(%dma_wait3A_676 : memref<!tpu.dma_semaphore, #tpu.memory_space<semaphore_mem>>) src(%dma_wait3A_680 : memref<80xi32, #tpu.memory_space<hbm>>) dst(%dma_wait3A_679 : memref<80xi32, #tpu.memory_space<vmem>>)
        %parallel_loop3A_681 = arith.constant 0 : i32
        %parallel_loop3A_682 = arith.constant 80 : i32
        %parallel_loop3A_683 = arith.constant 16 : i32
        scf.for %parallel_loop3A_721 = %parallel_loop3A_681 to %parallel_loop3A_682 step %parallel_loop3A_683  : i32 {
          %parallel_loop3A_722 = arith.index_cast %select_n3A_657 : i32 to index
          %parallel_loop3A_723 = arith.index_cast %parallel_loop3A_721 : i32 to index
          %parallel_loop3A_724 = tpu.vector_load %arg9[%parallel_loop3A_722, %parallel_loop3A_723] {strides = array<i32>} : memref<4x80xi32, #tpu.memory_space<vmem>>, vector<1x16xi32>,
          %parallel_loop3A_725 = vector.shape_cast %parallel_loop3A_724 : vector<1x16xi32> to vector<16xi32>
          %parallel_loop3A_726 = arith.constant 0 : i32
          %parallel_loop3A_727 = vector.broadcast %parallel_loop3A_726 : i32 to vector<16xi32>
          %parallel_loop3A_728 = arith.cmpi ne, %parallel_loop3A_725, %parallel_loop3A_727 : vector<16xi32>
          %parallel_loop3A_729 = arith.index_cast %select_n3A_657 : i32 to index
          %parallel_loop3A_730 = arith.index_cast %parallel_loop3A_721 : i32 to index
          %parallel_loop3A_731 = tpu.vector_load %arg8[%parallel_loop3A_729, %parallel_loop3A_730] {strides = array<i32>} : memref<4x80xi32, #tpu.memory_space<vmem>>, vector<1x16xi32>,
          %parallel_loop3A_732 = vector.shape_cast %parallel_loop3A_731 : vector<1x16xi32> to vector<16xi32>
          %parallel_loop3A_733 = arith.constant 5000 : i32
          %parallel_loop3A_734 = vector.broadcast %parallel_loop3A_733 : i32 to vector<16xi32>
          %parallel_loop3A_735 = arith.minsi %parallel_loop3A_732, %parallel_loop3A_734 : vector<16xi32>
          %parallel_loop3A_736 = arith.constant 5000 : i32
          %parallel_loop3A_737 = vector.broadcast %parallel_loop3A_736 : i32 to vector<16xi32>
          %parallel_loop3A_738 = arith.select %parallel_loop3A_728, %parallel_loop3A_737, %parallel_loop3A_735 : vector<16xi1>, vector<16xi32>
          %parallel_loop3A_739 = arith.index_cast %select_n3A_657 : i32 to index
          %parallel_loop3A_740 = arith.index_cast %parallel_loop3A_721 : i32 to index
          %parallel_loop3A_741 = tpu.vector_load %arg10[%parallel_loop3A_739, %parallel_loop3A_740] {strides = array<i32>} : memref<4x80xi32, #tpu.memory_space<vmem>>, vector<1x16xi32>,
          %parallel_loop3A_742 = vector.shape_cast %parallel_loop3A_741 : vector<1x16xi32> to vector<16xi32>
          %parallel_loop3A_743 = vector.shape_cast %parallel_loop3A_738 : vector<16xi32> to vector<1x16xi32>
          tpu.vector_store %arg10[%parallel_loop3A_739, %parallel_loop3A_740], %parallel_loop3A_743 {strides = array<i32>} : memref<4x80xi32, #tpu.memory_space<vmem>>, vector<1x16xi32>,
        } {sc.loop_unroll_factor = 1 : i64, sc.parallel_access}
        %ge3A = arith.constant 4 : i32
        %ge3A_684 = arith.cmpi sge, %add3A_646, %ge3A : i32
        %convert_element_type3A_685 = arith.extui %ge3A_684 : i1 to i32
        %cond3A_686 = arith.constant 0 : i32
        %cond3A_687 = arith.cmpi ne, %convert_element_type3A_685, %cond3A_686 : i32
        scf.if %cond3A_687 {
          %sub3A = arith.constant 4 : i32
          %sub3A_721 = arith.subi %add3A_646, %sub3A : i32
          %mul3A_722 = arith.constant 320 : i32
          %mul3A_723 = arith.muli %add3A, %mul3A_722 : i32
          %add3A_724 = arith.addi %mul3A_723, %sub3A_721 : i32
          %dma_wait3A_725 = arith.constant 0 : i32
          %dma_wait3A_726 = arith.constant 0 : i32
          %dma_wait3A_727 = tpu.memref_slice %arg12[%select_n3A_657, %dma_wait3A_725, %dma_wait3A_726] : memref<4x80x128xf32, #tpu.memory_space<vmem>> -> memref<1x80x128xf32, #tpu.memory_space<vmem>>
          %dma_wait3A_728 = tpu.memref_squeeze %dma_wait3A_727 : memref<1x80x128xf32, #tpu.memory_space<vmem>> -> memref<80x128xf32, #tpu.memory_space<vmem>>
          %dma_wait3A_729 = arith.constant 0 : i32
          %dma_wait3A_730 = arith.constant 0 : i32
          %dma_wait3A_731 = tpu.memref_slice %arg6[%add3A_724, %dma_wait3A_729, %dma_wait3A_730] : memref<10240x80x128xf32, #tpu.memory_space<hbm>> -> memref<1x80x128xf32, #tpu.memory_space<hbm>>
          %dma_wait3A_732 = tpu.memref_squeeze %dma_wait3A_731 : memref<1x80x128xf32, #tpu.memory_space<hbm>> -> memref<80x128xf32, #tpu.memory_space<hbm>>
          %dma_wait3A_733 = tpu.memref_slice %arg16[%select_n3A_657] : memref<4x!tpu.dma_semaphore, #tpu.memory_space<semaphore_mem>> -> memref<1x!tpu.dma_semaphore, #tpu.memory_space<semaphore_mem>>
          %dma_wait3A_734 = tpu.memref_squeeze %dma_wait3A_733 : memref<1x!tpu.dma_semaphore, #tpu.memory_space<semaphore_mem>> -> memref<!tpu.dma_semaphore, #tpu.memory_space<semaphore_mem>>
          %dma_wait3A_735 = arith.constant 0 : i32
          %dma_wait3A_736 = arith.constant 0 : i32
          %dma_wait3A_737 = tpu.memref_slice %arg6[%add3A_724, %dma_wait3A_735, %dma_wait3A_736] : memref<10240x80x128xf32, #tpu.memory_space<hbm>> -> memref<1x80x128xf32, #tpu.memory_space<hbm>>
          %dma_wait3A_738 = tpu.memref_squeeze %dma_wait3A_737 : memref<1x80x128xf32, #tpu.memory_space<hbm>> -> memref<80x128xf32, #tpu.memory_space<hbm>>
          %dma_wait3A_739 = arith.constant 0 : i32
          %dma_wait3A_740 = arith.constant 0 : i32
          %dma_wait3A_741 = tpu.memref_slice %arg12[%select_n3A_657, %dma_wait3A_739, %dma_wait3A_740] : memref<4x80x128xf32, #tpu.memory_space<vmem>> -> memref<1x80x128xf32, #tpu.memory_space<vmem>>
          %dma_wait3A_742 = tpu.memref_squeeze %dma_wait3A_741 : memref<1x80x128xf32, #tpu.memory_space<vmem>> -> memref<80x128xf32, #tpu.memory_space<vmem>>
          tpu.wait_dma2 semaphore(%dma_wait3A_734 : memref<!tpu.dma_semaphore, #tpu.memory_space<semaphore_mem>>) src(%dma_wait3A_742 : memref<80x128xf32, #tpu.memory_space<vmem>>) dst(%dma_wait3A_738 : memref<80x128xf32, #tpu.memory_space<hbm>>)
        } else {
        }
        %mul3A_688 = arith.constant 320 : i32
        %mul3A_689 = arith.muli %add3A, %mul3A_688 : i32
        %add3A_690 = arith.addi %mul3A_689, %add3A_646 : i32
        %dma_start3A_691 = arith.constant 0 : i32
        %dma_start3A_692 = arith.constant 0 : i32
        %dma_start3A_693 = tpu.memref_slice %arg12[%select_n3A_657, %dma_start3A_691, %dma_start3A_692] : memref<4x80x128xf32, #tpu.memory_space<vmem>> -> memref<1x80x128xf32, #tpu.memory_space<vmem>>
        %dma_start3A_694 = tpu.memref_squeeze %dma_start3A_693 : memref<1x80x128xf32, #tpu.memory_space<vmem>> -> memref<80x128xf32, #tpu.memory_space<vmem>>
        %dma_start3A_695 = arith.constant 0 : i32
        %dma_start3A_696 = tpu.memref_slice %arg10[%select_n3A_657, %dma_start3A_695] : memref<4x80xi32, #tpu.memory_space<vmem>> -> memref<1x80xi32, #tpu.memory_space<vmem>>
        %dma_start3A_697 = tpu.memref_squeeze %dma_start3A_696 : memref<1x80xi32, #tpu.memory_space<vmem>> -> memref<80xi32, #tpu.memory_space<vmem>>
        %dma_start3A_698 = arith.constant 0 : i32
        %dma_start3A_699 = arith.constant 0 : i32
        %dma_start3A_700 = tpu.memref_slice %arg7[%dma_start3A_698, %dma_start3A_699] : memref<5001x128xf32, #tpu.memory_space<vmem_shared>> -> memref<5001x128xf32, #tpu.memory_space<vmem_shared>>
        %dma_start3A_701 = tpu.memref_slice %arg14[%select_n3A_657] : memref<4x!tpu.dma_semaphore, #tpu.memory_space<semaphore_mem>> -> memref<1x!tpu.dma_semaphore, #tpu.memory_space<semaphore_mem>>
        %dma_start3A_702 = tpu.memref_squeeze %dma_start3A_701 : memref<1x!tpu.dma_semaphore, #tpu.memory_space<semaphore_mem>> -> memref<!tpu.dma_semaphore, #tpu.memory_space<semaphore_mem>>
        tpu.enqueue_indirect_dma source(%dma_start3A_700 : memref<5001x128xf32, #tpu.memory_space<vmem_shared>>) target(%dma_start3A_694 : memref<80x128xf32, #tpu.memory_space<vmem>>) offsets(%dma_start3A_697 : memref<80xi32, #tpu.memory_space<vmem>>) semaphore(%dma_start3A_702 : memref<!tpu.dma_semaphore, #tpu.memory_space<semaphore_mem>>)
        %dma_start3A_703 = arith.constant 0 : i32
        %dma_start3A_704 = arith.constant 0 : i32
        %dma_start3A_705 = tpu.memref_slice %arg11[%select_n3A_657, %dma_start3A_703, %dma_start3A_704] : memref<4x80x128xf32, #tpu.memory_space<vmem>> -> memref<1x80x128xf32, #tpu.memory_space<vmem>>
        %dma_start3A_706 = tpu.memref_squeeze %dma_start3A_705 : memref<1x80x128xf32, #tpu.memory_space<vmem>> -> memref<80x128xf32, #tpu.memory_space<vmem>>
        %dma_start3A_707 = arith.constant 0 : i32
        %dma_start3A_708 = arith.constant 0 : i32
        %dma_start3A_709 = tpu.memref_slice %arg2[%add3A_690, %dma_start3A_707, %dma_start3A_708] : memref<10240x80x128xf32, #tpu.memory_space<hbm>> -> memref<1x80x128xf32, #tpu.memory_space<hbm>>
        %dma_start3A_710 = tpu.memref_squeeze %dma_start3A_709 : memref<1x80x128xf32, #tpu.memory_space<hbm>> -> memref<80x128xf32, #tpu.memory_space<hbm>>
        %dma_start3A_711 = tpu.memref_slice %arg15[%select_n3A_657] : memref<4x!tpu.dma_semaphore, #tpu.memory_space<semaphore_mem>> -> memref<1x!tpu.dma_semaphore, #tpu.memory_space<semaphore_mem>>
        %dma_start3A_712 = tpu.memref_squeeze %dma_start3A_711 : memref<1x!tpu.dma_semaphore, #tpu.memory_space<semaphore_mem>> -> memref<!tpu.dma_semaphore, #tpu.memory_space<semaphore_mem>>
        %dma_start3A_713 = arith.constant 0 : i32
        %dma_start3A_714 = arith.constant 0 : i32
        %dma_start3A_715 = tpu.memref_slice %arg11[%select_n3A_657, %dma_start3A_713, %dma_start3A_714] : memref<4x80x128xf32, #tpu.memory_space<vmem>> -> memref<1x80x128xf32, #tpu.memory_space<vmem>>
        %dma_start3A_716 = tpu.memref_squeeze %dma_start3A_715 : memref<1x80x128xf32, #tpu.memory_space<vmem>> -> memref<80x128xf32, #tpu.memory_space<vmem>>
        %dma_start3A_717 = arith.constant 0 : i32
        %dma_start3A_718 = arith.constant 0 : i32
        %dma_start3A_719 = tpu.memref_slice %arg2[%add3A_690, %dma_start3A_717, %dma_start3A_718] : memref<10240x80x128xf32, #tpu.memory_space<hbm>> -> memref<1x80x128xf32, #tpu.memory_space<hbm>>
        %dma_start3A_720 = tpu.memref_squeeze %dma_start3A_719 : memref<1x80x128xf32, #tpu.memory_space<hbm>> -> memref<80x128xf32, #tpu.memory_space<hbm>>
        tpu.enqueue_dma source(%dma_start3A_720 : memref<80x128xf32, #tpu.memory_space<hbm>>) target(%dma_start3A_716 : memref<80x128xf32, #tpu.memory_space<vmem>>) target_semaphore(%dma_start3A_712 : memref<!tpu.dma_semaphore, #tpu.memory_space<semaphore_mem>>)
      } else {
      }
      %mul3A_335 = arith.constant 320 : i32
      %mul3A_336 = arith.muli %add3A, %mul3A_335 : i32
      %add3A_337 = arith.addi %mul3A_336, %add3A_321 : i32
      %dma_wait3A_338 = arith.constant 0 : i32
      %dma_wait3A_339 = arith.constant 0 : i32
      %dma_wait3A_340 = arith.constant 0 : i32
      %dma_wait3A_341 = arith.constant 0 : i32
      %dma_wait3A_342 = arith.constant 0 : i32
      %dma_wait3A_343 = tpu.memref_slice %arg12[%dma_wait3A_339, %dma_wait3A_341, %dma_wait3A_342] : memref<4x80x128xf32, #tpu.memory_space<vmem>> -> memref<1x80x128xf32, #tpu.memory_space<vmem>>
      %dma_wait3A_344 = tpu.memref_squeeze %dma_wait3A_343 : memref<1x80x128xf32, #tpu.memory_space<vmem>> -> memref<80x128xf32, #tpu.memory_space<vmem>>
      %dma_wait3A_345 = arith.constant 0 : i32
      %dma_wait3A_346 = tpu.memref_slice %arg10[%dma_wait3A_338, %dma_wait3A_345] : memref<4x80xi32, #tpu.memory_space<vmem>> -> memref<1x80xi32, #tpu.memory_space<vmem>>
      %dma_wait3A_347 = tpu.memref_squeeze %dma_wait3A_346 : memref<1x80xi32, #tpu.memory_space<vmem>> -> memref<80xi32, #tpu.memory_space<vmem>>
      %dma_wait3A_348 = arith.constant 0 : i32
      %dma_wait3A_349 = arith.constant 0 : i32
      %dma_wait3A_350 = tpu.memref_slice %arg7[%dma_wait3A_348, %dma_wait3A_349] : memref<5001x128xf32, #tpu.memory_space<vmem_shared>> -> memref<5001x128xf32, #tpu.memory_space<vmem_shared>>
      %dma_wait3A_351 = tpu.memref_slice %arg14[%dma_wait3A_340] : memref<4x!tpu.dma_semaphore, #tpu.memory_space<semaphore_mem>> -> memref<1x!tpu.dma_semaphore, #tpu.memory_space<semaphore_mem>>
      %dma_wait3A_352 = tpu.memref_squeeze %dma_wait3A_351 : memref<1x!tpu.dma_semaphore, #tpu.memory_space<semaphore_mem>> -> memref<!tpu.dma_semaphore, #tpu.memory_space<semaphore_mem>>
      tpu.wait_indirect_dma semaphore(%dma_wait3A_352 : memref<!tpu.dma_semaphore, #tpu.memory_space<semaphore_mem>>) src(%dma_wait3A_350 : memref<5001x128xf32, #tpu.memory_space<vmem_shared>>) dst(%dma_wait3A_344 : memref<80x128xf32, #tpu.memory_space<vmem>>)
      %dma_wait3A_353 = arith.constant 0 : i32
      %dma_wait3A_354 = arith.constant 0 : i32
      %dma_wait3A_355 = arith.constant 0 : i32
      %dma_wait3A_356 = arith.constant 0 : i32
      %dma_wait3A_357 = tpu.memref_slice %arg11[%dma_wait3A_353, %dma_wait3A_355, %dma_wait3A_356] : memref<4x80x128xf32, #tpu.memory_space<vmem>> -> memref<1x80x128xf32, #tpu.memory_space<vmem>>
      %dma_wait3A_358 = tpu.memref_squeeze %dma_wait3A_357 : memref<1x80x128xf32, #tpu.memory_space<vmem>> -> memref<80x128xf32, #tpu.memory_space<vmem>>
      %dma_wait3A_359 = arith.constant 0 : i32
      %dma_wait3A_360 = arith.constant 0 : i32
      %dma_wait3A_361 = tpu.memref_slice %arg2[%add3A_337, %dma_wait3A_359, %dma_wait3A_360] : memref<10240x80x128xf32, #tpu.memory_space<hbm>> -> memref<1x80x128xf32, #tpu.memory_space<hbm>>
      %dma_wait3A_362 = tpu.memref_squeeze %dma_wait3A_361 : memref<1x80x128xf32, #tpu.memory_space<hbm>> -> memref<80x128xf32, #tpu.memory_space<hbm>>
      %dma_wait3A_363 = tpu.memref_slice %arg15[%dma_wait3A_354] : memref<4x!tpu.dma_semaphore, #tpu.memory_space<semaphore_mem>> -> memref<1x!tpu.dma_semaphore, #tpu.memory_space<semaphore_mem>>
      %dma_wait3A_364 = tpu.memref_squeeze %dma_wait3A_363 : memref<1x!tpu.dma_semaphore, #tpu.memory_space<semaphore_mem>> -> memref<!tpu.dma_semaphore, #tpu.memory_space<semaphore_mem>>
      %dma_wait3A_365 = arith.constant 0 : i32
      %dma_wait3A_366 = arith.constant 0 : i32
      %dma_wait3A_367 = tpu.memref_slice %arg11[%dma_wait3A_353, %dma_wait3A_365, %dma_wait3A_366] : memref<4x80x128xf32, #tpu.memory_space<vmem>> -> memref<1x80x128xf32, #tpu.memory_space<vmem>>
      %dma_wait3A_368 = tpu.memref_squeeze %dma_wait3A_367 : memref<1x80x128xf32, #tpu.memory_space<vmem>> -> memref<80x128xf32, #tpu.memory_space<vmem>>
      %dma_wait3A_369 = arith.constant 0 : i32
      %dma_wait3A_370 = arith.constant 0 : i32
      %dma_wait3A_371 = tpu.memref_slice %arg2[%add3A_337, %dma_wait3A_369, %dma_wait3A_370] : memref<10240x80x128xf32, #tpu.memory_space<hbm>> -> memref<1x80x128xf32, #tpu.memory_space<hbm>>
      %dma_wait3A_372 = tpu.memref_squeeze %dma_wait3A_371 : memref<1x80x128xf32, #tpu.memory_space<hbm>> -> memref<80x128xf32, #tpu.memory_space<hbm>>
      tpu.wait_dma2 semaphore(%dma_wait3A_364 : memref<!tpu.dma_semaphore, #tpu.memory_space<semaphore_mem>>) src(%dma_wait3A_372 : memref<80x128xf32, #tpu.memory_space<hbm>>) dst(%dma_wait3A_368 : memref<80x128xf32, #tpu.memory_space<vmem>>)
      %parallel_loop3A_373 = arith.constant 0 : i32
      %parallel_loop3A_374 = arith.constant 80 : i32
      %parallel_loop3A_375 = arith.constant 1 : i32
      scf.for %parallel_loop3A_645 = %parallel_loop3A_373 to %parallel_loop3A_374 step %parallel_loop3A_375  : i32 {
        %parallel_loop3A_646 = arith.constant 0 : i32
        %parallel_loop3A_647 = arith.index_cast %parallel_loop3A_646 : i32 to index
        %parallel_loop3A_648 = arith.index_cast %parallel_loop3A_645 : i32 to index
        %parallel_loop3A_649 = arith.constant 0 : index
        %parallel_loop3A_650 = tpu.vector_load %arg11[%parallel_loop3A_647, %parallel_loop3A_648, %parallel_loop3A_649] {strides = array<i32>} : memref<4x80x128xf32, #tpu.memory_space<vmem>>, vector<1x1x16xf32>,
        %parallel_loop3A_651 = vector.shape_cast %parallel_loop3A_650 : vector<1x1x16xf32> to vector<16xf32>
        %parallel_loop3A_652 = arith.constant 11.3137083 : f32
        %parallel_loop3A_653 = vector.broadcast %parallel_loop3A_652 : f32 to vector<16xf32>
        %parallel_loop3A_654 = arith.mulf %parallel_loop3A_651, %parallel_loop3A_653 : vector<16xf32>
        %parallel_loop3A_655 = arith.constant 0 : i32
        %parallel_loop3A_656 = arith.index_cast %parallel_loop3A_655 : i32 to index
        %parallel_loop3A_657 = arith.index_cast %parallel_loop3A_645 : i32 to index
        %parallel_loop3A_658 = arith.constant 0 : index
        %parallel_loop3A_659 = tpu.vector_load %arg12[%parallel_loop3A_656, %parallel_loop3A_657, %parallel_loop3A_658] {strides = array<i32>} : memref<4x80x128xf32, #tpu.memory_space<vmem>>, vector<1x1x16xf32>,
        %parallel_loop3A_660 = vector.shape_cast %parallel_loop3A_659 : vector<1x1x16xf32> to vector<16xf32>
        %parallel_loop3A_661 = vector.shape_cast %parallel_loop3A_654 : vector<16xf32> to vector<1x1x16xf32>
        tpu.vector_store %arg12[%parallel_loop3A_656, %parallel_loop3A_657, %parallel_loop3A_658], %parallel_loop3A_661 {add = true, strides = array<i32>} : memref<4x80x128xf32, #tpu.memory_space<vmem>>, vector<1x1x16xf32>,
        %parallel_loop3A_662 = arith.constant 0 : i32
        %parallel_loop3A_663 = arith.index_cast %parallel_loop3A_662 : i32 to index
        %parallel_loop3A_664 = arith.index_cast %parallel_loop3A_645 : i32 to index
        %parallel_loop3A_665 = arith.constant 16 : index
        %parallel_loop3A_666 = tpu.vector_load %arg11[%parallel_loop3A_663, %parallel_loop3A_664, %parallel_loop3A_665] {strides = array<i32>} : memref<4x80x128xf32, #tpu.memory_space<vmem>>, vector<1x1x16xf32>,
        %parallel_loop3A_667 = vector.shape_cast %parallel_loop3A_666 : vector<1x1x16xf32> to vector<16xf32>
        %parallel_loop3A_668 = arith.constant 11.3137083 : f32
        %parallel_loop3A_669 = vector.broadcast %parallel_loop3A_668 : f32 to vector<16xf32>
        %parallel_loop3A_670 = arith.mulf %parallel_loop3A_667, %parallel_loop3A_669 : vector<16xf32>
        %parallel_loop3A_671 = arith.constant 0 : i32
        %parallel_loop3A_672 = arith.index_cast %parallel_loop3A_671 : i32 to index
        %parallel_loop3A_673 = arith.index_cast %parallel_loop3A_645 : i32 to index
        %parallel_loop3A_674 = arith.constant 16 : index
        %parallel_loop3A_675 = tpu.vector_load %arg12[%parallel_loop3A_672, %parallel_loop3A_673, %parallel_loop3A_674] {strides = array<i32>} : memref<4x80x128xf32, #tpu.memory_space<vmem>>, vector<1x1x16xf32>,
        %parallel_loop3A_676 = vector.shape_cast %parallel_loop3A_675 : vector<1x1x16xf32> to vector<16xf32>
        %parallel_loop3A_677 = vector.shape_cast %parallel_loop3A_670 : vector<16xf32> to vector<1x1x16xf32>
        tpu.vector_store %arg12[%parallel_loop3A_672, %parallel_loop3A_673, %parallel_loop3A_674], %parallel_loop3A_677 {add = true, strides = array<i32>} : memref<4x80x128xf32, #tpu.memory_space<vmem>>, vector<1x1x16xf32>,
        %parallel_loop3A_678 = arith.constant 0 : i32
        %parallel_loop3A_679 = arith.index_cast %parallel_loop3A_678 : i32 to index
        %parallel_loop3A_680 = arith.index_cast %parallel_loop3A_645 : i32 to index
        %parallel_loop3A_681 = arith.constant 32 : index
        %parallel_loop3A_682 = tpu.vector_load %arg11[%parallel_loop3A_679, %parallel_loop3A_680, %parallel_loop3A_681] {strides = array<i32>} : memref<4x80x128xf32, #tpu.memory_space<vmem>>, vector<1x1x16xf32>,
        %parallel_loop3A_683 = vector.shape_cast %parallel_loop3A_682 : vector<1x1x16xf32> to vector<16xf32>
        %parallel_loop3A_684 = arith.constant 11.3137083 : f32
        %parallel_loop3A_685 = vector.broadcast %parallel_loop3A_684 : f32 to vector<16xf32>
        %parallel_loop3A_686 = arith.mulf %parallel_loop3A_683, %parallel_loop3A_685 : vector<16xf32>
        %parallel_loop3A_687 = arith.constant 0 : i32
        %parallel_loop3A_688 = arith.index_cast %parallel_loop3A_687 : i32 to index
        %parallel_loop3A_689 = arith.index_cast %parallel_loop3A_645 : i32 to index
        %parallel_loop3A_690 = arith.constant 32 : index
        %parallel_loop3A_691 = tpu.vector_load %arg12[%parallel_loop3A_688, %parallel_loop3A_689, %parallel_loop3A_690] {strides = array<i32>} : memref<4x80x128xf32, #tpu.memory_space<vmem>>, vector<1x1x16xf32>,
        %parallel_loop3A_692 = vector.shape_cast %parallel_loop3A_691 : vector<1x1x16xf32> to vector<16xf32>
        %parallel_loop3A_693 = vector.shape_cast %parallel_loop3A_686 : vector<16xf32> to vector<1x1x16xf32>
        tpu.vector_store %arg12[%parallel_loop3A_688, %parallel_loop3A_689, %parallel_loop3A_690], %parallel_loop3A_693 {add = true, strides = array<i32>} : memref<4x80x128xf32, #tpu.memory_space<vmem>>, vector<1x1x16xf32>,
        %parallel_loop3A_694 = arith.constant 0 : i32
        %parallel_loop3A_695 = arith.index_cast %parallel_loop3A_694 : i32 to index
        %parallel_loop3A_696 = arith.index_cast %parallel_loop3A_645 : i32 to index
        %parallel_loop3A_697 = arith.constant 48 : index
        %parallel_loop3A_698 = tpu.vector_load %arg11[%parallel_loop3A_695, %parallel_loop3A_696, %parallel_loop3A_697] {strides = array<i32>} : memref<4x80x128xf32, #tpu.memory_space<vmem>>, vector<1x1x16xf32>,
        %parallel_loop3A_699 = vector.shape_cast %parallel_loop3A_698 : vector<1x1x16xf32> to vector<16xf32>
        %parallel_loop3A_700 = arith.constant 11.3137083 : f32
        %parallel_loop3A_701 = vector.broadcast %parallel_loop3A_700 : f32 to vector<16xf32>
        %parallel_loop3A_702 = arith.mulf %parallel_loop3A_699, %parallel_loop3A_701 : vector<16xf32>
        %parallel_loop3A_703 = arith.constant 0 : i32
        %parallel_loop3A_704 = arith.index_cast %parallel_loop3A_703 : i32 to index
        %parallel_loop3A_705 = arith.index_cast %parallel_loop3A_645 : i32 to index
        %parallel_loop3A_706 = arith.constant 48 : index
        %parallel_loop3A_707 = tpu.vector_load %arg12[%parallel_loop3A_704, %parallel_loop3A_705, %parallel_loop3A_706] {strides = array<i32>} : memref<4x80x128xf32, #tpu.memory_space<vmem>>, vector<1x1x16xf32>,
        %parallel_loop3A_708 = vector.shape_cast %parallel_loop3A_707 : vector<1x1x16xf32> to vector<16xf32>
        %parallel_loop3A_709 = vector.shape_cast %parallel_loop3A_702 : vector<16xf32> to vector<1x1x16xf32>
        tpu.vector_store %arg12[%parallel_loop3A_704, %parallel_loop3A_705, %parallel_loop3A_706], %parallel_loop3A_709 {add = true, strides = array<i32>} : memref<4x80x128xf32, #tpu.memory_space<vmem>>, vector<1x1x16xf32>,
        %parallel_loop3A_710 = arith.constant 0 : i32
        %parallel_loop3A_711 = arith.index_cast %parallel_loop3A_710 : i32 to index
        %parallel_loop3A_712 = arith.index_cast %parallel_loop3A_645 : i32 to index
        %parallel_loop3A_713 = arith.constant 64 : index
        %parallel_loop3A_714 = tpu.vector_load %arg11[%parallel_loop3A_711, %parallel_loop3A_712, %parallel_loop3A_713] {strides = array<i32>} : memref<4x80x128xf32, #tpu.memory_space<vmem>>, vector<1x1x16xf32>,
        %parallel_loop3A_715 = vector.shape_cast %parallel_loop3A_714 : vector<1x1x16xf32> to vector<16xf32>
        %parallel_loop3A_716 = arith.constant 11.3137083 : f32
        %parallel_loop3A_717 = vector.broadcast %parallel_loop3A_716 : f32 to vector<16xf32>
        %parallel_loop3A_718 = arith.mulf %parallel_loop3A_715, %parallel_loop3A_717 : vector<16xf32>
        %parallel_loop3A_719 = arith.constant 0 : i32
        %parallel_loop3A_720 = arith.index_cast %parallel_loop3A_719 : i32 to index
        %parallel_loop3A_721 = arith.index_cast %parallel_loop3A_645 : i32 to index
        %parallel_loop3A_722 = arith.constant 64 : index
        %parallel_loop3A_723 = tpu.vector_load %arg12[%parallel_loop3A_720, %parallel_loop3A_721, %parallel_loop3A_722] {strides = array<i32>} : memref<4x80x128xf32, #tpu.memory_space<vmem>>, vector<1x1x16xf32>,
        %parallel_loop3A_724 = vector.shape_cast %parallel_loop3A_723 : vector<1x1x16xf32> to vector<16xf32>
        %parallel_loop3A_725 = vector.shape_cast %parallel_loop3A_718 : vector<16xf32> to vector<1x1x16xf32>
        tpu.vector_store %arg12[%parallel_loop3A_720, %parallel_loop3A_721, %parallel_loop3A_722], %parallel_loop3A_725 {add = true, strides = array<i32>} : memref<4x80x128xf32, #tpu.memory_space<vmem>>, vector<1x1x16xf32>,
        %parallel_loop3A_726 = arith.constant 0 : i32
        %parallel_loop3A_727 = arith.index_cast %parallel_loop3A_726 : i32 to index
        %parallel_loop3A_728 = arith.index_cast %parallel_loop3A_645 : i32 to index
        %parallel_loop3A_729 = arith.constant 80 : index
        %parallel_loop3A_730 = tpu.vector_load %arg11[%parallel_loop3A_727, %parallel_loop3A_728, %parallel_loop3A_729] {strides = array<i32>} : memref<4x80x128xf32, #tpu.memory_space<vmem>>, vector<1x1x16xf32>,
        %parallel_loop3A_731 = vector.shape_cast %parallel_loop3A_730 : vector<1x1x16xf32> to vector<16xf32>
        %parallel_loop3A_732 = arith.constant 11.3137083 : f32
        %parallel_loop3A_733 = vector.broadcast %parallel_loop3A_732 : f32 to vector<16xf32>
        %parallel_loop3A_734 = arith.mulf %parallel_loop3A_731, %parallel_loop3A_733 : vector<16xf32>
        %parallel_loop3A_735 = arith.constant 0 : i32
        %parallel_loop3A_736 = arith.index_cast %parallel_loop3A_735 : i32 to index
        %parallel_loop3A_737 = arith.index_cast %parallel_loop3A_645 : i32 to index
        %parallel_loop3A_738 = arith.constant 80 : index
        %parallel_loop3A_739 = tpu.vector_load %arg12[%parallel_loop3A_736, %parallel_loop3A_737, %parallel_loop3A_738] {strides = array<i32>} : memref<4x80x128xf32, #tpu.memory_space<vmem>>, vector<1x1x16xf32>,
        %parallel_loop3A_740 = vector.shape_cast %parallel_loop3A_739 : vector<1x1x16xf32> to vector<16xf32>
        %parallel_loop3A_741 = vector.shape_cast %parallel_loop3A_734 : vector<16xf32> to vector<1x1x16xf32>
        tpu.vector_store %arg12[%parallel_loop3A_736, %parallel_loop3A_737, %parallel_loop3A_738], %parallel_loop3A_741 {add = true, strides = array<i32>} : memref<4x80x128xf32, #tpu.memory_space<vmem>>, vector<1x1x16xf32>,
        %parallel_loop3A_742 = arith.constant 0 : i32
        %parallel_loop3A_743 = arith.index_cast %parallel_loop3A_742 : i32 to index
        %parallel_loop3A_744 = arith.index_cast %parallel_loop3A_645 : i32 to index
        %parallel_loop3A_745 = arith.constant 96 : index
        %parallel_loop3A_746 = tpu.vector_load %arg11[%parallel_loop3A_743, %parallel_loop3A_744, %parallel_loop3A_745] {strides = array<i32>} : memref<4x80x128xf32, #tpu.memory_space<vmem>>, vector<1x1x16xf32>,
        %parallel_loop3A_747 = vector.shape_cast %parallel_loop3A_746 : vector<1x1x16xf32> to vector<16xf32>
        %parallel_loop3A_748 = arith.constant 11.3137083 : f32
        %parallel_loop3A_749 = vector.broadcast %parallel_loop3A_748 : f32 to vector<16xf32>
        %parallel_loop3A_750 = arith.mulf %parallel_loop3A_747, %parallel_loop3A_749 : vector<16xf32>
        %parallel_loop3A_751 = arith.constant 0 : i32
        %parallel_loop3A_752 = arith.index_cast %parallel_loop3A_751 : i32 to index
        %parallel_loop3A_753 = arith.index_cast %parallel_loop3A_645 : i32 to index
        %parallel_loop3A_754 = arith.constant 96 : index
        %parallel_loop3A_755 = tpu.vector_load %arg12[%parallel_loop3A_752, %parallel_loop3A_753, %parallel_loop3A_754] {strides = array<i32>} : memref<4x80x128xf32, #tpu.memory_space<vmem>>, vector<1x1x16xf32>,
        %parallel_loop3A_756 = vector.shape_cast %parallel_loop3A_755 : vector<1x1x16xf32> to vector<16xf32>
        %parallel_loop3A_757 = vector.shape_cast %parallel_loop3A_750 : vector<16xf32> to vector<1x1x16xf32>
        tpu.vector_store %arg12[%parallel_loop3A_752, %parallel_loop3A_753, %parallel_loop3A_754], %parallel_loop3A_757 {add = true, strides = array<i32>} : memref<4x80x128xf32, #tpu.memory_space<vmem>>, vector<1x1x16xf32>,
        %parallel_loop3A_758 = arith.constant 0 : i32
        %parallel_loop3A_759 = arith.index_cast %parallel_loop3A_758 : i32 to index
        %parallel_loop3A_760 = arith.index_cast %parallel_loop3A_645 : i32 to index
        %parallel_loop3A_761 = arith.constant 112 : index
        %parallel_loop3A_762 = tpu.vector_load %arg11[%parallel_loop3A_759, %parallel_loop3A_760, %parallel_loop3A_761] {strides = array<i32>} : memref<4x80x128xf32, #tpu.memory_space<vmem>>, vector<1x1x16xf32>,
        %parallel_loop3A_763 = vector.shape_cast %parallel_loop3A_762 : vector<1x1x16xf32> to vector<16xf32>
        %parallel_loop3A_764 = arith.constant 11.3137083 : f32
        %parallel_loop3A_765 = vector.broadcast %parallel_loop3A_764 : f32 to vector<16xf32>
        %parallel_loop3A_766 = arith.mulf %parallel_loop3A_763, %parallel_loop3A_765 : vector<16xf32>
        %parallel_loop3A_767 = arith.constant 0 : i32
        %parallel_loop3A_768 = arith.index_cast %parallel_loop3A_767 : i32 to index
        %parallel_loop3A_769 = arith.index_cast %parallel_loop3A_645 : i32 to index
        %parallel_loop3A_770 = arith.constant 112 : index
        %parallel_loop3A_771 = tpu.vector_load %arg12[%parallel_loop3A_768, %parallel_loop3A_769, %parallel_loop3A_770] {strides = array<i32>} : memref<4x80x128xf32, #tpu.memory_space<vmem>>, vector<1x1x16xf32>,
        %parallel_loop3A_772 = vector.shape_cast %parallel_loop3A_771 : vector<1x1x16xf32> to vector<16xf32>
        %parallel_loop3A_773 = vector.shape_cast %parallel_loop3A_766 : vector<16xf32> to vector<1x1x16xf32>
        tpu.vector_store %arg12[%parallel_loop3A_768, %parallel_loop3A_769, %parallel_loop3A_770], %parallel_loop3A_773 {add = true, strides = array<i32>} : memref<4x80x128xf32, #tpu.memory_space<vmem>>, vector<1x1x16xf32>,
      } {sc.loop_unroll_factor = 4 : i64, sc.parallel_access}
      %mul3A_376 = arith.constant 320 : i32
      %mul3A_377 = arith.muli %add3A, %mul3A_376 : i32
      %add3A_378 = arith.addi %mul3A_377, %add3A_321 : i32
      %dma_start3A_379 = arith.constant 0 : i32
      %dma_start3A_380 = arith.constant 0 : i32
      %dma_start3A_381 = arith.constant 0 : i32
      %dma_start3A_382 = arith.constant 0 : i32
      %dma_start3A_383 = tpu.memref_slice %arg12[%dma_start3A_379, %dma_start3A_381, %dma_start3A_382] : memref<4x80x128xf32, #tpu.memory_space<vmem>> -> memref<1x80x128xf32, #tpu.memory_space<vmem>>
      %dma_start3A_384 = tpu.memref_squeeze %dma_start3A_383 : memref<1x80x128xf32, #tpu.memory_space<vmem>> -> memref<80x128xf32, #tpu.memory_space<vmem>>
      %dma_start3A_385 = arith.constant 0 : i32
      %dma_start3A_386 = arith.constant 0 : i32
      %dma_start3A_387 = tpu.memref_slice %arg6[%add3A_378, %dma_start3A_385, %dma_start3A_386] : memref<10240x80x128xf32, #tpu.memory_space<hbm>> -> memref<1x80x128xf32, #tpu.memory_space<hbm>>
      %dma_start3A_388 = tpu.memref_squeeze %dma_start3A_387 : memref<1x80x128xf32, #tpu.memory_space<hbm>> -> memref<80x128xf32, #tpu.memory_space<hbm>>
      %dma_start3A_389 = tpu.memref_slice %arg16[%dma_start3A_380] : memref<4x!tpu.dma_semaphore, #tpu.memory_space<semaphore_mem>> -> memref<1x!tpu.dma_semaphore, #tpu.memory_space<semaphore_mem>>
      %dma_start3A_390 = tpu.memref_squeeze %dma_start3A_389 : memref<1x!tpu.dma_semaphore, #tpu.memory_space<semaphore_mem>> -> memref<!tpu.dma_semaphore, #tpu.memory_space<semaphore_mem>>
      %dma_start3A_391 = arith.constant 0 : i32
      %dma_start3A_392 = arith.constant 0 : i32
      %dma_start3A_393 = tpu.memref_slice %arg6[%add3A_378, %dma_start3A_391, %dma_start3A_392] : memref<10240x80x128xf32, #tpu.memory_space<hbm>> -> memref<1x80x128xf32, #tpu.memory_space<hbm>>
      %dma_start3A_394 = tpu.memref_squeeze %dma_start3A_393 : memref<1x80x128xf32, #tpu.memory_space<hbm>> -> memref<80x128xf32, #tpu.memory_space<hbm>>
      %dma_start3A_395 = arith.constant 0 : i32
      %dma_start3A_396 = arith.constant 0 : i32
      %dma_start3A_397 = tpu.memref_slice %arg12[%dma_start3A_379, %dma_start3A_395, %dma_start3A_396] : memref<4x80x128xf32, #tpu.memory_space<vmem>> -> memref<1x80x128xf32, #tpu.memory_space<vmem>>
      %dma_start3A_398 = tpu.memref_squeeze %dma_start3A_397 : memref<1x80x128xf32, #tpu.memory_space<vmem>> -> memref<80x128xf32, #tpu.memory_space<vmem>>
      tpu.enqueue_dma source(%dma_start3A_398 : memref<80x128xf32, #tpu.memory_space<vmem>>) target(%dma_start3A_394 : memref<80x128xf32, #tpu.memory_space<hbm>>) target_semaphore(%dma_start3A_390 : memref<!tpu.dma_semaphore, #tpu.memory_space<semaphore_mem>>)
      %mul3A_399 = arith.constant 4 : i32
      %mul3A_400 = arith.muli %mul3A_399, %scan3A_317 : i32
      %add3A_401 = arith.constant 1 : i32
      %add3A_402 = arith.addi %mul3A_400, %add3A_401 : i32
      %add3A_403 = arith.constant 3 : i32
      %add3A_404 = arith.addi %add3A_402, %add3A_403 : i32
      %lt3A_405 = arith.constant 320 : i32
      %lt3A_406 = arith.cmpi slt, %add3A_404, %lt3A_405 : i32
      %convert_element_type3A_407 = arith.extui %lt3A_406 : i1 to i32
      %cond3A_408 = arith.constant 0 : i32
      %cond3A_409 = arith.cmpi ne, %convert_element_type3A_407, %cond3A_408 : i32
      scf.if %cond3A_409 {
        %add3A_645 = arith.constant 3 : i32
        %add3A_646 = arith.addi %add3A_402, %add3A_645 : i32
        %mul3A_647 = arith.constant 80 : i32
        %mul3A_648 = arith.muli %add3A_646, %mul3A_647 : i32
        %add3A_649 = arith.addi %mul3A_2, %mul3A_648 : i32
        %dma_start3A_650 = arith.constant 0 : i32
        %dma_start3A_651 = arith.constant 0 : i32
        %dma_start3A_652 = arith.constant 0 : i32
        %dma_start3A_653 = tpu.memref_slice %arg8[%dma_start3A_650, %dma_start3A_652] : memref<4x80xi32, #tpu.memory_space<vmem>> -> memref<1x80xi32, #tpu.memory_space<vmem>>
        %dma_start3A_654 = tpu.memref_squeeze %dma_start3A_653 : memref<1x80xi32, #tpu.memory_space<vmem>> -> memref<80xi32, #tpu.memory_space<vmem>>
        %dma_start3A_655 = tpu.memref_slice %arg3[%add3A_649] : memref<819200xi32, #tpu.memory_space<hbm>> -> memref<80xi32, #tpu.memory_space<hbm>>
        %dma_start3A_656 = tpu.memref_slice %arg13[%dma_start3A_651] : memref<4x!tpu.dma_semaphore, #tpu.memory_space<semaphore_mem>> -> memref<1x!tpu.dma_semaphore, #tpu.memory_space<semaphore_mem>>
        %dma_start3A_657 = tpu.memref_squeeze %dma_start3A_656 : memref<1x!tpu.dma_semaphore, #tpu.memory_space<semaphore_mem>> -> memref<!tpu.dma_semaphore, #tpu.memory_space<semaphore_mem>>
        %dma_start3A_658 = arith.constant 0 : i32
        %dma_start3A_659 = tpu.memref_slice %arg8[%dma_start3A_650, %dma_start3A_658] : memref<4x80xi32, #tpu.memory_space<vmem>> -> memref<1x80xi32, #tpu.memory_space<vmem>>
        %dma_start3A_660 = tpu.memref_squeeze %dma_start3A_659 : memref<1x80xi32, #tpu.memory_space<vmem>> -> memref<80xi32, #tpu.memory_space<vmem>>
        %dma_start3A_661 = tpu.memref_slice %arg3[%add3A_649] : memref<819200xi32, #tpu.memory_space<hbm>> -> memref<80xi32, #tpu.memory_space<hbm>>
        tpu.enqueue_dma source(%dma_start3A_661 : memref<80xi32, #tpu.memory_space<hbm>>) target(%dma_start3A_660 : memref<80xi32, #tpu.memory_space<vmem>>) target_semaphore(%dma_start3A_657 : memref<!tpu.dma_semaphore, #tpu.memory_space<semaphore_mem>>)
        %dma_start3A_662 = arith.constant 0 : i32
        %dma_start3A_663 = arith.constant 0 : i32
        %dma_start3A_664 = arith.constant 0 : i32
        %dma_start3A_665 = tpu.memref_slice %arg9[%dma_start3A_662, %dma_start3A_664] : memref<4x80xi32, #tpu.memory_space<vmem>> -> memref<1x80xi32, #tpu.memory_space<vmem>>
        %dma_start3A_666 = tpu.memref_squeeze %dma_start3A_665 : memref<1x80xi32, #tpu.memory_space<vmem>> -> memref<80xi32, #tpu.memory_space<vmem>>
        %dma_start3A_667 = tpu.memref_slice %arg4[%add3A_649] : memref<819200xi32, #tpu.memory_space<hbm>> -> memref<80xi32, #tpu.memory_space<hbm>>
        %dma_start3A_668 = tpu.memref_slice %arg13[%dma_start3A_663] : memref<4x!tpu.dma_semaphore, #tpu.memory_space<semaphore_mem>> -> memref<1x!tpu.dma_semaphore, #tpu.memory_space<semaphore_mem>>
        %dma_start3A_669 = tpu.memref_squeeze %dma_start3A_668 : memref<1x!tpu.dma_semaphore, #tpu.memory_space<semaphore_mem>> -> memref<!tpu.dma_semaphore, #tpu.memory_space<semaphore_mem>>
        %dma_start3A_670 = arith.constant 0 : i32
        %dma_start3A_671 = tpu.memref_slice %arg9[%dma_start3A_662, %dma_start3A_670] : memref<4x80xi32, #tpu.memory_space<vmem>> -> memref<1x80xi32, #tpu.memory_space<vmem>>
        %dma_start3A_672 = tpu.memref_squeeze %dma_start3A_671 : memref<1x80xi32, #tpu.memory_space<vmem>> -> memref<80xi32, #tpu.memory_space<vmem>>
        %dma_start3A_673 = tpu.memref_slice %arg4[%add3A_649] : memref<819200xi32, #tpu.memory_space<hbm>> -> memref<80xi32, #tpu.memory_space<hbm>>
        tpu.enqueue_dma source(%dma_start3A_673 : memref<80xi32, #tpu.memory_space<hbm>>) target(%dma_start3A_672 : memref<80xi32, #tpu.memory_space<vmem>>) target_semaphore(%dma_start3A_669 : memref<!tpu.dma_semaphore, #tpu.memory_space<semaphore_mem>>)
      } else {
      }
      %add3A_410 = arith.constant 2 : i32
      %add3A_411 = arith.addi %add3A_402, %add3A_410 : i32
      %lt3A_412 = arith.constant 320 : i32
      %lt3A_413 = arith.cmpi slt, %add3A_411, %lt3A_412 : i32
      %convert_element_type3A_414 = arith.extui %lt3A_413 : i1 to i32
      %cond3A_415 = arith.constant 0 : i32
      %cond3A_416 = arith.cmpi ne, %convert_element_type3A_414, %cond3A_415 : i32
      scf.if %cond3A_416 {
        %add3A_645 = arith.constant 2 : i32
        %add3A_646 = arith.addi %add3A_402, %add3A_645 : i32
        %jit3A = arith.constant 4 : i32
        %eq3A_647 = arith.constant 0 : i32
        %eq3A_648 = arith.cmpi eq, %jit3A, %eq3A_647 : i32
        %jit3A_649 = arith.constant 1 : i32
        %select_n3A = arith.select %eq3A_648, %jit3A_649, %jit3A : i32
        %rem3A = arith.remsi %add3A_646, %select_n3A : i32
        %ne3A = arith.constant 0 : i32
        %ne3A_650 = arith.cmpi ne, %rem3A, %ne3A : i32
        %lt3A_651 = arith.constant 0 : i32
        %lt3A_652 = arith.cmpi slt, %rem3A, %lt3A_651 : i32
        %lt3A_653 = arith.constant 0 : i32
        %lt3A_654 = arith.cmpi slt, %select_n3A, %lt3A_653 : i32
        %ne3A_655 = arith.xori %lt3A_652, %lt3A_654 : i1
        %and3A = arith.andi %ne3A_655, %ne3A_650 : i1
        %add3A_656 = arith.addi %rem3A, %select_n3A : i32
        %select_n3A_657 = arith.select %and3A, %add3A_656, %rem3A : i32
        %mul3A_658 = arith.constant 80 : i32
        %mul3A_659 = arith.muli %add3A_646, %mul3A_658 : i32
        %add3A_660 = arith.addi %mul3A_2, %mul3A_659 : i32
        %dma_wait3A_661 = arith.constant 0 : i32
        %dma_wait3A_662 = tpu.memref_slice %arg8[%select_n3A_657, %dma_wait3A_661] : memref<4x80xi32, #tpu.memory_space<vmem>> -> memref<1x80xi32, #tpu.memory_space<vmem>>
        %dma_wait3A_663 = tpu.memref_squeeze %dma_wait3A_662 : memref<1x80xi32, #tpu.memory_space<vmem>> -> memref<80xi32, #tpu.memory_space<vmem>>
        %dma_wait3A_664 = tpu.memref_slice %arg3[%add3A_660] : memref<819200xi32, #tpu.memory_space<hbm>> -> memref<80xi32, #tpu.memory_space<hbm>>
        %dma_wait3A_665 = tpu.memref_slice %arg13[%select_n3A_657] : memref<4x!tpu.dma_semaphore, #tpu.memory_space<semaphore_mem>> -> memref<1x!tpu.dma_semaphore, #tpu.memory_space<semaphore_mem>>
        %dma_wait3A_666 = tpu.memref_squeeze %dma_wait3A_665 : memref<1x!tpu.dma_semaphore, #tpu.memory_space<semaphore_mem>> -> memref<!tpu.dma_semaphore, #tpu.memory_space<semaphore_mem>>
        %dma_wait3A_667 = arith.constant 0 : i32
        %dma_wait3A_668 = tpu.memref_slice %arg8[%select_n3A_657, %dma_wait3A_667] : memref<4x80xi32, #tpu.memory_space<vmem>> -> memref<1x80xi32, #tpu.memory_space<vmem>>
        %dma_wait3A_669 = tpu.memref_squeeze %dma_wait3A_668 : memref<1x80xi32, #tpu.memory_space<vmem>> -> memref<80xi32, #tpu.memory_space<vmem>>
        %dma_wait3A_670 = tpu.memref_slice %arg3[%add3A_660] : memref<819200xi32, #tpu.memory_space<hbm>> -> memref<80xi32, #tpu.memory_space<hbm>>
        tpu.wait_dma2 semaphore(%dma_wait3A_666 : memref<!tpu.dma_semaphore, #tpu.memory_space<semaphore_mem>>) src(%dma_wait3A_670 : memref<80xi32, #tpu.memory_space<hbm>>) dst(%dma_wait3A_669 : memref<80xi32, #tpu.memory_space<vmem>>)
        %dma_wait3A_671 = arith.constant 0 : i32
        %dma_wait3A_672 = tpu.memref_slice %arg9[%select_n3A_657, %dma_wait3A_671] : memref<4x80xi32, #tpu.memory_space<vmem>> -> memref<1x80xi32, #tpu.memory_space<vmem>>
        %dma_wait3A_673 = tpu.memref_squeeze %dma_wait3A_672 : memref<1x80xi32, #tpu.memory_space<vmem>> -> memref<80xi32, #tpu.memory_space<vmem>>
        %dma_wait3A_674 = tpu.memref_slice %arg4[%add3A_660] : memref<819200xi32, #tpu.memory_space<hbm>> -> memref<80xi32, #tpu.memory_space<hbm>>
        %dma_wait3A_675 = tpu.memref_slice %arg13[%select_n3A_657] : memref<4x!tpu.dma_semaphore, #tpu.memory_space<semaphore_mem>> -> memref<1x!tpu.dma_semaphore, #tpu.memory_space<semaphore_mem>>
        %dma_wait3A_676 = tpu.memref_squeeze %dma_wait3A_675 : memref<1x!tpu.dma_semaphore, #tpu.memory_space<semaphore_mem>> -> memref<!tpu.dma_semaphore, #tpu.memory_space<semaphore_mem>>
        %dma_wait3A_677 = arith.constant 0 : i32
        %dma_wait3A_678 = tpu.memref_slice %arg9[%select_n3A_657, %dma_wait3A_677] : memref<4x80xi32, #tpu.memory_space<vmem>> -> memref<1x80xi32, #tpu.memory_space<vmem>>
        %dma_wait3A_679 = tpu.memref_squeeze %dma_wait3A_678 : memref<1x80xi32, #tpu.memory_space<vmem>> -> memref<80xi32, #tpu.memory_space<vmem>>
        %dma_wait3A_680 = tpu.memref_slice %arg4[%add3A_660] : memref<819200xi32, #tpu.memory_space<hbm>> -> memref<80xi32, #tpu.memory_space<hbm>>
        tpu.wait_dma2 semaphore(%dma_wait3A_676 : memref<!tpu.dma_semaphore, #tpu.memory_space<semaphore_mem>>) src(%dma_wait3A_680 : memref<80xi32, #tpu.memory_space<hbm>>) dst(%dma_wait3A_679 : memref<80xi32, #tpu.memory_space<vmem>>)
        %parallel_loop3A_681 = arith.constant 0 : i32
        %parallel_loop3A_682 = arith.constant 80 : i32
        %parallel_loop3A_683 = arith.constant 16 : i32
        scf.for %parallel_loop3A_721 = %parallel_loop3A_681 to %parallel_loop3A_682 step %parallel_loop3A_683  : i32 {
          %parallel_loop3A_722 = arith.index_cast %select_n3A_657 : i32 to index
          %parallel_loop3A_723 = arith.index_cast %parallel_loop3A_721 : i32 to index
          %parallel_loop3A_724 = tpu.vector_load %arg9[%parallel_loop3A_722, %parallel_loop3A_723] {strides = array<i32>} : memref<4x80xi32, #tpu.memory_space<vmem>>, vector<1x16xi32>,
          %parallel_loop3A_725 = vector.shape_cast %parallel_loop3A_724 : vector<1x16xi32> to vector<16xi32>
          %parallel_loop3A_726 = arith.constant 0 : i32
          %parallel_loop3A_727 = vector.broadcast %parallel_loop3A_726 : i32 to vector<16xi32>
          %parallel_loop3A_728 = arith.cmpi ne, %parallel_loop3A_725, %parallel_loop3A_727 : vector<16xi32>
          %parallel_loop3A_729 = arith.index_cast %select_n3A_657 : i32 to index
          %parallel_loop3A_730 = arith.index_cast %parallel_loop3A_721 : i32 to index
          %parallel_loop3A_731 = tpu.vector_load %arg8[%parallel_loop3A_729, %parallel_loop3A_730] {strides = array<i32>} : memref<4x80xi32, #tpu.memory_space<vmem>>, vector<1x16xi32>,
          %parallel_loop3A_732 = vector.shape_cast %parallel_loop3A_731 : vector<1x16xi32> to vector<16xi32>
          %parallel_loop3A_733 = arith.constant 5000 : i32
          %parallel_loop3A_734 = vector.broadcast %parallel_loop3A_733 : i32 to vector<16xi32>
          %parallel_loop3A_735 = arith.minsi %parallel_loop3A_732, %parallel_loop3A_734 : vector<16xi32>
          %parallel_loop3A_736 = arith.constant 5000 : i32
          %parallel_loop3A_737 = vector.broadcast %parallel_loop3A_736 : i32 to vector<16xi32>
          %parallel_loop3A_738 = arith.select %parallel_loop3A_728, %parallel_loop3A_737, %parallel_loop3A_735 : vector<16xi1>, vector<16xi32>
          %parallel_loop3A_739 = arith.index_cast %select_n3A_657 : i32 to index
          %parallel_loop3A_740 = arith.index_cast %parallel_loop3A_721 : i32 to index
          %parallel_loop3A_741 = tpu.vector_load %arg10[%parallel_loop3A_739, %parallel_loop3A_740] {strides = array<i32>} : memref<4x80xi32, #tpu.memory_space<vmem>>, vector<1x16xi32>,
          %parallel_loop3A_742 = vector.shape_cast %parallel_loop3A_741 : vector<1x16xi32> to vector<16xi32>
          %parallel_loop3A_743 = vector.shape_cast %parallel_loop3A_738 : vector<16xi32> to vector<1x16xi32>
          tpu.vector_store %arg10[%parallel_loop3A_739, %parallel_loop3A_740], %parallel_loop3A_743 {strides = array<i32>} : memref<4x80xi32, #tpu.memory_space<vmem>>, vector<1x16xi32>,
        } {sc.loop_unroll_factor = 1 : i64, sc.parallel_access}
        %ge3A = arith.constant 4 : i32
        %ge3A_684 = arith.cmpi sge, %add3A_646, %ge3A : i32
        %convert_element_type3A_685 = arith.extui %ge3A_684 : i1 to i32
        %cond3A_686 = arith.constant 0 : i32
        %cond3A_687 = arith.cmpi ne, %convert_element_type3A_685, %cond3A_686 : i32
        scf.if %cond3A_687 {
          %sub3A = arith.constant 4 : i32
          %sub3A_721 = arith.subi %add3A_646, %sub3A : i32
          %mul3A_722 = arith.constant 320 : i32
          %mul3A_723 = arith.muli %add3A, %mul3A_722 : i32
          %add3A_724 = arith.addi %mul3A_723, %sub3A_721 : i32
          %dma_wait3A_725 = arith.constant 0 : i32
          %dma_wait3A_726 = arith.constant 0 : i32
          %dma_wait3A_727 = tpu.memref_slice %arg12[%select_n3A_657, %dma_wait3A_725, %dma_wait3A_726] : memref<4x80x128xf32, #tpu.memory_space<vmem>> -> memref<1x80x128xf32, #tpu.memory_space<vmem>>
          %dma_wait3A_728 = tpu.memref_squeeze %dma_wait3A_727 : memref<1x80x128xf32, #tpu.memory_space<vmem>> -> memref<80x128xf32, #tpu.memory_space<vmem>>
          %dma_wait3A_729 = arith.constant 0 : i32
          %dma_wait3A_730 = arith.constant 0 : i32
          %dma_wait3A_731 = tpu.memref_slice %arg6[%add3A_724, %dma_wait3A_729, %dma_wait3A_730] : memref<10240x80x128xf32, #tpu.memory_space<hbm>> -> memref<1x80x128xf32, #tpu.memory_space<hbm>>
          %dma_wait3A_732 = tpu.memref_squeeze %dma_wait3A_731 : memref<1x80x128xf32, #tpu.memory_space<hbm>> -> memref<80x128xf32, #tpu.memory_space<hbm>>
          %dma_wait3A_733 = tpu.memref_slice %arg16[%select_n3A_657] : memref<4x!tpu.dma_semaphore, #tpu.memory_space<semaphore_mem>> -> memref<1x!tpu.dma_semaphore, #tpu.memory_space<semaphore_mem>>
          %dma_wait3A_734 = tpu.memref_squeeze %dma_wait3A_733 : memref<1x!tpu.dma_semaphore, #tpu.memory_space<semaphore_mem>> -> memref<!tpu.dma_semaphore, #tpu.memory_space<semaphore_mem>>
          %dma_wait3A_735 = arith.constant 0 : i32
          %dma_wait3A_736 = arith.constant 0 : i32
          %dma_wait3A_737 = tpu.memref_slice %arg6[%add3A_724, %dma_wait3A_735, %dma_wait3A_736] : memref<10240x80x128xf32, #tpu.memory_space<hbm>> -> memref<1x80x128xf32, #tpu.memory_space<hbm>>
          %dma_wait3A_738 = tpu.memref_squeeze %dma_wait3A_737 : memref<1x80x128xf32, #tpu.memory_space<hbm>> -> memref<80x128xf32, #tpu.memory_space<hbm>>
          %dma_wait3A_739 = arith.constant 0 : i32
          %dma_wait3A_740 = arith.constant 0 : i32
          %dma_wait3A_741 = tpu.memref_slice %arg12[%select_n3A_657, %dma_wait3A_739, %dma_wait3A_740] : memref<4x80x128xf32, #tpu.memory_space<vmem>> -> memref<1x80x128xf32, #tpu.memory_space<vmem>>
          %dma_wait3A_742 = tpu.memref_squeeze %dma_wait3A_741 : memref<1x80x128xf32, #tpu.memory_space<vmem>> -> memref<80x128xf32, #tpu.memory_space<vmem>>
          tpu.wait_dma2 semaphore(%dma_wait3A_734 : memref<!tpu.dma_semaphore, #tpu.memory_space<semaphore_mem>>) src(%dma_wait3A_742 : memref<80x128xf32, #tpu.memory_space<vmem>>) dst(%dma_wait3A_738 : memref<80x128xf32, #tpu.memory_space<hbm>>)
        } else {
        }
        %mul3A_688 = arith.constant 320 : i32
        %mul3A_689 = arith.muli %add3A, %mul3A_688 : i32
        %add3A_690 = arith.addi %mul3A_689, %add3A_646 : i32
        %dma_start3A_691 = arith.constant 0 : i32
        %dma_start3A_692 = arith.constant 0 : i32
        %dma_start3A_693 = tpu.memref_slice %arg12[%select_n3A_657, %dma_start3A_691, %dma_start3A_692] : memref<4x80x128xf32, #tpu.memory_space<vmem>> -> memref<1x80x128xf32, #tpu.memory_space<vmem>>
        %dma_start3A_694 = tpu.memref_squeeze %dma_start3A_693 : memref<1x80x128xf32, #tpu.memory_space<vmem>> -> memref<80x128xf32, #tpu.memory_space<vmem>>
        %dma_start3A_695 = arith.constant 0 : i32
        %dma_start3A_696 = tpu.memref_slice %arg10[%select_n3A_657, %dma_start3A_695] : memref<4x80xi32, #tpu.memory_space<vmem>> -> memref<1x80xi32, #tpu.memory_space<vmem>>
        %dma_start3A_697 = tpu.memref_squeeze %dma_start3A_696 : memref<1x80xi32, #tpu.memory_space<vmem>> -> memref<80xi32, #tpu.memory_space<vmem>>
        %dma_start3A_698 = arith.constant 0 : i32
        %dma_start3A_699 = arith.constant 0 : i32
        %dma_start3A_700 = tpu.memref_slice %arg7[%dma_start3A_698, %dma_start3A_699] : memref<5001x128xf32, #tpu.memory_space<vmem_shared>> -> memref<5001x128xf32, #tpu.memory_space<vmem_shared>>
        %dma_start3A_701 = tpu.memref_slice %arg14[%select_n3A_657] : memref<4x!tpu.dma_semaphore, #tpu.memory_space<semaphore_mem>> -> memref<1x!tpu.dma_semaphore, #tpu.memory_space<semaphore_mem>>
        %dma_start3A_702 = tpu.memref_squeeze %dma_start3A_701 : memref<1x!tpu.dma_semaphore, #tpu.memory_space<semaphore_mem>> -> memref<!tpu.dma_semaphore, #tpu.memory_space<semaphore_mem>>
        tpu.enqueue_indirect_dma source(%dma_start3A_700 : memref<5001x128xf32, #tpu.memory_space<vmem_shared>>) target(%dma_start3A_694 : memref<80x128xf32, #tpu.memory_space<vmem>>) offsets(%dma_start3A_697 : memref<80xi32, #tpu.memory_space<vmem>>) semaphore(%dma_start3A_702 : memref<!tpu.dma_semaphore, #tpu.memory_space<semaphore_mem>>)
        %dma_start3A_703 = arith.constant 0 : i32
        %dma_start3A_704 = arith.constant 0 : i32
        %dma_start3A_705 = tpu.memref_slice %arg11[%select_n3A_657, %dma_start3A_703, %dma_start3A_704] : memref<4x80x128xf32, #tpu.memory_space<vmem>> -> memref<1x80x128xf32, #tpu.memory_space<vmem>>
        %dma_start3A_706 = tpu.memref_squeeze %dma_start3A_705 : memref<1x80x128xf32, #tpu.memory_space<vmem>> -> memref<80x128xf32, #tpu.memory_space<vmem>>
        %dma_start3A_707 = arith.constant 0 : i32
        %dma_start3A_708 = arith.constant 0 : i32
        %dma_start3A_709 = tpu.memref_slice %arg2[%add3A_690, %dma_start3A_707, %dma_start3A_708] : memref<10240x80x128xf32, #tpu.memory_space<hbm>> -> memref<1x80x128xf32, #tpu.memory_space<hbm>>
        %dma_start3A_710 = tpu.memref_squeeze %dma_start3A_709 : memref<1x80x128xf32, #tpu.memory_space<hbm>> -> memref<80x128xf32, #tpu.memory_space<hbm>>
        %dma_start3A_711 = tpu.memref_slice %arg15[%select_n3A_657] : memref<4x!tpu.dma_semaphore, #tpu.memory_space<semaphore_mem>> -> memref<1x!tpu.dma_semaphore, #tpu.memory_space<semaphore_mem>>
        %dma_start3A_712 = tpu.memref_squeeze %dma_start3A_711 : memref<1x!tpu.dma_semaphore, #tpu.memory_space<semaphore_mem>> -> memref<!tpu.dma_semaphore, #tpu.memory_space<semaphore_mem>>
        %dma_start3A_713 = arith.constant 0 : i32
        %dma_start3A_714 = arith.constant 0 : i32
        %dma_start3A_715 = tpu.memref_slice %arg11[%select_n3A_657, %dma_start3A_713, %dma_start3A_714] : memref<4x80x128xf32, #tpu.memory_space<vmem>> -> memref<1x80x128xf32, #tpu.memory_space<vmem>>
        %dma_start3A_716 = tpu.memref_squeeze %dma_start3A_715 : memref<1x80x128xf32, #tpu.memory_space<vmem>> -> memref<80x128xf32, #tpu.memory_space<vmem>>
        %dma_start3A_717 = arith.constant 0 : i32
        %dma_start3A_718 = arith.constant 0 : i32
        %dma_start3A_719 = tpu.memref_slice %arg2[%add3A_690, %dma_start3A_717, %dma_start3A_718] : memref<10240x80x128xf32, #tpu.memory_space<hbm>> -> memref<1x80x128xf32, #tpu.memory_space<hbm>>
        %dma_start3A_720 = tpu.memref_squeeze %dma_start3A_719 : memref<1x80x128xf32, #tpu.memory_space<hbm>> -> memref<80x128xf32, #tpu.memory_space<hbm>>
        tpu.enqueue_dma source(%dma_start3A_720 : memref<80x128xf32, #tpu.memory_space<hbm>>) target(%dma_start3A_716 : memref<80x128xf32, #tpu.memory_space<vmem>>) target_semaphore(%dma_start3A_712 : memref<!tpu.dma_semaphore, #tpu.memory_space<semaphore_mem>>)
      } else {
      }
      %mul3A_417 = arith.constant 320 : i32
      %mul3A_418 = arith.muli %add3A, %mul3A_417 : i32
      %add3A_419 = arith.addi %mul3A_418, %add3A_402 : i32
      %dma_wait3A_420 = arith.constant 1 : i32
      %dma_wait3A_421 = arith.constant 1 : i32
      %dma_wait3A_422 = arith.constant 1 : i32
      %dma_wait3A_423 = arith.constant 0 : i32
      %dma_wait3A_424 = arith.constant 0 : i32
      %dma_wait3A_425 = tpu.memref_slice %arg12[%dma_wait3A_421, %dma_wait3A_423, %dma_wait3A_424] : memref<4x80x128xf32, #tpu.memory_space<vmem>> -> memref<1x80x128xf32, #tpu.memory_space<vmem>>
      %dma_wait3A_426 = tpu.memref_squeeze %dma_wait3A_425 : memref<1x80x128xf32, #tpu.memory_space<vmem>> -> memref<80x128xf32, #tpu.memory_space<vmem>>
      %dma_wait3A_427 = arith.constant 0 : i32
      %dma_wait3A_428 = tpu.memref_slice %arg10[%dma_wait3A_420, %dma_wait3A_427] : memref<4x80xi32, #tpu.memory_space<vmem>> -> memref<1x80xi32, #tpu.memory_space<vmem>>
      %dma_wait3A_429 = tpu.memref_squeeze %dma_wait3A_428 : memref<1x80xi32, #tpu.memory_space<vmem>> -> memref<80xi32, #tpu.memory_space<vmem>>
      %dma_wait3A_430 = arith.constant 0 : i32
      %dma_wait3A_431 = arith.constant 0 : i32
      %dma_wait3A_432 = tpu.memref_slice %arg7[%dma_wait3A_430, %dma_wait3A_431] : memref<5001x128xf32, #tpu.memory_space<vmem_shared>> -> memref<5001x128xf32, #tpu.memory_space<vmem_shared>>
      %dma_wait3A_433 = tpu.memref_slice %arg14[%dma_wait3A_422] : memref<4x!tpu.dma_semaphore, #tpu.memory_space<semaphore_mem>> -> memref<1x!tpu.dma_semaphore, #tpu.memory_space<semaphore_mem>>
      %dma_wait3A_434 = tpu.memref_squeeze %dma_wait3A_433 : memref<1x!tpu.dma_semaphore, #tpu.memory_space<semaphore_mem>> -> memref<!tpu.dma_semaphore, #tpu.memory_space<semaphore_mem>>
      tpu.wait_indirect_dma semaphore(%dma_wait3A_434 : memref<!tpu.dma_semaphore, #tpu.memory_space<semaphore_mem>>) src(%dma_wait3A_432 : memref<5001x128xf32, #tpu.memory_space<vmem_shared>>) dst(%dma_wait3A_426 : memref<80x128xf32, #tpu.memory_space<vmem>>)
      %dma_wait3A_435 = arith.constant 1 : i32
      %dma_wait3A_436 = arith.constant 1 : i32
      %dma_wait3A_437 = arith.constant 0 : i32
      %dma_wait3A_438 = arith.constant 0 : i32
      %dma_wait3A_439 = tpu.memref_slice %arg11[%dma_wait3A_435, %dma_wait3A_437, %dma_wait3A_438] : memref<4x80x128xf32, #tpu.memory_space<vmem>> -> memref<1x80x128xf32, #tpu.memory_space<vmem>>
      %dma_wait3A_440 = tpu.memref_squeeze %dma_wait3A_439 : memref<1x80x128xf32, #tpu.memory_space<vmem>> -> memref<80x128xf32, #tpu.memory_space<vmem>>
      %dma_wait3A_441 = arith.constant 0 : i32
      %dma_wait3A_442 = arith.constant 0 : i32
      %dma_wait3A_443 = tpu.memref_slice %arg2[%add3A_419, %dma_wait3A_441, %dma_wait3A_442] : memref<10240x80x128xf32, #tpu.memory_space<hbm>> -> memref<1x80x128xf32, #tpu.memory_space<hbm>>
      %dma_wait3A_444 = tpu.memref_squeeze %dma_wait3A_443 : memref<1x80x128xf32, #tpu.memory_space<hbm>> -> memref<80x128xf32, #tpu.memory_space<hbm>>
      %dma_wait3A_445 = tpu.memref_slice %arg15[%dma_wait3A_436] : memref<4x!tpu.dma_semaphore, #tpu.memory_space<semaphore_mem>> -> memref<1x!tpu.dma_semaphore, #tpu.memory_space<semaphore_mem>>
      %dma_wait3A_446 = tpu.memref_squeeze %dma_wait3A_445 : memref<1x!tpu.dma_semaphore, #tpu.memory_space<semaphore_mem>> -> memref<!tpu.dma_semaphore, #tpu.memory_space<semaphore_mem>>
      %dma_wait3A_447 = arith.constant 0 : i32
      %dma_wait3A_448 = arith.constant 0 : i32
      %dma_wait3A_449 = tpu.memref_slice %arg11[%dma_wait3A_435, %dma_wait3A_447, %dma_wait3A_448] : memref<4x80x128xf32, #tpu.memory_space<vmem>> -> memref<1x80x128xf32, #tpu.memory_space<vmem>>
      %dma_wait3A_450 = tpu.memref_squeeze %dma_wait3A_449 : memref<1x80x128xf32, #tpu.memory_space<vmem>> -> memref<80x128xf32, #tpu.memory_space<vmem>>
      %dma_wait3A_451 = arith.constant 0 : i32
      %dma_wait3A_452 = arith.constant 0 : i32
      %dma_wait3A_453 = tpu.memref_slice %arg2[%add3A_419, %dma_wait3A_451, %dma_wait3A_452] : memref<10240x80x128xf32, #tpu.memory_space<hbm>> -> memref<1x80x128xf32, #tpu.memory_space<hbm>>
      %dma_wait3A_454 = tpu.memref_squeeze %dma_wait3A_453 : memref<1x80x128xf32, #tpu.memory_space<hbm>> -> memref<80x128xf32, #tpu.memory_space<hbm>>
      tpu.wait_dma2 semaphore(%dma_wait3A_446 : memref<!tpu.dma_semaphore, #tpu.memory_space<semaphore_mem>>) src(%dma_wait3A_454 : memref<80x128xf32, #tpu.memory_space<hbm>>) dst(%dma_wait3A_450 : memref<80x128xf32, #tpu.memory_space<vmem>>)
      %parallel_loop3A_455 = arith.constant 0 : i32
      %parallel_loop3A_456 = arith.constant 80 : i32
      %parallel_loop3A_457 = arith.constant 1 : i32
      scf.for %parallel_loop3A_645 = %parallel_loop3A_455 to %parallel_loop3A_456 step %parallel_loop3A_457  : i32 {
        %parallel_loop3A_646 = arith.constant 1 : i32
        %parallel_loop3A_647 = arith.index_cast %parallel_loop3A_646 : i32 to index
        %parallel_loop3A_648 = arith.index_cast %parallel_loop3A_645 : i32 to index
        %parallel_loop3A_649 = arith.constant 0 : index
        %parallel_loop3A_650 = tpu.vector_load %arg11[%parallel_loop3A_647, %parallel_loop3A_648, %parallel_loop3A_649] {strides = array<i32>} : memref<4x80x128xf32, #tpu.memory_space<vmem>>, vector<1x1x16xf32>,
        %parallel_loop3A_651 = vector.shape_cast %parallel_loop3A_650 : vector<1x1x16xf32> to vector<16xf32>
        %parallel_loop3A_652 = arith.constant 11.3137083 : f32
        %parallel_loop3A_653 = vector.broadcast %parallel_loop3A_652 : f32 to vector<16xf32>
        %parallel_loop3A_654 = arith.mulf %parallel_loop3A_651, %parallel_loop3A_653 : vector<16xf32>
        %parallel_loop3A_655 = arith.constant 1 : i32
        %parallel_loop3A_656 = arith.index_cast %parallel_loop3A_655 : i32 to index
        %parallel_loop3A_657 = arith.index_cast %parallel_loop3A_645 : i32 to index
        %parallel_loop3A_658 = arith.constant 0 : index
        %parallel_loop3A_659 = tpu.vector_load %arg12[%parallel_loop3A_656, %parallel_loop3A_657, %parallel_loop3A_658] {strides = array<i32>} : memref<4x80x128xf32, #tpu.memory_space<vmem>>, vector<1x1x16xf32>,
        %parallel_loop3A_660 = vector.shape_cast %parallel_loop3A_659 : vector<1x1x16xf32> to vector<16xf32>
        %parallel_loop3A_661 = vector.shape_cast %parallel_loop3A_654 : vector<16xf32> to vector<1x1x16xf32>
        tpu.vector_store %arg12[%parallel_loop3A_656, %parallel_loop3A_657, %parallel_loop3A_658], %parallel_loop3A_661 {add = true, strides = array<i32>} : memref<4x80x128xf32, #tpu.memory_space<vmem>>, vector<1x1x16xf32>,
        %parallel_loop3A_662 = arith.constant 1 : i32
        %parallel_loop3A_663 = arith.index_cast %parallel_loop3A_662 : i32 to index
        %parallel_loop3A_664 = arith.index_cast %parallel_loop3A_645 : i32 to index
        %parallel_loop3A_665 = arith.constant 16 : index
        %parallel_loop3A_666 = tpu.vector_load %arg11[%parallel_loop3A_663, %parallel_loop3A_664, %parallel_loop3A_665] {strides = array<i32>} : memref<4x80x128xf32, #tpu.memory_space<vmem>>, vector<1x1x16xf32>,
        %parallel_loop3A_667 = vector.shape_cast %parallel_loop3A_666 : vector<1x1x16xf32> to vector<16xf32>
        %parallel_loop3A_668 = arith.constant 11.3137083 : f32
        %parallel_loop3A_669 = vector.broadcast %parallel_loop3A_668 : f32 to vector<16xf32>
        %parallel_loop3A_670 = arith.mulf %parallel_loop3A_667, %parallel_loop3A_669 : vector<16xf32>
        %parallel_loop3A_671 = arith.constant 1 : i32
        %parallel_loop3A_672 = arith.index_cast %parallel_loop3A_671 : i32 to index
        %parallel_loop3A_673 = arith.index_cast %parallel_loop3A_645 : i32 to index
        %parallel_loop3A_674 = arith.constant 16 : index
        %parallel_loop3A_675 = tpu.vector_load %arg12[%parallel_loop3A_672, %parallel_loop3A_673, %parallel_loop3A_674] {strides = array<i32>} : memref<4x80x128xf32, #tpu.memory_space<vmem>>, vector<1x1x16xf32>,
        %parallel_loop3A_676 = vector.shape_cast %parallel_loop3A_675 : vector<1x1x16xf32> to vector<16xf32>
        %parallel_loop3A_677 = vector.shape_cast %parallel_loop3A_670 : vector<16xf32> to vector<1x1x16xf32>
        tpu.vector_store %arg12[%parallel_loop3A_672, %parallel_loop3A_673, %parallel_loop3A_674], %parallel_loop3A_677 {add = true, strides = array<i32>} : memref<4x80x128xf32, #tpu.memory_space<vmem>>, vector<1x1x16xf32>,
        %parallel_loop3A_678 = arith.constant 1 : i32
        %parallel_loop3A_679 = arith.index_cast %parallel_loop3A_678 : i32 to index
        %parallel_loop3A_680 = arith.index_cast %parallel_loop3A_645 : i32 to index
        %parallel_loop3A_681 = arith.constant 32 : index
        %parallel_loop3A_682 = tpu.vector_load %arg11[%parallel_loop3A_679, %parallel_loop3A_680, %parallel_loop3A_681] {strides = array<i32>} : memref<4x80x128xf32, #tpu.memory_space<vmem>>, vector<1x1x16xf32>,
        %parallel_loop3A_683 = vector.shape_cast %parallel_loop3A_682 : vector<1x1x16xf32> to vector<16xf32>
        %parallel_loop3A_684 = arith.constant 11.3137083 : f32
        %parallel_loop3A_685 = vector.broadcast %parallel_loop3A_684 : f32 to vector<16xf32>
        %parallel_loop3A_686 = arith.mulf %parallel_loop3A_683, %parallel_loop3A_685 : vector<16xf32>
        %parallel_loop3A_687 = arith.constant 1 : i32
        %parallel_loop3A_688 = arith.index_cast %parallel_loop3A_687 : i32 to index
        %parallel_loop3A_689 = arith.index_cast %parallel_loop3A_645 : i32 to index
        %parallel_loop3A_690 = arith.constant 32 : index
        %parallel_loop3A_691 = tpu.vector_load %arg12[%parallel_loop3A_688, %parallel_loop3A_689, %parallel_loop3A_690] {strides = array<i32>} : memref<4x80x128xf32, #tpu.memory_space<vmem>>, vector<1x1x16xf32>,
        %parallel_loop3A_692 = vector.shape_cast %parallel_loop3A_691 : vector<1x1x16xf32> to vector<16xf32>
        %parallel_loop3A_693 = vector.shape_cast %parallel_loop3A_686 : vector<16xf32> to vector<1x1x16xf32>
        tpu.vector_store %arg12[%parallel_loop3A_688, %parallel_loop3A_689, %parallel_loop3A_690], %parallel_loop3A_693 {add = true, strides = array<i32>} : memref<4x80x128xf32, #tpu.memory_space<vmem>>, vector<1x1x16xf32>,
        %parallel_loop3A_694 = arith.constant 1 : i32
        %parallel_loop3A_695 = arith.index_cast %parallel_loop3A_694 : i32 to index
        %parallel_loop3A_696 = arith.index_cast %parallel_loop3A_645 : i32 to index
        %parallel_loop3A_697 = arith.constant 48 : index
        %parallel_loop3A_698 = tpu.vector_load %arg11[%parallel_loop3A_695, %parallel_loop3A_696, %parallel_loop3A_697] {strides = array<i32>} : memref<4x80x128xf32, #tpu.memory_space<vmem>>, vector<1x1x16xf32>,
        %parallel_loop3A_699 = vector.shape_cast %parallel_loop3A_698 : vector<1x1x16xf32> to vector<16xf32>
        %parallel_loop3A_700 = arith.constant 11.3137083 : f32
        %parallel_loop3A_701 = vector.broadcast %parallel_loop3A_700 : f32 to vector<16xf32>
        %parallel_loop3A_702 = arith.mulf %parallel_loop3A_699, %parallel_loop3A_701 : vector<16xf32>
        %parallel_loop3A_703 = arith.constant 1 : i32
        %parallel_loop3A_704 = arith.index_cast %parallel_loop3A_703 : i32 to index
        %parallel_loop3A_705 = arith.index_cast %parallel_loop3A_645 : i32 to index
        %parallel_loop3A_706 = arith.constant 48 : index
        %parallel_loop3A_707 = tpu.vector_load %arg12[%parallel_loop3A_704, %parallel_loop3A_705, %parallel_loop3A_706] {strides = array<i32>} : memref<4x80x128xf32, #tpu.memory_space<vmem>>, vector<1x1x16xf32>,
        %parallel_loop3A_708 = vector.shape_cast %parallel_loop3A_707 : vector<1x1x16xf32> to vector<16xf32>
        %parallel_loop3A_709 = vector.shape_cast %parallel_loop3A_702 : vector<16xf32> to vector<1x1x16xf32>
        tpu.vector_store %arg12[%parallel_loop3A_704, %parallel_loop3A_705, %parallel_loop3A_706], %parallel_loop3A_709 {add = true, strides = array<i32>} : memref<4x80x128xf32, #tpu.memory_space<vmem>>, vector<1x1x16xf32>,
        %parallel_loop3A_710 = arith.constant 1 : i32
        %parallel_loop3A_711 = arith.index_cast %parallel_loop3A_710 : i32 to index
        %parallel_loop3A_712 = arith.index_cast %parallel_loop3A_645 : i32 to index
        %parallel_loop3A_713 = arith.constant 64 : index
        %parallel_loop3A_714 = tpu.vector_load %arg11[%parallel_loop3A_711, %parallel_loop3A_712, %parallel_loop3A_713] {strides = array<i32>} : memref<4x80x128xf32, #tpu.memory_space<vmem>>, vector<1x1x16xf32>,
        %parallel_loop3A_715 = vector.shape_cast %parallel_loop3A_714 : vector<1x1x16xf32> to vector<16xf32>
        %parallel_loop3A_716 = arith.constant 11.3137083 : f32
        %parallel_loop3A_717 = vector.broadcast %parallel_loop3A_716 : f32 to vector<16xf32>
        %parallel_loop3A_718 = arith.mulf %parallel_loop3A_715, %parallel_loop3A_717 : vector<16xf32>
        %parallel_loop3A_719 = arith.constant 1 : i32
        %parallel_loop3A_720 = arith.index_cast %parallel_loop3A_719 : i32 to index
        %parallel_loop3A_721 = arith.index_cast %parallel_loop3A_645 : i32 to index
        %parallel_loop3A_722 = arith.constant 64 : index
        %parallel_loop3A_723 = tpu.vector_load %arg12[%parallel_loop3A_720, %parallel_loop3A_721, %parallel_loop3A_722] {strides = array<i32>} : memref<4x80x128xf32, #tpu.memory_space<vmem>>, vector<1x1x16xf32>,
        %parallel_loop3A_724 = vector.shape_cast %parallel_loop3A_723 : vector<1x1x16xf32> to vector<16xf32>
        %parallel_loop3A_725 = vector.shape_cast %parallel_loop3A_718 : vector<16xf32> to vector<1x1x16xf32>
        tpu.vector_store %arg12[%parallel_loop3A_720, %parallel_loop3A_721, %parallel_loop3A_722], %parallel_loop3A_725 {add = true, strides = array<i32>} : memref<4x80x128xf32, #tpu.memory_space<vmem>>, vector<1x1x16xf32>,
        %parallel_loop3A_726 = arith.constant 1 : i32
        %parallel_loop3A_727 = arith.index_cast %parallel_loop3A_726 : i32 to index
        %parallel_loop3A_728 = arith.index_cast %parallel_loop3A_645 : i32 to index
        %parallel_loop3A_729 = arith.constant 80 : index
        %parallel_loop3A_730 = tpu.vector_load %arg11[%parallel_loop3A_727, %parallel_loop3A_728, %parallel_loop3A_729] {strides = array<i32>} : memref<4x80x128xf32, #tpu.memory_space<vmem>>, vector<1x1x16xf32>,
        %parallel_loop3A_731 = vector.shape_cast %parallel_loop3A_730 : vector<1x1x16xf32> to vector<16xf32>
        %parallel_loop3A_732 = arith.constant 11.3137083 : f32
        %parallel_loop3A_733 = vector.broadcast %parallel_loop3A_732 : f32 to vector<16xf32>
        %parallel_loop3A_734 = arith.mulf %parallel_loop3A_731, %parallel_loop3A_733 : vector<16xf32>
        %parallel_loop3A_735 = arith.constant 1 : i32
        %parallel_loop3A_736 = arith.index_cast %parallel_loop3A_735 : i32 to index
        %parallel_loop3A_737 = arith.index_cast %parallel_loop3A_645 : i32 to index
        %parallel_loop3A_738 = arith.constant 80 : index
        %parallel_loop3A_739 = tpu.vector_load %arg12[%parallel_loop3A_736, %parallel_loop3A_737, %parallel_loop3A_738] {strides = array<i32>} : memref<4x80x128xf32, #tpu.memory_space<vmem>>, vector<1x1x16xf32>,
        %parallel_loop3A_740 = vector.shape_cast %parallel_loop3A_739 : vector<1x1x16xf32> to vector<16xf32>
        %parallel_loop3A_741 = vector.shape_cast %parallel_loop3A_734 : vector<16xf32> to vector<1x1x16xf32>
        tpu.vector_store %arg12[%parallel_loop3A_736, %parallel_loop3A_737, %parallel_loop3A_738], %parallel_loop3A_741 {add = true, strides = array<i32>} : memref<4x80x128xf32, #tpu.memory_space<vmem>>, vector<1x1x16xf32>,
        %parallel_loop3A_742 = arith.constant 1 : i32
        %parallel_loop3A_743 = arith.index_cast %parallel_loop3A_742 : i32 to index
        %parallel_loop3A_744 = arith.index_cast %parallel_loop3A_645 : i32 to index
        %parallel_loop3A_745 = arith.constant 96 : index
        %parallel_loop3A_746 = tpu.vector_load %arg11[%parallel_loop3A_743, %parallel_loop3A_744, %parallel_loop3A_745] {strides = array<i32>} : memref<4x80x128xf32, #tpu.memory_space<vmem>>, vector<1x1x16xf32>,
        %parallel_loop3A_747 = vector.shape_cast %parallel_loop3A_746 : vector<1x1x16xf32> to vector<16xf32>
        %parallel_loop3A_748 = arith.constant 11.3137083 : f32
        %parallel_loop3A_749 = vector.broadcast %parallel_loop3A_748 : f32 to vector<16xf32>
        %parallel_loop3A_750 = arith.mulf %parallel_loop3A_747, %parallel_loop3A_749 : vector<16xf32>
        %parallel_loop3A_751 = arith.constant 1 : i32
        %parallel_loop3A_752 = arith.index_cast %parallel_loop3A_751 : i32 to index
        %parallel_loop3A_753 = arith.index_cast %parallel_loop3A_645 : i32 to index
        %parallel_loop3A_754 = arith.constant 96 : index
        %parallel_loop3A_755 = tpu.vector_load %arg12[%parallel_loop3A_752, %parallel_loop3A_753, %parallel_loop3A_754] {strides = array<i32>} : memref<4x80x128xf32, #tpu.memory_space<vmem>>, vector<1x1x16xf32>,
        %parallel_loop3A_756 = vector.shape_cast %parallel_loop3A_755 : vector<1x1x16xf32> to vector<16xf32>
        %parallel_loop3A_757 = vector.shape_cast %parallel_loop3A_750 : vector<16xf32> to vector<1x1x16xf32>
        tpu.vector_store %arg12[%parallel_loop3A_752, %parallel_loop3A_753, %parallel_loop3A_754], %parallel_loop3A_757 {add = true, strides = array<i32>} : memref<4x80x128xf32, #tpu.memory_space<vmem>>, vector<1x1x16xf32>,
        %parallel_loop3A_758 = arith.constant 1 : i32
        %parallel_loop3A_759 = arith.index_cast %parallel_loop3A_758 : i32 to index
        %parallel_loop3A_760 = arith.index_cast %parallel_loop3A_645 : i32 to index
        %parallel_loop3A_761 = arith.constant 112 : index
        %parallel_loop3A_762 = tpu.vector_load %arg11[%parallel_loop3A_759, %parallel_loop3A_760, %parallel_loop3A_761] {strides = array<i32>} : memref<4x80x128xf32, #tpu.memory_space<vmem>>, vector<1x1x16xf32>,
        %parallel_loop3A_763 = vector.shape_cast %parallel_loop3A_762 : vector<1x1x16xf32> to vector<16xf32>
        %parallel_loop3A_764 = arith.constant 11.3137083 : f32
        %parallel_loop3A_765 = vector.broadcast %parallel_loop3A_764 : f32 to vector<16xf32>
        %parallel_loop3A_766 = arith.mulf %parallel_loop3A_763, %parallel_loop3A_765 : vector<16xf32>
        %parallel_loop3A_767 = arith.constant 1 : i32
        %parallel_loop3A_768 = arith.index_cast %parallel_loop3A_767 : i32 to index
        %parallel_loop3A_769 = arith.index_cast %parallel_loop3A_645 : i32 to index
        %parallel_loop3A_770 = arith.constant 112 : index
        %parallel_loop3A_771 = tpu.vector_load %arg12[%parallel_loop3A_768, %parallel_loop3A_769, %parallel_loop3A_770] {strides = array<i32>} : memref<4x80x128xf32, #tpu.memory_space<vmem>>, vector<1x1x16xf32>,
        %parallel_loop3A_772 = vector.shape_cast %parallel_loop3A_771 : vector<1x1x16xf32> to vector<16xf32>
        %parallel_loop3A_773 = vector.shape_cast %parallel_loop3A_766 : vector<16xf32> to vector<1x1x16xf32>
        tpu.vector_store %arg12[%parallel_loop3A_768, %parallel_loop3A_769, %parallel_loop3A_770], %parallel_loop3A_773 {add = true, strides = array<i32>} : memref<4x80x128xf32, #tpu.memory_space<vmem>>, vector<1x1x16xf32>,
      } {sc.loop_unroll_factor = 4 : i64, sc.parallel_access}
      %mul3A_458 = arith.constant 320 : i32
      %mul3A_459 = arith.muli %add3A, %mul3A_458 : i32
      %add3A_460 = arith.addi %mul3A_459, %add3A_402 : i32
      %dma_start3A_461 = arith.constant 1 : i32
      %dma_start3A_462 = arith.constant 1 : i32
      %dma_start3A_463 = arith.constant 0 : i32
      %dma_start3A_464 = arith.constant 0 : i32
      %dma_start3A_465 = tpu.memref_slice %arg12[%dma_start3A_461, %dma_start3A_463, %dma_start3A_464] : memref<4x80x128xf32, #tpu.memory_space<vmem>> -> memref<1x80x128xf32, #tpu.memory_space<vmem>>
      %dma_start3A_466 = tpu.memref_squeeze %dma_start3A_465 : memref<1x80x128xf32, #tpu.memory_space<vmem>> -> memref<80x128xf32, #tpu.memory_space<vmem>>
      %dma_start3A_467 = arith.constant 0 : i32
      %dma_start3A_468 = arith.constant 0 : i32
      %dma_start3A_469 = tpu.memref_slice %arg6[%add3A_460, %dma_start3A_467, %dma_start3A_468] : memref<10240x80x128xf32, #tpu.memory_space<hbm>> -> memref<1x80x128xf32, #tpu.memory_space<hbm>>
      %dma_start3A_470 = tpu.memref_squeeze %dma_start3A_469 : memref<1x80x128xf32, #tpu.memory_space<hbm>> -> memref<80x128xf32, #tpu.memory_space<hbm>>
      %dma_start3A_471 = tpu.memref_slice %arg16[%dma_start3A_462] : memref<4x!tpu.dma_semaphore, #tpu.memory_space<semaphore_mem>> -> memref<1x!tpu.dma_semaphore, #tpu.memory_space<semaphore_mem>>
      %dma_start3A_472 = tpu.memref_squeeze %dma_start3A_471 : memref<1x!tpu.dma_semaphore, #tpu.memory_space<semaphore_mem>> -> memref<!tpu.dma_semaphore, #tpu.memory_space<semaphore_mem>>
      %dma_start3A_473 = arith.constant 0 : i32
      %dma_start3A_474 = arith.constant 0 : i32
      %dma_start3A_475 = tpu.memref_slice %arg6[%add3A_460, %dma_start3A_473, %dma_start3A_474] : memref<10240x80x128xf32, #tpu.memory_space<hbm>> -> memref<1x80x128xf32, #tpu.memory_space<hbm>>
      %dma_start3A_476 = tpu.memref_squeeze %dma_start3A_475 : memref<1x80x128xf32, #tpu.memory_space<hbm>> -> memref<80x128xf32, #tpu.memory_space<hbm>>
      %dma_start3A_477 = arith.constant 0 : i32
      %dma_start3A_478 = arith.constant 0 : i32
      %dma_start3A_479 = tpu.memref_slice %arg12[%dma_start3A_461, %dma_start3A_477, %dma_start3A_478] : memref<4x80x128xf32, #tpu.memory_space<vmem>> -> memref<1x80x128xf32, #tpu.memory_space<vmem>>
      %dma_start3A_480 = tpu.memref_squeeze %dma_start3A_479 : memref<1x80x128xf32, #tpu.memory_space<vmem>> -> memref<80x128xf32, #tpu.memory_space<vmem>>
      tpu.enqueue_dma source(%dma_start3A_480 : memref<80x128xf32, #tpu.memory_space<vmem>>) target(%dma_start3A_476 : memref<80x128xf32, #tpu.memory_space<hbm>>) target_semaphore(%dma_start3A_472 : memref<!tpu.dma_semaphore, #tpu.memory_space<semaphore_mem>>)
      %mul3A_481 = arith.constant 4 : i32
      %mul3A_482 = arith.muli %mul3A_481, %scan3A_317 : i32
      %add3A_483 = arith.constant 2 : i32
      %add3A_484 = arith.addi %mul3A_482, %add3A_483 : i32
      %add3A_485 = arith.constant 3 : i32
      %add3A_486 = arith.addi %add3A_484, %add3A_485 : i32
      %lt3A_487 = arith.constant 320 : i32
      %lt3A_488 = arith.cmpi slt, %add3A_486, %lt3A_487 : i32
      %convert_element_type3A_489 = arith.extui %lt3A_488 : i1 to i32
      %cond3A_490 = arith.constant 0 : i32
      %cond3A_491 = arith.cmpi ne, %convert_element_type3A_489, %cond3A_490 : i32
      scf.if %cond3A_491 {
        %add3A_645 = arith.constant 3 : i32
        %add3A_646 = arith.addi %add3A_484, %add3A_645 : i32
        %mul3A_647 = arith.constant 80 : i32
        %mul3A_648 = arith.muli %add3A_646, %mul3A_647 : i32
        %add3A_649 = arith.addi %mul3A_2, %mul3A_648 : i32
        %dma_start3A_650 = arith.constant 1 : i32
        %dma_start3A_651 = arith.constant 1 : i32
        %dma_start3A_652 = arith.constant 0 : i32
        %dma_start3A_653 = tpu.memref_slice %arg8[%dma_start3A_650, %dma_start3A_652] : memref<4x80xi32, #tpu.memory_space<vmem>> -> memref<1x80xi32, #tpu.memory_space<vmem>>
        %dma_start3A_654 = tpu.memref_squeeze %dma_start3A_653 : memref<1x80xi32, #tpu.memory_space<vmem>> -> memref<80xi32, #tpu.memory_space<vmem>>
        %dma_start3A_655 = tpu.memref_slice %arg3[%add3A_649] : memref<819200xi32, #tpu.memory_space<hbm>> -> memref<80xi32, #tpu.memory_space<hbm>>
        %dma_start3A_656 = tpu.memref_slice %arg13[%dma_start3A_651] : memref<4x!tpu.dma_semaphore, #tpu.memory_space<semaphore_mem>> -> memref<1x!tpu.dma_semaphore, #tpu.memory_space<semaphore_mem>>
        %dma_start3A_657 = tpu.memref_squeeze %dma_start3A_656 : memref<1x!tpu.dma_semaphore, #tpu.memory_space<semaphore_mem>> -> memref<!tpu.dma_semaphore, #tpu.memory_space<semaphore_mem>>
        %dma_start3A_658 = arith.constant 0 : i32
        %dma_start3A_659 = tpu.memref_slice %arg8[%dma_start3A_650, %dma_start3A_658] : memref<4x80xi32, #tpu.memory_space<vmem>> -> memref<1x80xi32, #tpu.memory_space<vmem>>
        %dma_start3A_660 = tpu.memref_squeeze %dma_start3A_659 : memref<1x80xi32, #tpu.memory_space<vmem>> -> memref<80xi32, #tpu.memory_space<vmem>>
        %dma_start3A_661 = tpu.memref_slice %arg3[%add3A_649] : memref<819200xi32, #tpu.memory_space<hbm>> -> memref<80xi32, #tpu.memory_space<hbm>>
        tpu.enqueue_dma source(%dma_start3A_661 : memref<80xi32, #tpu.memory_space<hbm>>) target(%dma_start3A_660 : memref<80xi32, #tpu.memory_space<vmem>>) target_semaphore(%dma_start3A_657 : memref<!tpu.dma_semaphore, #tpu.memory_space<semaphore_mem>>)
        %dma_start3A_662 = arith.constant 1 : i32
        %dma_start3A_663 = arith.constant 1 : i32
        %dma_start3A_664 = arith.constant 0 : i32
        %dma_start3A_665 = tpu.memref_slice %arg9[%dma_start3A_662, %dma_start3A_664] : memref<4x80xi32, #tpu.memory_space<vmem>> -> memref<1x80xi32, #tpu.memory_space<vmem>>
        %dma_start3A_666 = tpu.memref_squeeze %dma_start3A_665 : memref<1x80xi32, #tpu.memory_space<vmem>> -> memref<80xi32, #tpu.memory_space<vmem>>
        %dma_start3A_667 = tpu.memref_slice %arg4[%add3A_649] : memref<819200xi32, #tpu.memory_space<hbm>> -> memref<80xi32, #tpu.memory_space<hbm>>
        %dma_start3A_668 = tpu.memref_slice %arg13[%dma_start3A_663] : memref<4x!tpu.dma_semaphore, #tpu.memory_space<semaphore_mem>> -> memref<1x!tpu.dma_semaphore, #tpu.memory_space<semaphore_mem>>
        %dma_start3A_669 = tpu.memref_squeeze %dma_start3A_668 : memref<1x!tpu.dma_semaphore, #tpu.memory_space<semaphore_mem>> -> memref<!tpu.dma_semaphore, #tpu.memory_space<semaphore_mem>>
        %dma_start3A_670 = arith.constant 0 : i32
        %dma_start3A_671 = tpu.memref_slice %arg9[%dma_start3A_662, %dma_start3A_670] : memref<4x80xi32, #tpu.memory_space<vmem>> -> memref<1x80xi32, #tpu.memory_space<vmem>>
        %dma_start3A_672 = tpu.memref_squeeze %dma_start3A_671 : memref<1x80xi32, #tpu.memory_space<vmem>> -> memref<80xi32, #tpu.memory_space<vmem>>
        %dma_start3A_673 = tpu.memref_slice %arg4[%add3A_649] : memref<819200xi32, #tpu.memory_space<hbm>> -> memref<80xi32, #tpu.memory_space<hbm>>
        tpu.enqueue_dma source(%dma_start3A_673 : memref<80xi32, #tpu.memory_space<hbm>>) target(%dma_start3A_672 : memref<80xi32, #tpu.memory_space<vmem>>) target_semaphore(%dma_start3A_669 : memref<!tpu.dma_semaphore, #tpu.memory_space<semaphore_mem>>)
      } else {
      }
      %add3A_492 = arith.constant 2 : i32
      %add3A_493 = arith.addi %add3A_484, %add3A_492 : i32
      %lt3A_494 = arith.constant 320 : i32
      %lt3A_495 = arith.cmpi slt, %add3A_493, %lt3A_494 : i32
      %convert_element_type3A_496 = arith.extui %lt3A_495 : i1 to i32
      %cond3A_497 = arith.constant 0 : i32
      %cond3A_498 = arith.cmpi ne, %convert_element_type3A_496, %cond3A_497 : i32
      scf.if %cond3A_498 {
        %add3A_645 = arith.constant 2 : i32
        %add3A_646 = arith.addi %add3A_484, %add3A_645 : i32
        %jit3A = arith.constant 4 : i32
        %eq3A_647 = arith.constant 0 : i32
        %eq3A_648 = arith.cmpi eq, %jit3A, %eq3A_647 : i32
        %jit3A_649 = arith.constant 1 : i32
        %select_n3A = arith.select %eq3A_648, %jit3A_649, %jit3A : i32
        %rem3A = arith.remsi %add3A_646, %select_n3A : i32
        %ne3A = arith.constant 0 : i32
        %ne3A_650 = arith.cmpi ne, %rem3A, %ne3A : i32
        %lt3A_651 = arith.constant 0 : i32
        %lt3A_652 = arith.cmpi slt, %rem3A, %lt3A_651 : i32
        %lt3A_653 = arith.constant 0 : i32
        %lt3A_654 = arith.cmpi slt, %select_n3A, %lt3A_653 : i32
        %ne3A_655 = arith.xori %lt3A_652, %lt3A_654 : i1
        %and3A = arith.andi %ne3A_655, %ne3A_650 : i1
        %add3A_656 = arith.addi %rem3A, %select_n3A : i32
        %select_n3A_657 = arith.select %and3A, %add3A_656, %rem3A : i32
        %mul3A_658 = arith.constant 80 : i32
        %mul3A_659 = arith.muli %add3A_646, %mul3A_658 : i32
        %add3A_660 = arith.addi %mul3A_2, %mul3A_659 : i32
        %dma_wait3A_661 = arith.constant 0 : i32
        %dma_wait3A_662 = tpu.memref_slice %arg8[%select_n3A_657, %dma_wait3A_661] : memref<4x80xi32, #tpu.memory_space<vmem>> -> memref<1x80xi32, #tpu.memory_space<vmem>>
        %dma_wait3A_663 = tpu.memref_squeeze %dma_wait3A_662 : memref<1x80xi32, #tpu.memory_space<vmem>> -> memref<80xi32, #tpu.memory_space<vmem>>
        %dma_wait3A_664 = tpu.memref_slice %arg3[%add3A_660] : memref<819200xi32, #tpu.memory_space<hbm>> -> memref<80xi32, #tpu.memory_space<hbm>>
        %dma_wait3A_665 = tpu.memref_slice %arg13[%select_n3A_657] : memref<4x!tpu.dma_semaphore, #tpu.memory_space<semaphore_mem>> -> memref<1x!tpu.dma_semaphore, #tpu.memory_space<semaphore_mem>>
        %dma_wait3A_666 = tpu.memref_squeeze %dma_wait3A_665 : memref<1x!tpu.dma_semaphore, #tpu.memory_space<semaphore_mem>> -> memref<!tpu.dma_semaphore, #tpu.memory_space<semaphore_mem>>
        %dma_wait3A_667 = arith.constant 0 : i32
        %dma_wait3A_668 = tpu.memref_slice %arg8[%select_n3A_657, %dma_wait3A_667] : memref<4x80xi32, #tpu.memory_space<vmem>> -> memref<1x80xi32, #tpu.memory_space<vmem>>
        %dma_wait3A_669 = tpu.memref_squeeze %dma_wait3A_668 : memref<1x80xi32, #tpu.memory_space<vmem>> -> memref<80xi32, #tpu.memory_space<vmem>>
        %dma_wait3A_670 = tpu.memref_slice %arg3[%add3A_660] : memref<819200xi32, #tpu.memory_space<hbm>> -> memref<80xi32, #tpu.memory_space<hbm>>
        tpu.wait_dma2 semaphore(%dma_wait3A_666 : memref<!tpu.dma_semaphore, #tpu.memory_space<semaphore_mem>>) src(%dma_wait3A_670 : memref<80xi32, #tpu.memory_space<hbm>>) dst(%dma_wait3A_669 : memref<80xi32, #tpu.memory_space<vmem>>)
        %dma_wait3A_671 = arith.constant 0 : i32
        %dma_wait3A_672 = tpu.memref_slice %arg9[%select_n3A_657, %dma_wait3A_671] : memref<4x80xi32, #tpu.memory_space<vmem>> -> memref<1x80xi32, #tpu.memory_space<vmem>>
        %dma_wait3A_673 = tpu.memref_squeeze %dma_wait3A_672 : memref<1x80xi32, #tpu.memory_space<vmem>> -> memref<80xi32, #tpu.memory_space<vmem>>
        %dma_wait3A_674 = tpu.memref_slice %arg4[%add3A_660] : memref<819200xi32, #tpu.memory_space<hbm>> -> memref<80xi32, #tpu.memory_space<hbm>>
        %dma_wait3A_675 = tpu.memref_slice %arg13[%select_n3A_657] : memref<4x!tpu.dma_semaphore, #tpu.memory_space<semaphore_mem>> -> memref<1x!tpu.dma_semaphore, #tpu.memory_space<semaphore_mem>>
        %dma_wait3A_676 = tpu.memref_squeeze %dma_wait3A_675 : memref<1x!tpu.dma_semaphore, #tpu.memory_space<semaphore_mem>> -> memref<!tpu.dma_semaphore, #tpu.memory_space<semaphore_mem>>
        %dma_wait3A_677 = arith.constant 0 : i32
        %dma_wait3A_678 = tpu.memref_slice %arg9[%select_n3A_657, %dma_wait3A_677] : memref<4x80xi32, #tpu.memory_space<vmem>> -> memref<1x80xi32, #tpu.memory_space<vmem>>
        %dma_wait3A_679 = tpu.memref_squeeze %dma_wait3A_678 : memref<1x80xi32, #tpu.memory_space<vmem>> -> memref<80xi32, #tpu.memory_space<vmem>>
        %dma_wait3A_680 = tpu.memref_slice %arg4[%add3A_660] : memref<819200xi32, #tpu.memory_space<hbm>> -> memref<80xi32, #tpu.memory_space<hbm>>
        tpu.wait_dma2 semaphore(%dma_wait3A_676 : memref<!tpu.dma_semaphore, #tpu.memory_space<semaphore_mem>>) src(%dma_wait3A_680 : memref<80xi32, #tpu.memory_space<hbm>>) dst(%dma_wait3A_679 : memref<80xi32, #tpu.memory_space<vmem>>)
        %parallel_loop3A_681 = arith.constant 0 : i32
        %parallel_loop3A_682 = arith.constant 80 : i32
        %parallel_loop3A_683 = arith.constant 16 : i32
        scf.for %parallel_loop3A_721 = %parallel_loop3A_681 to %parallel_loop3A_682 step %parallel_loop3A_683  : i32 {
          %parallel_loop3A_722 = arith.index_cast %select_n3A_657 : i32 to index
          %parallel_loop3A_723 = arith.index_cast %parallel_loop3A_721 : i32 to index
          %parallel_loop3A_724 = tpu.vector_load %arg9[%parallel_loop3A_722, %parallel_loop3A_723] {strides = array<i32>} : memref<4x80xi32, #tpu.memory_space<vmem>>, vector<1x16xi32>,
          %parallel_loop3A_725 = vector.shape_cast %parallel_loop3A_724 : vector<1x16xi32> to vector<16xi32>
          %parallel_loop3A_726 = arith.constant 0 : i32
          %parallel_loop3A_727 = vector.broadcast %parallel_loop3A_726 : i32 to vector<16xi32>
          %parallel_loop3A_728 = arith.cmpi ne, %parallel_loop3A_725, %parallel_loop3A_727 : vector<16xi32>
          %parallel_loop3A_729 = arith.index_cast %select_n3A_657 : i32 to index
          %parallel_loop3A_730 = arith.index_cast %parallel_loop3A_721 : i32 to index
          %parallel_loop3A_731 = tpu.vector_load %arg8[%parallel_loop3A_729, %parallel_loop3A_730] {strides = array<i32>} : memref<4x80xi32, #tpu.memory_space<vmem>>, vector<1x16xi32>,
          %parallel_loop3A_732 = vector.shape_cast %parallel_loop3A_731 : vector<1x16xi32> to vector<16xi32>
          %parallel_loop3A_733 = arith.constant 5000 : i32
          %parallel_loop3A_734 = vector.broadcast %parallel_loop3A_733 : i32 to vector<16xi32>
          %parallel_loop3A_735 = arith.minsi %parallel_loop3A_732, %parallel_loop3A_734 : vector<16xi32>
          %parallel_loop3A_736 = arith.constant 5000 : i32
          %parallel_loop3A_737 = vector.broadcast %parallel_loop3A_736 : i32 to vector<16xi32>
          %parallel_loop3A_738 = arith.select %parallel_loop3A_728, %parallel_loop3A_737, %parallel_loop3A_735 : vector<16xi1>, vector<16xi32>
          %parallel_loop3A_739 = arith.index_cast %select_n3A_657 : i32 to index
          %parallel_loop3A_740 = arith.index_cast %parallel_loop3A_721 : i32 to index
          %parallel_loop3A_741 = tpu.vector_load %arg10[%parallel_loop3A_739, %parallel_loop3A_740] {strides = array<i32>} : memref<4x80xi32, #tpu.memory_space<vmem>>, vector<1x16xi32>,
          %parallel_loop3A_742 = vector.shape_cast %parallel_loop3A_741 : vector<1x16xi32> to vector<16xi32>
          %parallel_loop3A_743 = vector.shape_cast %parallel_loop3A_738 : vector<16xi32> to vector<1x16xi32>
          tpu.vector_store %arg10[%parallel_loop3A_739, %parallel_loop3A_740], %parallel_loop3A_743 {strides = array<i32>} : memref<4x80xi32, #tpu.memory_space<vmem>>, vector<1x16xi32>,
        } {sc.loop_unroll_factor = 1 : i64, sc.parallel_access}
        %ge3A = arith.constant 4 : i32
        %ge3A_684 = arith.cmpi sge, %add3A_646, %ge3A : i32
        %convert_element_type3A_685 = arith.extui %ge3A_684 : i1 to i32
        %cond3A_686 = arith.constant 0 : i32
        %cond3A_687 = arith.cmpi ne, %convert_element_type3A_685, %cond3A_686 : i32
        scf.if %cond3A_687 {
          %sub3A = arith.constant 4 : i32
          %sub3A_721 = arith.subi %add3A_646, %sub3A : i32
          %mul3A_722 = arith.constant 320 : i32
          %mul3A_723 = arith.muli %add3A, %mul3A_722 : i32
          %add3A_724 = arith.addi %mul3A_723, %sub3A_721 : i32
          %dma_wait3A_725 = arith.constant 0 : i32
          %dma_wait3A_726 = arith.constant 0 : i32
          %dma_wait3A_727 = tpu.memref_slice %arg12[%select_n3A_657, %dma_wait3A_725, %dma_wait3A_726] : memref<4x80x128xf32, #tpu.memory_space<vmem>> -> memref<1x80x128xf32, #tpu.memory_space<vmem>>
          %dma_wait3A_728 = tpu.memref_squeeze %dma_wait3A_727 : memref<1x80x128xf32, #tpu.memory_space<vmem>> -> memref<80x128xf32, #tpu.memory_space<vmem>>
          %dma_wait3A_729 = arith.constant 0 : i32
          %dma_wait3A_730 = arith.constant 0 : i32
          %dma_wait3A_731 = tpu.memref_slice %arg6[%add3A_724, %dma_wait3A_729, %dma_wait3A_730] : memref<10240x80x128xf32, #tpu.memory_space<hbm>> -> memref<1x80x128xf32, #tpu.memory_space<hbm>>
          %dma_wait3A_732 = tpu.memref_squeeze %dma_wait3A_731 : memref<1x80x128xf32, #tpu.memory_space<hbm>> -> memref<80x128xf32, #tpu.memory_space<hbm>>
          %dma_wait3A_733 = tpu.memref_slice %arg16[%select_n3A_657] : memref<4x!tpu.dma_semaphore, #tpu.memory_space<semaphore_mem>> -> memref<1x!tpu.dma_semaphore, #tpu.memory_space<semaphore_mem>>
          %dma_wait3A_734 = tpu.memref_squeeze %dma_wait3A_733 : memref<1x!tpu.dma_semaphore, #tpu.memory_space<semaphore_mem>> -> memref<!tpu.dma_semaphore, #tpu.memory_space<semaphore_mem>>
          %dma_wait3A_735 = arith.constant 0 : i32
          %dma_wait3A_736 = arith.constant 0 : i32
          %dma_wait3A_737 = tpu.memref_slice %arg6[%add3A_724, %dma_wait3A_735, %dma_wait3A_736] : memref<10240x80x128xf32, #tpu.memory_space<hbm>> -> memref<1x80x128xf32, #tpu.memory_space<hbm>>
          %dma_wait3A_738 = tpu.memref_squeeze %dma_wait3A_737 : memref<1x80x128xf32, #tpu.memory_space<hbm>> -> memref<80x128xf32, #tpu.memory_space<hbm>>
          %dma_wait3A_739 = arith.constant 0 : i32
          %dma_wait3A_740 = arith.constant 0 : i32
          %dma_wait3A_741 = tpu.memref_slice %arg12[%select_n3A_657, %dma_wait3A_739, %dma_wait3A_740] : memref<4x80x128xf32, #tpu.memory_space<vmem>> -> memref<1x80x128xf32, #tpu.memory_space<vmem>>
          %dma_wait3A_742 = tpu.memref_squeeze %dma_wait3A_741 : memref<1x80x128xf32, #tpu.memory_space<vmem>> -> memref<80x128xf32, #tpu.memory_space<vmem>>
          tpu.wait_dma2 semaphore(%dma_wait3A_734 : memref<!tpu.dma_semaphore, #tpu.memory_space<semaphore_mem>>) src(%dma_wait3A_742 : memref<80x128xf32, #tpu.memory_space<vmem>>) dst(%dma_wait3A_738 : memref<80x128xf32, #tpu.memory_space<hbm>>)
        } else {
        }
        %mul3A_688 = arith.constant 320 : i32
        %mul3A_689 = arith.muli %add3A, %mul3A_688 : i32
        %add3A_690 = arith.addi %mul3A_689, %add3A_646 : i32
        %dma_start3A_691 = arith.constant 0 : i32
        %dma_start3A_692 = arith.constant 0 : i32
        %dma_start3A_693 = tpu.memref_slice %arg12[%select_n3A_657, %dma_start3A_691, %dma_start3A_692] : memref<4x80x128xf32, #tpu.memory_space<vmem>> -> memref<1x80x128xf32, #tpu.memory_space<vmem>>
        %dma_start3A_694 = tpu.memref_squeeze %dma_start3A_693 : memref<1x80x128xf32, #tpu.memory_space<vmem>> -> memref<80x128xf32, #tpu.memory_space<vmem>>
        %dma_start3A_695 = arith.constant 0 : i32
        %dma_start3A_696 = tpu.memref_slice %arg10[%select_n3A_657, %dma_start3A_695] : memref<4x80xi32, #tpu.memory_space<vmem>> -> memref<1x80xi32, #tpu.memory_space<vmem>>
        %dma_start3A_697 = tpu.memref_squeeze %dma_start3A_696 : memref<1x80xi32, #tpu.memory_space<vmem>> -> memref<80xi32, #tpu.memory_space<vmem>>
        %dma_start3A_698 = arith.constant 0 : i32
        %dma_start3A_699 = arith.constant 0 : i32
        %dma_start3A_700 = tpu.memref_slice %arg7[%dma_start3A_698, %dma_start3A_699] : memref<5001x128xf32, #tpu.memory_space<vmem_shared>> -> memref<5001x128xf32, #tpu.memory_space<vmem_shared>>
        %dma_start3A_701 = tpu.memref_slice %arg14[%select_n3A_657] : memref<4x!tpu.dma_semaphore, #tpu.memory_space<semaphore_mem>> -> memref<1x!tpu.dma_semaphore, #tpu.memory_space<semaphore_mem>>
        %dma_start3A_702 = tpu.memref_squeeze %dma_start3A_701 : memref<1x!tpu.dma_semaphore, #tpu.memory_space<semaphore_mem>> -> memref<!tpu.dma_semaphore, #tpu.memory_space<semaphore_mem>>
        tpu.enqueue_indirect_dma source(%dma_start3A_700 : memref<5001x128xf32, #tpu.memory_space<vmem_shared>>) target(%dma_start3A_694 : memref<80x128xf32, #tpu.memory_space<vmem>>) offsets(%dma_start3A_697 : memref<80xi32, #tpu.memory_space<vmem>>) semaphore(%dma_start3A_702 : memref<!tpu.dma_semaphore, #tpu.memory_space<semaphore_mem>>)
        %dma_start3A_703 = arith.constant 0 : i32
        %dma_start3A_704 = arith.constant 0 : i32
        %dma_start3A_705 = tpu.memref_slice %arg11[%select_n3A_657, %dma_start3A_703, %dma_start3A_704] : memref<4x80x128xf32, #tpu.memory_space<vmem>> -> memref<1x80x128xf32, #tpu.memory_space<vmem>>
        %dma_start3A_706 = tpu.memref_squeeze %dma_start3A_705 : memref<1x80x128xf32, #tpu.memory_space<vmem>> -> memref<80x128xf32, #tpu.memory_space<vmem>>
        %dma_start3A_707 = arith.constant 0 : i32
        %dma_start3A_708 = arith.constant 0 : i32
        %dma_start3A_709 = tpu.memref_slice %arg2[%add3A_690, %dma_start3A_707, %dma_start3A_708] : memref<10240x80x128xf32, #tpu.memory_space<hbm>> -> memref<1x80x128xf32, #tpu.memory_space<hbm>>
        %dma_start3A_710 = tpu.memref_squeeze %dma_start3A_709 : memref<1x80x128xf32, #tpu.memory_space<hbm>> -> memref<80x128xf32, #tpu.memory_space<hbm>>
        %dma_start3A_711 = tpu.memref_slice %arg15[%select_n3A_657] : memref<4x!tpu.dma_semaphore, #tpu.memory_space<semaphore_mem>> -> memref<1x!tpu.dma_semaphore, #tpu.memory_space<semaphore_mem>>
        %dma_start3A_712 = tpu.memref_squeeze %dma_start3A_711 : memref<1x!tpu.dma_semaphore, #tpu.memory_space<semaphore_mem>> -> memref<!tpu.dma_semaphore, #tpu.memory_space<semaphore_mem>>
        %dma_start3A_713 = arith.constant 0 : i32
        %dma_start3A_714 = arith.constant 0 : i32
        %dma_start3A_715 = tpu.memref_slice %arg11[%select_n3A_657, %dma_start3A_713, %dma_start3A_714] : memref<4x80x128xf32, #tpu.memory_space<vmem>> -> memref<1x80x128xf32, #tpu.memory_space<vmem>>
        %dma_start3A_716 = tpu.memref_squeeze %dma_start3A_715 : memref<1x80x128xf32, #tpu.memory_space<vmem>> -> memref<80x128xf32, #tpu.memory_space<vmem>>
        %dma_start3A_717 = arith.constant 0 : i32
        %dma_start3A_718 = arith.constant 0 : i32
        %dma_start3A_719 = tpu.memref_slice %arg2[%add3A_690, %dma_start3A_717, %dma_start3A_718] : memref<10240x80x128xf32, #tpu.memory_space<hbm>> -> memref<1x80x128xf32, #tpu.memory_space<hbm>>
        %dma_start3A_720 = tpu.memref_squeeze %dma_start3A_719 : memref<1x80x128xf32, #tpu.memory_space<hbm>> -> memref<80x128xf32, #tpu.memory_space<hbm>>
        tpu.enqueue_dma source(%dma_start3A_720 : memref<80x128xf32, #tpu.memory_space<hbm>>) target(%dma_start3A_716 : memref<80x128xf32, #tpu.memory_space<vmem>>) target_semaphore(%dma_start3A_712 : memref<!tpu.dma_semaphore, #tpu.memory_space<semaphore_mem>>)
      } else {
      }
      %mul3A_499 = arith.constant 320 : i32
      %mul3A_500 = arith.muli %add3A, %mul3A_499 : i32
      %add3A_501 = arith.addi %mul3A_500, %add3A_484 : i32
      %dma_wait3A_502 = arith.constant 2 : i32
      %dma_wait3A_503 = arith.constant 2 : i32
      %dma_wait3A_504 = arith.constant 2 : i32
      %dma_wait3A_505 = arith.constant 0 : i32
      %dma_wait3A_506 = arith.constant 0 : i32
      %dma_wait3A_507 = tpu.memref_slice %arg12[%dma_wait3A_503, %dma_wait3A_505, %dma_wait3A_506] : memref<4x80x128xf32, #tpu.memory_space<vmem>> -> memref<1x80x128xf32, #tpu.memory_space<vmem>>
      %dma_wait3A_508 = tpu.memref_squeeze %dma_wait3A_507 : memref<1x80x128xf32, #tpu.memory_space<vmem>> -> memref<80x128xf32, #tpu.memory_space<vmem>>
      %dma_wait3A_509 = arith.constant 0 : i32
      %dma_wait3A_510 = tpu.memref_slice %arg10[%dma_wait3A_502, %dma_wait3A_509] : memref<4x80xi32, #tpu.memory_space<vmem>> -> memref<1x80xi32, #tpu.memory_space<vmem>>
      %dma_wait3A_511 = tpu.memref_squeeze %dma_wait3A_510 : memref<1x80xi32, #tpu.memory_space<vmem>> -> memref<80xi32, #tpu.memory_space<vmem>>
      %dma_wait3A_512 = arith.constant 0 : i32
      %dma_wait3A_513 = arith.constant 0 : i32
      %dma_wait3A_514 = tpu.memref_slice %arg7[%dma_wait3A_512, %dma_wait3A_513] : memref<5001x128xf32, #tpu.memory_space<vmem_shared>> -> memref<5001x128xf32, #tpu.memory_space<vmem_shared>>
      %dma_wait3A_515 = tpu.memref_slice %arg14[%dma_wait3A_504] : memref<4x!tpu.dma_semaphore, #tpu.memory_space<semaphore_mem>> -> memref<1x!tpu.dma_semaphore, #tpu.memory_space<semaphore_mem>>
      %dma_wait3A_516 = tpu.memref_squeeze %dma_wait3A_515 : memref<1x!tpu.dma_semaphore, #tpu.memory_space<semaphore_mem>> -> memref<!tpu.dma_semaphore, #tpu.memory_space<semaphore_mem>>
      tpu.wait_indirect_dma semaphore(%dma_wait3A_516 : memref<!tpu.dma_semaphore, #tpu.memory_space<semaphore_mem>>) src(%dma_wait3A_514 : memref<5001x128xf32, #tpu.memory_space<vmem_shared>>) dst(%dma_wait3A_508 : memref<80x128xf32, #tpu.memory_space<vmem>>)
      %dma_wait3A_517 = arith.constant 2 : i32
      %dma_wait3A_518 = arith.constant 2 : i32
      %dma_wait3A_519 = arith.constant 0 : i32
      %dma_wait3A_520 = arith.constant 0 : i32
      %dma_wait3A_521 = tpu.memref_slice %arg11[%dma_wait3A_517, %dma_wait3A_519, %dma_wait3A_520] : memref<4x80x128xf32, #tpu.memory_space<vmem>> -> memref<1x80x128xf32, #tpu.memory_space<vmem>>
      %dma_wait3A_522 = tpu.memref_squeeze %dma_wait3A_521 : memref<1x80x128xf32, #tpu.memory_space<vmem>> -> memref<80x128xf32, #tpu.memory_space<vmem>>
      %dma_wait3A_523 = arith.constant 0 : i32
      %dma_wait3A_524 = arith.constant 0 : i32
      %dma_wait3A_525 = tpu.memref_slice %arg2[%add3A_501, %dma_wait3A_523, %dma_wait3A_524] : memref<10240x80x128xf32, #tpu.memory_space<hbm>> -> memref<1x80x128xf32, #tpu.memory_space<hbm>>
      %dma_wait3A_526 = tpu.memref_squeeze %dma_wait3A_525 : memref<1x80x128xf32, #tpu.memory_space<hbm>> -> memref<80x128xf32, #tpu.memory_space<hbm>>
      %dma_wait3A_527 = tpu.memref_slice %arg15[%dma_wait3A_518] : memref<4x!tpu.dma_semaphore, #tpu.memory_space<semaphore_mem>> -> memref<1x!tpu.dma_semaphore, #tpu.memory_space<semaphore_mem>>
      %dma_wait3A_528 = tpu.memref_squeeze %dma_wait3A_527 : memref<1x!tpu.dma_semaphore, #tpu.memory_space<semaphore_mem>> -> memref<!tpu.dma_semaphore, #tpu.memory_space<semaphore_mem>>
      %dma_wait3A_529 = arith.constant 0 : i32
      %dma_wait3A_530 = arith.constant 0 : i32
      %dma_wait3A_531 = tpu.memref_slice %arg11[%dma_wait3A_517, %dma_wait3A_529, %dma_wait3A_530] : memref<4x80x128xf32, #tpu.memory_space<vmem>> -> memref<1x80x128xf32, #tpu.memory_space<vmem>>
      %dma_wait3A_532 = tpu.memref_squeeze %dma_wait3A_531 : memref<1x80x128xf32, #tpu.memory_space<vmem>> -> memref<80x128xf32, #tpu.memory_space<vmem>>
      %dma_wait3A_533 = arith.constant 0 : i32
      %dma_wait3A_534 = arith.constant 0 : i32
      %dma_wait3A_535 = tpu.memref_slice %arg2[%add3A_501, %dma_wait3A_533, %dma_wait3A_534] : memref<10240x80x128xf32, #tpu.memory_space<hbm>> -> memref<1x80x128xf32, #tpu.memory_space<hbm>>
      %dma_wait3A_536 = tpu.memref_squeeze %dma_wait3A_535 : memref<1x80x128xf32, #tpu.memory_space<hbm>> -> memref<80x128xf32, #tpu.memory_space<hbm>>
      tpu.wait_dma2 semaphore(%dma_wait3A_528 : memref<!tpu.dma_semaphore, #tpu.memory_space<semaphore_mem>>) src(%dma_wait3A_536 : memref<80x128xf32, #tpu.memory_space<hbm>>) dst(%dma_wait3A_532 : memref<80x128xf32, #tpu.memory_space<vmem>>)
      %parallel_loop3A_537 = arith.constant 0 : i32
      %parallel_loop3A_538 = arith.constant 80 : i32
      %parallel_loop3A_539 = arith.constant 1 : i32
      scf.for %parallel_loop3A_645 = %parallel_loop3A_537 to %parallel_loop3A_538 step %parallel_loop3A_539  : i32 {
        %parallel_loop3A_646 = arith.constant 2 : i32
        %parallel_loop3A_647 = arith.index_cast %parallel_loop3A_646 : i32 to index
        %parallel_loop3A_648 = arith.index_cast %parallel_loop3A_645 : i32 to index
        %parallel_loop3A_649 = arith.constant 0 : index
        %parallel_loop3A_650 = tpu.vector_load %arg11[%parallel_loop3A_647, %parallel_loop3A_648, %parallel_loop3A_649] {strides = array<i32>} : memref<4x80x128xf32, #tpu.memory_space<vmem>>, vector<1x1x16xf32>,
        %parallel_loop3A_651 = vector.shape_cast %parallel_loop3A_650 : vector<1x1x16xf32> to vector<16xf32>
        %parallel_loop3A_652 = arith.constant 11.3137083 : f32
        %parallel_loop3A_653 = vector.broadcast %parallel_loop3A_652 : f32 to vector<16xf32>
        %parallel_loop3A_654 = arith.mulf %parallel_loop3A_651, %parallel_loop3A_653 : vector<16xf32>
        %parallel_loop3A_655 = arith.constant 2 : i32
        %parallel_loop3A_656 = arith.index_cast %parallel_loop3A_655 : i32 to index
        %parallel_loop3A_657 = arith.index_cast %parallel_loop3A_645 : i32 to index
        %parallel_loop3A_658 = arith.constant 0 : index
        %parallel_loop3A_659 = tpu.vector_load %arg12[%parallel_loop3A_656, %parallel_loop3A_657, %parallel_loop3A_658] {strides = array<i32>} : memref<4x80x128xf32, #tpu.memory_space<vmem>>, vector<1x1x16xf32>,
        %parallel_loop3A_660 = vector.shape_cast %parallel_loop3A_659 : vector<1x1x16xf32> to vector<16xf32>
        %parallel_loop3A_661 = vector.shape_cast %parallel_loop3A_654 : vector<16xf32> to vector<1x1x16xf32>
        tpu.vector_store %arg12[%parallel_loop3A_656, %parallel_loop3A_657, %parallel_loop3A_658], %parallel_loop3A_661 {add = true, strides = array<i32>} : memref<4x80x128xf32, #tpu.memory_space<vmem>>, vector<1x1x16xf32>,
        %parallel_loop3A_662 = arith.constant 2 : i32
        %parallel_loop3A_663 = arith.index_cast %parallel_loop3A_662 : i32 to index
        %parallel_loop3A_664 = arith.index_cast %parallel_loop3A_645 : i32 to index
        %parallel_loop3A_665 = arith.constant 16 : index
        %parallel_loop3A_666 = tpu.vector_load %arg11[%parallel_loop3A_663, %parallel_loop3A_664, %parallel_loop3A_665] {strides = array<i32>} : memref<4x80x128xf32, #tpu.memory_space<vmem>>, vector<1x1x16xf32>,
        %parallel_loop3A_667 = vector.shape_cast %parallel_loop3A_666 : vector<1x1x16xf32> to vector<16xf32>
        %parallel_loop3A_668 = arith.constant 11.3137083 : f32
        %parallel_loop3A_669 = vector.broadcast %parallel_loop3A_668 : f32 to vector<16xf32>
        %parallel_loop3A_670 = arith.mulf %parallel_loop3A_667, %parallel_loop3A_669 : vector<16xf32>
        %parallel_loop3A_671 = arith.constant 2 : i32
        %parallel_loop3A_672 = arith.index_cast %parallel_loop3A_671 : i32 to index
        %parallel_loop3A_673 = arith.index_cast %parallel_loop3A_645 : i32 to index
        %parallel_loop3A_674 = arith.constant 16 : index
        %parallel_loop3A_675 = tpu.vector_load %arg12[%parallel_loop3A_672, %parallel_loop3A_673, %parallel_loop3A_674] {strides = array<i32>} : memref<4x80x128xf32, #tpu.memory_space<vmem>>, vector<1x1x16xf32>,
        %parallel_loop3A_676 = vector.shape_cast %parallel_loop3A_675 : vector<1x1x16xf32> to vector<16xf32>
        %parallel_loop3A_677 = vector.shape_cast %parallel_loop3A_670 : vector<16xf32> to vector<1x1x16xf32>
        tpu.vector_store %arg12[%parallel_loop3A_672, %parallel_loop3A_673, %parallel_loop3A_674], %parallel_loop3A_677 {add = true, strides = array<i32>} : memref<4x80x128xf32, #tpu.memory_space<vmem>>, vector<1x1x16xf32>,
        %parallel_loop3A_678 = arith.constant 2 : i32
        %parallel_loop3A_679 = arith.index_cast %parallel_loop3A_678 : i32 to index
        %parallel_loop3A_680 = arith.index_cast %parallel_loop3A_645 : i32 to index
        %parallel_loop3A_681 = arith.constant 32 : index
        %parallel_loop3A_682 = tpu.vector_load %arg11[%parallel_loop3A_679, %parallel_loop3A_680, %parallel_loop3A_681] {strides = array<i32>} : memref<4x80x128xf32, #tpu.memory_space<vmem>>, vector<1x1x16xf32>,
        %parallel_loop3A_683 = vector.shape_cast %parallel_loop3A_682 : vector<1x1x16xf32> to vector<16xf32>
        %parallel_loop3A_684 = arith.constant 11.3137083 : f32
        %parallel_loop3A_685 = vector.broadcast %parallel_loop3A_684 : f32 to vector<16xf32>
        %parallel_loop3A_686 = arith.mulf %parallel_loop3A_683, %parallel_loop3A_685 : vector<16xf32>
        %parallel_loop3A_687 = arith.constant 2 : i32
        %parallel_loop3A_688 = arith.index_cast %parallel_loop3A_687 : i32 to index
        %parallel_loop3A_689 = arith.index_cast %parallel_loop3A_645 : i32 to index
        %parallel_loop3A_690 = arith.constant 32 : index
        %parallel_loop3A_691 = tpu.vector_load %arg12[%parallel_loop3A_688, %parallel_loop3A_689, %parallel_loop3A_690] {strides = array<i32>} : memref<4x80x128xf32, #tpu.memory_space<vmem>>, vector<1x1x16xf32>,
        %parallel_loop3A_692 = vector.shape_cast %parallel_loop3A_691 : vector<1x1x16xf32> to vector<16xf32>
        %parallel_loop3A_693 = vector.shape_cast %parallel_loop3A_686 : vector<16xf32> to vector<1x1x16xf32>
        tpu.vector_store %arg12[%parallel_loop3A_688, %parallel_loop3A_689, %parallel_loop3A_690], %parallel_loop3A_693 {add = true, strides = array<i32>} : memref<4x80x128xf32, #tpu.memory_space<vmem>>, vector<1x1x16xf32>,
        %parallel_loop3A_694 = arith.constant 2 : i32
        %parallel_loop3A_695 = arith.index_cast %parallel_loop3A_694 : i32 to index
        %parallel_loop3A_696 = arith.index_cast %parallel_loop3A_645 : i32 to index
        %parallel_loop3A_697 = arith.constant 48 : index
        %parallel_loop3A_698 = tpu.vector_load %arg11[%parallel_loop3A_695, %parallel_loop3A_696, %parallel_loop3A_697] {strides = array<i32>} : memref<4x80x128xf32, #tpu.memory_space<vmem>>, vector<1x1x16xf32>,
        %parallel_loop3A_699 = vector.shape_cast %parallel_loop3A_698 : vector<1x1x16xf32> to vector<16xf32>
        %parallel_loop3A_700 = arith.constant 11.3137083 : f32
        %parallel_loop3A_701 = vector.broadcast %parallel_loop3A_700 : f32 to vector<16xf32>
        %parallel_loop3A_702 = arith.mulf %parallel_loop3A_699, %parallel_loop3A_701 : vector<16xf32>
        %parallel_loop3A_703 = arith.constant 2 : i32
        %parallel_loop3A_704 = arith.index_cast %parallel_loop3A_703 : i32 to index
        %parallel_loop3A_705 = arith.index_cast %parallel_loop3A_645 : i32 to index
        %parallel_loop3A_706 = arith.constant 48 : index
        %parallel_loop3A_707 = tpu.vector_load %arg12[%parallel_loop3A_704, %parallel_loop3A_705, %parallel_loop3A_706] {strides = array<i32>} : memref<4x80x128xf32, #tpu.memory_space<vmem>>, vector<1x1x16xf32>,
        %parallel_loop3A_708 = vector.shape_cast %parallel_loop3A_707 : vector<1x1x16xf32> to vector<16xf32>
        %parallel_loop3A_709 = vector.shape_cast %parallel_loop3A_702 : vector<16xf32> to vector<1x1x16xf32>
        tpu.vector_store %arg12[%parallel_loop3A_704, %parallel_loop3A_705, %parallel_loop3A_706], %parallel_loop3A_709 {add = true, strides = array<i32>} : memref<4x80x128xf32, #tpu.memory_space<vmem>>, vector<1x1x16xf32>,
        %parallel_loop3A_710 = arith.constant 2 : i32
        %parallel_loop3A_711 = arith.index_cast %parallel_loop3A_710 : i32 to index
        %parallel_loop3A_712 = arith.index_cast %parallel_loop3A_645 : i32 to index
        %parallel_loop3A_713 = arith.constant 64 : index
        %parallel_loop3A_714 = tpu.vector_load %arg11[%parallel_loop3A_711, %parallel_loop3A_712, %parallel_loop3A_713] {strides = array<i32>} : memref<4x80x128xf32, #tpu.memory_space<vmem>>, vector<1x1x16xf32>,
        %parallel_loop3A_715 = vector.shape_cast %parallel_loop3A_714 : vector<1x1x16xf32> to vector<16xf32>
        %parallel_loop3A_716 = arith.constant 11.3137083 : f32
        %parallel_loop3A_717 = vector.broadcast %parallel_loop3A_716 : f32 to vector<16xf32>
        %parallel_loop3A_718 = arith.mulf %parallel_loop3A_715, %parallel_loop3A_717 : vector<16xf32>
        %parallel_loop3A_719 = arith.constant 2 : i32
        %parallel_loop3A_720 = arith.index_cast %parallel_loop3A_719 : i32 to index
        %parallel_loop3A_721 = arith.index_cast %parallel_loop3A_645 : i32 to index
        %parallel_loop3A_722 = arith.constant 64 : index
        %parallel_loop3A_723 = tpu.vector_load %arg12[%parallel_loop3A_720, %parallel_loop3A_721, %parallel_loop3A_722] {strides = array<i32>} : memref<4x80x128xf32, #tpu.memory_space<vmem>>, vector<1x1x16xf32>,
        %parallel_loop3A_724 = vector.shape_cast %parallel_loop3A_723 : vector<1x1x16xf32> to vector<16xf32>
        %parallel_loop3A_725 = vector.shape_cast %parallel_loop3A_718 : vector<16xf32> to vector<1x1x16xf32>
        tpu.vector_store %arg12[%parallel_loop3A_720, %parallel_loop3A_721, %parallel_loop3A_722], %parallel_loop3A_725 {add = true, strides = array<i32>} : memref<4x80x128xf32, #tpu.memory_space<vmem>>, vector<1x1x16xf32>,
        %parallel_loop3A_726 = arith.constant 2 : i32
        %parallel_loop3A_727 = arith.index_cast %parallel_loop3A_726 : i32 to index
        %parallel_loop3A_728 = arith.index_cast %parallel_loop3A_645 : i32 to index
        %parallel_loop3A_729 = arith.constant 80 : index
        %parallel_loop3A_730 = tpu.vector_load %arg11[%parallel_loop3A_727, %parallel_loop3A_728, %parallel_loop3A_729] {strides = array<i32>} : memref<4x80x128xf32, #tpu.memory_space<vmem>>, vector<1x1x16xf32>,
        %parallel_loop3A_731 = vector.shape_cast %parallel_loop3A_730 : vector<1x1x16xf32> to vector<16xf32>
        %parallel_loop3A_732 = arith.constant 11.3137083 : f32
        %parallel_loop3A_733 = vector.broadcast %parallel_loop3A_732 : f32 to vector<16xf32>
        %parallel_loop3A_734 = arith.mulf %parallel_loop3A_731, %parallel_loop3A_733 : vector<16xf32>
        %parallel_loop3A_735 = arith.constant 2 : i32
        %parallel_loop3A_736 = arith.index_cast %parallel_loop3A_735 : i32 to index
        %parallel_loop3A_737 = arith.index_cast %parallel_loop3A_645 : i32 to index
        %parallel_loop3A_738 = arith.constant 80 : index
        %parallel_loop3A_739 = tpu.vector_load %arg12[%parallel_loop3A_736, %parallel_loop3A_737, %parallel_loop3A_738] {strides = array<i32>} : memref<4x80x128xf32, #tpu.memory_space<vmem>>, vector<1x1x16xf32>,
        %parallel_loop3A_740 = vector.shape_cast %parallel_loop3A_739 : vector<1x1x16xf32> to vector<16xf32>
        %parallel_loop3A_741 = vector.shape_cast %parallel_loop3A_734 : vector<16xf32> to vector<1x1x16xf32>
        tpu.vector_store %arg12[%parallel_loop3A_736, %parallel_loop3A_737, %parallel_loop3A_738], %parallel_loop3A_741 {add = true, strides = array<i32>} : memref<4x80x128xf32, #tpu.memory_space<vmem>>, vector<1x1x16xf32>,
        %parallel_loop3A_742 = arith.constant 2 : i32
        %parallel_loop3A_743 = arith.index_cast %parallel_loop3A_742 : i32 to index
        %parallel_loop3A_744 = arith.index_cast %parallel_loop3A_645 : i32 to index
        %parallel_loop3A_745 = arith.constant 96 : index
        %parallel_loop3A_746 = tpu.vector_load %arg11[%parallel_loop3A_743, %parallel_loop3A_744, %parallel_loop3A_745] {strides = array<i32>} : memref<4x80x128xf32, #tpu.memory_space<vmem>>, vector<1x1x16xf32>,
        %parallel_loop3A_747 = vector.shape_cast %parallel_loop3A_746 : vector<1x1x16xf32> to vector<16xf32>
        %parallel_loop3A_748 = arith.constant 11.3137083 : f32
        %parallel_loop3A_749 = vector.broadcast %parallel_loop3A_748 : f32 to vector<16xf32>
        %parallel_loop3A_750 = arith.mulf %parallel_loop3A_747, %parallel_loop3A_749 : vector<16xf32>
        %parallel_loop3A_751 = arith.constant 2 : i32
        %parallel_loop3A_752 = arith.index_cast %parallel_loop3A_751 : i32 to index
        %parallel_loop3A_753 = arith.index_cast %parallel_loop3A_645 : i32 to index
        %parallel_loop3A_754 = arith.constant 96 : index
        %parallel_loop3A_755 = tpu.vector_load %arg12[%parallel_loop3A_752, %parallel_loop3A_753, %parallel_loop3A_754] {strides = array<i32>} : memref<4x80x128xf32, #tpu.memory_space<vmem>>, vector<1x1x16xf32>,
        %parallel_loop3A_756 = vector.shape_cast %parallel_loop3A_755 : vector<1x1x16xf32> to vector<16xf32>
        %parallel_loop3A_757 = vector.shape_cast %parallel_loop3A_750 : vector<16xf32> to vector<1x1x16xf32>
        tpu.vector_store %arg12[%parallel_loop3A_752, %parallel_loop3A_753, %parallel_loop3A_754], %parallel_loop3A_757 {add = true, strides = array<i32>} : memref<4x80x128xf32, #tpu.memory_space<vmem>>, vector<1x1x16xf32>,
        %parallel_loop3A_758 = arith.constant 2 : i32
        %parallel_loop3A_759 = arith.index_cast %parallel_loop3A_758 : i32 to index
        %parallel_loop3A_760 = arith.index_cast %parallel_loop3A_645 : i32 to index
        %parallel_loop3A_761 = arith.constant 112 : index
        %parallel_loop3A_762 = tpu.vector_load %arg11[%parallel_loop3A_759, %parallel_loop3A_760, %parallel_loop3A_761] {strides = array<i32>} : memref<4x80x128xf32, #tpu.memory_space<vmem>>, vector<1x1x16xf32>,
        %parallel_loop3A_763 = vector.shape_cast %parallel_loop3A_762 : vector<1x1x16xf32> to vector<16xf32>
        %parallel_loop3A_764 = arith.constant 11.3137083 : f32
        %parallel_loop3A_765 = vector.broadcast %parallel_loop3A_764 : f32 to vector<16xf32>
        %parallel_loop3A_766 = arith.mulf %parallel_loop3A_763, %parallel_loop3A_765 : vector<16xf32>
        %parallel_loop3A_767 = arith.constant 2 : i32
        %parallel_loop3A_768 = arith.index_cast %parallel_loop3A_767 : i32 to index
        %parallel_loop3A_769 = arith.index_cast %parallel_loop3A_645 : i32 to index
        %parallel_loop3A_770 = arith.constant 112 : index
        %parallel_loop3A_771 = tpu.vector_load %arg12[%parallel_loop3A_768, %parallel_loop3A_769, %parallel_loop3A_770] {strides = array<i32>} : memref<4x80x128xf32, #tpu.memory_space<vmem>>, vector<1x1x16xf32>,
        %parallel_loop3A_772 = vector.shape_cast %parallel_loop3A_771 : vector<1x1x16xf32> to vector<16xf32>
        %parallel_loop3A_773 = vector.shape_cast %parallel_loop3A_766 : vector<16xf32> to vector<1x1x16xf32>
        tpu.vector_store %arg12[%parallel_loop3A_768, %parallel_loop3A_769, %parallel_loop3A_770], %parallel_loop3A_773 {add = true, strides = array<i32>} : memref<4x80x128xf32, #tpu.memory_space<vmem>>, vector<1x1x16xf32>,
      } {sc.loop_unroll_factor = 4 : i64, sc.parallel_access}
      %mul3A_540 = arith.constant 320 : i32
      %mul3A_541 = arith.muli %add3A, %mul3A_540 : i32
      %add3A_542 = arith.addi %mul3A_541, %add3A_484 : i32
      %dma_start3A_543 = arith.constant 2 : i32
      %dma_start3A_544 = arith.constant 2 : i32
      %dma_start3A_545 = arith.constant 0 : i32
      %dma_start3A_546 = arith.constant 0 : i32
      %dma_start3A_547 = tpu.memref_slice %arg12[%dma_start3A_543, %dma_start3A_545, %dma_start3A_546] : memref<4x80x128xf32, #tpu.memory_space<vmem>> -> memref<1x80x128xf32, #tpu.memory_space<vmem>>
      %dma_start3A_548 = tpu.memref_squeeze %dma_start3A_547 : memref<1x80x128xf32, #tpu.memory_space<vmem>> -> memref<80x128xf32, #tpu.memory_space<vmem>>
      %dma_start3A_549 = arith.constant 0 : i32
      %dma_start3A_550 = arith.constant 0 : i32
      %dma_start3A_551 = tpu.memref_slice %arg6[%add3A_542, %dma_start3A_549, %dma_start3A_550] : memref<10240x80x128xf32, #tpu.memory_space<hbm>> -> memref<1x80x128xf32, #tpu.memory_space<hbm>>
      %dma_start3A_552 = tpu.memref_squeeze %dma_start3A_551 : memref<1x80x128xf32, #tpu.memory_space<hbm>> -> memref<80x128xf32, #tpu.memory_space<hbm>>
      %dma_start3A_553 = tpu.memref_slice %arg16[%dma_start3A_544] : memref<4x!tpu.dma_semaphore, #tpu.memory_space<semaphore_mem>> -> memref<1x!tpu.dma_semaphore, #tpu.memory_space<semaphore_mem>>
      %dma_start3A_554 = tpu.memref_squeeze %dma_start3A_553 : memref<1x!tpu.dma_semaphore, #tpu.memory_space<semaphore_mem>> -> memref<!tpu.dma_semaphore, #tpu.memory_space<semaphore_mem>>
      %dma_start3A_555 = arith.constant 0 : i32
      %dma_start3A_556 = arith.constant 0 : i32
      %dma_start3A_557 = tpu.memref_slice %arg6[%add3A_542, %dma_start3A_555, %dma_start3A_556] : memref<10240x80x128xf32, #tpu.memory_space<hbm>> -> memref<1x80x128xf32, #tpu.memory_space<hbm>>
      %dma_start3A_558 = tpu.memref_squeeze %dma_start3A_557 : memref<1x80x128xf32, #tpu.memory_space<hbm>> -> memref<80x128xf32, #tpu.memory_space<hbm>>
      %dma_start3A_559 = arith.constant 0 : i32
      %dma_start3A_560 = arith.constant 0 : i32
      %dma_start3A_561 = tpu.memref_slice %arg12[%dma_start3A_543, %dma_start3A_559, %dma_start3A_560] : memref<4x80x128xf32, #tpu.memory_space<vmem>> -> memref<1x80x128xf32, #tpu.memory_space<vmem>>
      %dma_start3A_562 = tpu.memref_squeeze %dma_start3A_561 : memref<1x80x128xf32, #tpu.memory_space<vmem>> -> memref<80x128xf32, #tpu.memory_space<vmem>>
      tpu.enqueue_dma source(%dma_start3A_562 : memref<80x128xf32, #tpu.memory_space<vmem>>) target(%dma_start3A_558 : memref<80x128xf32, #tpu.memory_space<hbm>>) target_semaphore(%dma_start3A_554 : memref<!tpu.dma_semaphore, #tpu.memory_space<semaphore_mem>>)
      %mul3A_563 = arith.constant 4 : i32
      %mul3A_564 = arith.muli %mul3A_563, %scan3A_317 : i32
      %add3A_565 = arith.constant 3 : i32
      %add3A_566 = arith.addi %mul3A_564, %add3A_565 : i32
      %add3A_567 = arith.constant 3 : i32
      %add3A_568 = arith.addi %add3A_566, %add3A_567 : i32
      %lt3A_569 = arith.constant 320 : i32
      %lt3A_570 = arith.cmpi slt, %add3A_568, %lt3A_569 : i32
      %convert_element_type3A_571 = arith.extui %lt3A_570 : i1 to i32
      %cond3A_572 = arith.constant 0 : i32
      %cond3A_573 = arith.cmpi ne, %convert_element_type3A_571, %cond3A_572 : i32
      scf.if %cond3A_573 {
        %add3A_645 = arith.constant 3 : i32
        %add3A_646 = arith.addi %add3A_566, %add3A_645 : i32
        %mul3A_647 = arith.constant 80 : i32
        %mul3A_648 = arith.muli %add3A_646, %mul3A_647 : i32
        %add3A_649 = arith.addi %mul3A_2, %mul3A_648 : i32
        %dma_start3A_650 = arith.constant 2 : i32
        %dma_start3A_651 = arith.constant 2 : i32
        %dma_start3A_652 = arith.constant 0 : i32
        %dma_start3A_653 = tpu.memref_slice %arg8[%dma_start3A_650, %dma_start3A_652] : memref<4x80xi32, #tpu.memory_space<vmem>> -> memref<1x80xi32, #tpu.memory_space<vmem>>
        %dma_start3A_654 = tpu.memref_squeeze %dma_start3A_653 : memref<1x80xi32, #tpu.memory_space<vmem>> -> memref<80xi32, #tpu.memory_space<vmem>>
        %dma_start3A_655 = tpu.memref_slice %arg3[%add3A_649] : memref<819200xi32, #tpu.memory_space<hbm>> -> memref<80xi32, #tpu.memory_space<hbm>>
        %dma_start3A_656 = tpu.memref_slice %arg13[%dma_start3A_651] : memref<4x!tpu.dma_semaphore, #tpu.memory_space<semaphore_mem>> -> memref<1x!tpu.dma_semaphore, #tpu.memory_space<semaphore_mem>>
        %dma_start3A_657 = tpu.memref_squeeze %dma_start3A_656 : memref<1x!tpu.dma_semaphore, #tpu.memory_space<semaphore_mem>> -> memref<!tpu.dma_semaphore, #tpu.memory_space<semaphore_mem>>
        %dma_start3A_658 = arith.constant 0 : i32
        %dma_start3A_659 = tpu.memref_slice %arg8[%dma_start3A_650, %dma_start3A_658] : memref<4x80xi32, #tpu.memory_space<vmem>> -> memref<1x80xi32, #tpu.memory_space<vmem>>
        %dma_start3A_660 = tpu.memref_squeeze %dma_start3A_659 : memref<1x80xi32, #tpu.memory_space<vmem>> -> memref<80xi32, #tpu.memory_space<vmem>>
        %dma_start3A_661 = tpu.memref_slice %arg3[%add3A_649] : memref<819200xi32, #tpu.memory_space<hbm>> -> memref<80xi32, #tpu.memory_space<hbm>>
        tpu.enqueue_dma source(%dma_start3A_661 : memref<80xi32, #tpu.memory_space<hbm>>) target(%dma_start3A_660 : memref<80xi32, #tpu.memory_space<vmem>>) target_semaphore(%dma_start3A_657 : memref<!tpu.dma_semaphore, #tpu.memory_space<semaphore_mem>>)
        %dma_start3A_662 = arith.constant 2 : i32
        %dma_start3A_663 = arith.constant 2 : i32
        %dma_start3A_664 = arith.constant 0 : i32
        %dma_start3A_665 = tpu.memref_slice %arg9[%dma_start3A_662, %dma_start3A_664] : memref<4x80xi32, #tpu.memory_space<vmem>> -> memref<1x80xi32, #tpu.memory_space<vmem>>
        %dma_start3A_666 = tpu.memref_squeeze %dma_start3A_665 : memref<1x80xi32, #tpu.memory_space<vmem>> -> memref<80xi32, #tpu.memory_space<vmem>>
        %dma_start3A_667 = tpu.memref_slice %arg4[%add3A_649] : memref<819200xi32, #tpu.memory_space<hbm>> -> memref<80xi32, #tpu.memory_space<hbm>>
        %dma_start3A_668 = tpu.memref_slice %arg13[%dma_start3A_663] : memref<4x!tpu.dma_semaphore, #tpu.memory_space<semaphore_mem>> -> memref<1x!tpu.dma_semaphore, #tpu.memory_space<semaphore_mem>>
        %dma_start3A_669 = tpu.memref_squeeze %dma_start3A_668 : memref<1x!tpu.dma_semaphore, #tpu.memory_space<semaphore_mem>> -> memref<!tpu.dma_semaphore, #tpu.memory_space<semaphore_mem>>
        %dma_start3A_670 = arith.constant 0 : i32
        %dma_start3A_671 = tpu.memref_slice %arg9[%dma_start3A_662, %dma_start3A_670] : memref<4x80xi32, #tpu.memory_space<vmem>> -> memref<1x80xi32, #tpu.memory_space<vmem>>
        %dma_start3A_672 = tpu.memref_squeeze %dma_start3A_671 : memref<1x80xi32, #tpu.memory_space<vmem>> -> memref<80xi32, #tpu.memory_space<vmem>>
        %dma_start3A_673 = tpu.memref_slice %arg4[%add3A_649] : memref<819200xi32, #tpu.memory_space<hbm>> -> memref<80xi32, #tpu.memory_space<hbm>>
        tpu.enqueue_dma source(%dma_start3A_673 : memref<80xi32, #tpu.memory_space<hbm>>) target(%dma_start3A_672 : memref<80xi32, #tpu.memory_space<vmem>>) target_semaphore(%dma_start3A_669 : memref<!tpu.dma_semaphore, #tpu.memory_space<semaphore_mem>>)
      } else {
      }
      %add3A_574 = arith.constant 2 : i32
      %add3A_575 = arith.addi %add3A_566, %add3A_574 : i32
      %lt3A_576 = arith.constant 320 : i32
      %lt3A_577 = arith.cmpi slt, %add3A_575, %lt3A_576 : i32
      %convert_element_type3A_578 = arith.extui %lt3A_577 : i1 to i32
      %cond3A_579 = arith.constant 0 : i32
      %cond3A_580 = arith.cmpi ne, %convert_element_type3A_578, %cond3A_579 : i32
      scf.if %cond3A_580 {
        %add3A_645 = arith.constant 2 : i32
        %add3A_646 = arith.addi %add3A_566, %add3A_645 : i32
        %jit3A = arith.constant 4 : i32
        %eq3A_647 = arith.constant 0 : i32
        %eq3A_648 = arith.cmpi eq, %jit3A, %eq3A_647 : i32
        %jit3A_649 = arith.constant 1 : i32
        %select_n3A = arith.select %eq3A_648, %jit3A_649, %jit3A : i32
        %rem3A = arith.remsi %add3A_646, %select_n3A : i32
        %ne3A = arith.constant 0 : i32
        %ne3A_650 = arith.cmpi ne, %rem3A, %ne3A : i32
        %lt3A_651 = arith.constant 0 : i32
        %lt3A_652 = arith.cmpi slt, %rem3A, %lt3A_651 : i32
        %lt3A_653 = arith.constant 0 : i32
        %lt3A_654 = arith.cmpi slt, %select_n3A, %lt3A_653 : i32
        %ne3A_655 = arith.xori %lt3A_652, %lt3A_654 : i1
        %and3A = arith.andi %ne3A_655, %ne3A_650 : i1
        %add3A_656 = arith.addi %rem3A, %select_n3A : i32
        %select_n3A_657 = arith.select %and3A, %add3A_656, %rem3A : i32
        %mul3A_658 = arith.constant 80 : i32
        %mul3A_659 = arith.muli %add3A_646, %mul3A_658 : i32
        %add3A_660 = arith.addi %mul3A_2, %mul3A_659 : i32
        %dma_wait3A_661 = arith.constant 0 : i32
        %dma_wait3A_662 = tpu.memref_slice %arg8[%select_n3A_657, %dma_wait3A_661] : memref<4x80xi32, #tpu.memory_space<vmem>> -> memref<1x80xi32, #tpu.memory_space<vmem>>
        %dma_wait3A_663 = tpu.memref_squeeze %dma_wait3A_662 : memref<1x80xi32, #tpu.memory_space<vmem>> -> memref<80xi32, #tpu.memory_space<vmem>>
        %dma_wait3A_664 = tpu.memref_slice %arg3[%add3A_660] : memref<819200xi32, #tpu.memory_space<hbm>> -> memref<80xi32, #tpu.memory_space<hbm>>
        %dma_wait3A_665 = tpu.memref_slice %arg13[%select_n3A_657] : memref<4x!tpu.dma_semaphore, #tpu.memory_space<semaphore_mem>> -> memref<1x!tpu.dma_semaphore, #tpu.memory_space<semaphore_mem>>
        %dma_wait3A_666 = tpu.memref_squeeze %dma_wait3A_665 : memref<1x!tpu.dma_semaphore, #tpu.memory_space<semaphore_mem>> -> memref<!tpu.dma_semaphore, #tpu.memory_space<semaphore_mem>>
        %dma_wait3A_667 = arith.constant 0 : i32
        %dma_wait3A_668 = tpu.memref_slice %arg8[%select_n3A_657, %dma_wait3A_667] : memref<4x80xi32, #tpu.memory_space<vmem>> -> memref<1x80xi32, #tpu.memory_space<vmem>>
        %dma_wait3A_669 = tpu.memref_squeeze %dma_wait3A_668 : memref<1x80xi32, #tpu.memory_space<vmem>> -> memref<80xi32, #tpu.memory_space<vmem>>
        %dma_wait3A_670 = tpu.memref_slice %arg3[%add3A_660] : memref<819200xi32, #tpu.memory_space<hbm>> -> memref<80xi32, #tpu.memory_space<hbm>>
        tpu.wait_dma2 semaphore(%dma_wait3A_666 : memref<!tpu.dma_semaphore, #tpu.memory_space<semaphore_mem>>) src(%dma_wait3A_670 : memref<80xi32, #tpu.memory_space<hbm>>) dst(%dma_wait3A_669 : memref<80xi32, #tpu.memory_space<vmem>>)
        %dma_wait3A_671 = arith.constant 0 : i32
        %dma_wait3A_672 = tpu.memref_slice %arg9[%select_n3A_657, %dma_wait3A_671] : memref<4x80xi32, #tpu.memory_space<vmem>> -> memref<1x80xi32, #tpu.memory_space<vmem>>
        %dma_wait3A_673 = tpu.memref_squeeze %dma_wait3A_672 : memref<1x80xi32, #tpu.memory_space<vmem>> -> memref<80xi32, #tpu.memory_space<vmem>>
        %dma_wait3A_674 = tpu.memref_slice %arg4[%add3A_660] : memref<819200xi32, #tpu.memory_space<hbm>> -> memref<80xi32, #tpu.memory_space<hbm>>
        %dma_wait3A_675 = tpu.memref_slice %arg13[%select_n3A_657] : memref<4x!tpu.dma_semaphore, #tpu.memory_space<semaphore_mem>> -> memref<1x!tpu.dma_semaphore, #tpu.memory_space<semaphore_mem>>
        %dma_wait3A_676 = tpu.memref_squeeze %dma_wait3A_675 : memref<1x!tpu.dma_semaphore, #tpu.memory_space<semaphore_mem>> -> memref<!tpu.dma_semaphore, #tpu.memory_space<semaphore_mem>>
        %dma_wait3A_677 = arith.constant 0 : i32
        %dma_wait3A_678 = tpu.memref_slice %arg9[%select_n3A_657, %dma_wait3A_677] : memref<4x80xi32, #tpu.memory_space<vmem>> -> memref<1x80xi32, #tpu.memory_space<vmem>>
        %dma_wait3A_679 = tpu.memref_squeeze %dma_wait3A_678 : memref<1x80xi32, #tpu.memory_space<vmem>> -> memref<80xi32, #tpu.memory_space<vmem>>
        %dma_wait3A_680 = tpu.memref_slice %arg4[%add3A_660] : memref<819200xi32, #tpu.memory_space<hbm>> -> memref<80xi32, #tpu.memory_space<hbm>>
        tpu.wait_dma2 semaphore(%dma_wait3A_676 : memref<!tpu.dma_semaphore, #tpu.memory_space<semaphore_mem>>) src(%dma_wait3A_680 : memref<80xi32, #tpu.memory_space<hbm>>) dst(%dma_wait3A_679 : memref<80xi32, #tpu.memory_space<vmem>>)
        %parallel_loop3A_681 = arith.constant 0 : i32
        %parallel_loop3A_682 = arith.constant 80 : i32
        %parallel_loop3A_683 = arith.constant 16 : i32
        scf.for %parallel_loop3A_721 = %parallel_loop3A_681 to %parallel_loop3A_682 step %parallel_loop3A_683  : i32 {
          %parallel_loop3A_722 = arith.index_cast %select_n3A_657 : i32 to index
          %parallel_loop3A_723 = arith.index_cast %parallel_loop3A_721 : i32 to index
          %parallel_loop3A_724 = tpu.vector_load %arg9[%parallel_loop3A_722, %parallel_loop3A_723] {strides = array<i32>} : memref<4x80xi32, #tpu.memory_space<vmem>>, vector<1x16xi32>,
          %parallel_loop3A_725 = vector.shape_cast %parallel_loop3A_724 : vector<1x16xi32> to vector<16xi32>
          %parallel_loop3A_726 = arith.constant 0 : i32
          %parallel_loop3A_727 = vector.broadcast %parallel_loop3A_726 : i32 to vector<16xi32>
          %parallel_loop3A_728 = arith.cmpi ne, %parallel_loop3A_725, %parallel_loop3A_727 : vector<16xi32>
          %parallel_loop3A_729 = arith.index_cast %select_n3A_657 : i32 to index
          %parallel_loop3A_730 = arith.index_cast %parallel_loop3A_721 : i32 to index
          %parallel_loop3A_731 = tpu.vector_load %arg8[%parallel_loop3A_729, %parallel_loop3A_730] {strides = array<i32>} : memref<4x80xi32, #tpu.memory_space<vmem>>, vector<1x16xi32>,
          %parallel_loop3A_732 = vector.shape_cast %parallel_loop3A_731 : vector<1x16xi32> to vector<16xi32>
          %parallel_loop3A_733 = arith.constant 5000 : i32
          %parallel_loop3A_734 = vector.broadcast %parallel_loop3A_733 : i32 to vector<16xi32>
          %parallel_loop3A_735 = arith.minsi %parallel_loop3A_732, %parallel_loop3A_734 : vector<16xi32>
          %parallel_loop3A_736 = arith.constant 5000 : i32
          %parallel_loop3A_737 = vector.broadcast %parallel_loop3A_736 : i32 to vector<16xi32>
          %parallel_loop3A_738 = arith.select %parallel_loop3A_728, %parallel_loop3A_737, %parallel_loop3A_735 : vector<16xi1>, vector<16xi32>
          %parallel_loop3A_739 = arith.index_cast %select_n3A_657 : i32 to index
          %parallel_loop3A_740 = arith.index_cast %parallel_loop3A_721 : i32 to index
          %parallel_loop3A_741 = tpu.vector_load %arg10[%parallel_loop3A_739, %parallel_loop3A_740] {strides = array<i32>} : memref<4x80xi32, #tpu.memory_space<vmem>>, vector<1x16xi32>,
          %parallel_loop3A_742 = vector.shape_cast %parallel_loop3A_741 : vector<1x16xi32> to vector<16xi32>
          %parallel_loop3A_743 = vector.shape_cast %parallel_loop3A_738 : vector<16xi32> to vector<1x16xi32>
          tpu.vector_store %arg10[%parallel_loop3A_739, %parallel_loop3A_740], %parallel_loop3A_743 {strides = array<i32>} : memref<4x80xi32, #tpu.memory_space<vmem>>, vector<1x16xi32>,
        } {sc.loop_unroll_factor = 1 : i64, sc.parallel_access}
        %ge3A = arith.constant 4 : i32
        %ge3A_684 = arith.cmpi sge, %add3A_646, %ge3A : i32
        %convert_element_type3A_685 = arith.extui %ge3A_684 : i1 to i32
        %cond3A_686 = arith.constant 0 : i32
        %cond3A_687 = arith.cmpi ne, %convert_element_type3A_685, %cond3A_686 : i32
        scf.if %cond3A_687 {
          %sub3A = arith.constant 4 : i32
          %sub3A_721 = arith.subi %add3A_646, %sub3A : i32
          %mul3A_722 = arith.constant 320 : i32
          %mul3A_723 = arith.muli %add3A, %mul3A_722 : i32
          %add3A_724 = arith.addi %mul3A_723, %sub3A_721 : i32
          %dma_wait3A_725 = arith.constant 0 : i32
          %dma_wait3A_726 = arith.constant 0 : i32
          %dma_wait3A_727 = tpu.memref_slice %arg12[%select_n3A_657, %dma_wait3A_725, %dma_wait3A_726] : memref<4x80x128xf32, #tpu.memory_space<vmem>> -> memref<1x80x128xf32, #tpu.memory_space<vmem>>
          %dma_wait3A_728 = tpu.memref_squeeze %dma_wait3A_727 : memref<1x80x128xf32, #tpu.memory_space<vmem>> -> memref<80x128xf32, #tpu.memory_space<vmem>>
          %dma_wait3A_729 = arith.constant 0 : i32
          %dma_wait3A_730 = arith.constant 0 : i32
          %dma_wait3A_731 = tpu.memref_slice %arg6[%add3A_724, %dma_wait3A_729, %dma_wait3A_730] : memref<10240x80x128xf32, #tpu.memory_space<hbm>> -> memref<1x80x128xf32, #tpu.memory_space<hbm>>
          %dma_wait3A_732 = tpu.memref_squeeze %dma_wait3A_731 : memref<1x80x128xf32, #tpu.memory_space<hbm>> -> memref<80x128xf32, #tpu.memory_space<hbm>>
          %dma_wait3A_733 = tpu.memref_slice %arg16[%select_n3A_657] : memref<4x!tpu.dma_semaphore, #tpu.memory_space<semaphore_mem>> -> memref<1x!tpu.dma_semaphore, #tpu.memory_space<semaphore_mem>>
          %dma_wait3A_734 = tpu.memref_squeeze %dma_wait3A_733 : memref<1x!tpu.dma_semaphore, #tpu.memory_space<semaphore_mem>> -> memref<!tpu.dma_semaphore, #tpu.memory_space<semaphore_mem>>
          %dma_wait3A_735 = arith.constant 0 : i32
          %dma_wait3A_736 = arith.constant 0 : i32
          %dma_wait3A_737 = tpu.memref_slice %arg6[%add3A_724, %dma_wait3A_735, %dma_wait3A_736] : memref<10240x80x128xf32, #tpu.memory_space<hbm>> -> memref<1x80x128xf32, #tpu.memory_space<hbm>>
          %dma_wait3A_738 = tpu.memref_squeeze %dma_wait3A_737 : memref<1x80x128xf32, #tpu.memory_space<hbm>> -> memref<80x128xf32, #tpu.memory_space<hbm>>
          %dma_wait3A_739 = arith.constant 0 : i32
          %dma_wait3A_740 = arith.constant 0 : i32
          %dma_wait3A_741 = tpu.memref_slice %arg12[%select_n3A_657, %dma_wait3A_739, %dma_wait3A_740] : memref<4x80x128xf32, #tpu.memory_space<vmem>> -> memref<1x80x128xf32, #tpu.memory_space<vmem>>
          %dma_wait3A_742 = tpu.memref_squeeze %dma_wait3A_741 : memref<1x80x128xf32, #tpu.memory_space<vmem>> -> memref<80x128xf32, #tpu.memory_space<vmem>>
          tpu.wait_dma2 semaphore(%dma_wait3A_734 : memref<!tpu.dma_semaphore, #tpu.memory_space<semaphore_mem>>) src(%dma_wait3A_742 : memref<80x128xf32, #tpu.memory_space<vmem>>) dst(%dma_wait3A_738 : memref<80x128xf32, #tpu.memory_space<hbm>>)
        } else {
        }
        %mul3A_688 = arith.constant 320 : i32
        %mul3A_689 = arith.muli %add3A, %mul3A_688 : i32
        %add3A_690 = arith.addi %mul3A_689, %add3A_646 : i32
        %dma_start3A_691 = arith.constant 0 : i32
        %dma_start3A_692 = arith.constant 0 : i32
        %dma_start3A_693 = tpu.memref_slice %arg12[%select_n3A_657, %dma_start3A_691, %dma_start3A_692] : memref<4x80x128xf32, #tpu.memory_space<vmem>> -> memref<1x80x128xf32, #tpu.memory_space<vmem>>
        %dma_start3A_694 = tpu.memref_squeeze %dma_start3A_693 : memref<1x80x128xf32, #tpu.memory_space<vmem>> -> memref<80x128xf32, #tpu.memory_space<vmem>>
        %dma_start3A_695 = arith.constant 0 : i32
        %dma_start3A_696 = tpu.memref_slice %arg10[%select_n3A_657, %dma_start3A_695] : memref<4x80xi32, #tpu.memory_space<vmem>> -> memref<1x80xi32, #tpu.memory_space<vmem>>
        %dma_start3A_697 = tpu.memref_squeeze %dma_start3A_696 : memref<1x80xi32, #tpu.memory_space<vmem>> -> memref<80xi32, #tpu.memory_space<vmem>>
        %dma_start3A_698 = arith.constant 0 : i32
        %dma_start3A_699 = arith.constant 0 : i32
        %dma_start3A_700 = tpu.memref_slice %arg7[%dma_start3A_698, %dma_start3A_699] : memref<5001x128xf32, #tpu.memory_space<vmem_shared>> -> memref<5001x128xf32, #tpu.memory_space<vmem_shared>>
        %dma_start3A_701 = tpu.memref_slice %arg14[%select_n3A_657] : memref<4x!tpu.dma_semaphore, #tpu.memory_space<semaphore_mem>> -> memref<1x!tpu.dma_semaphore, #tpu.memory_space<semaphore_mem>>
        %dma_start3A_702 = tpu.memref_squeeze %dma_start3A_701 : memref<1x!tpu.dma_semaphore, #tpu.memory_space<semaphore_mem>> -> memref<!tpu.dma_semaphore, #tpu.memory_space<semaphore_mem>>
        tpu.enqueue_indirect_dma source(%dma_start3A_700 : memref<5001x128xf32, #tpu.memory_space<vmem_shared>>) target(%dma_start3A_694 : memref<80x128xf32, #tpu.memory_space<vmem>>) offsets(%dma_start3A_697 : memref<80xi32, #tpu.memory_space<vmem>>) semaphore(%dma_start3A_702 : memref<!tpu.dma_semaphore, #tpu.memory_space<semaphore_mem>>)
        %dma_start3A_703 = arith.constant 0 : i32
        %dma_start3A_704 = arith.constant 0 : i32
        %dma_start3A_705 = tpu.memref_slice %arg11[%select_n3A_657, %dma_start3A_703, %dma_start3A_704] : memref<4x80x128xf32, #tpu.memory_space<vmem>> -> memref<1x80x128xf32, #tpu.memory_space<vmem>>
        %dma_start3A_706 = tpu.memref_squeeze %dma_start3A_705 : memref<1x80x128xf32, #tpu.memory_space<vmem>> -> memref<80x128xf32, #tpu.memory_space<vmem>>
        %dma_start3A_707 = arith.constant 0 : i32
        %dma_start3A_708 = arith.constant 0 : i32
        %dma_start3A_709 = tpu.memref_slice %arg2[%add3A_690, %dma_start3A_707, %dma_start3A_708] : memref<10240x80x128xf32, #tpu.memory_space<hbm>> -> memref<1x80x128xf32, #tpu.memory_space<hbm>>
        %dma_start3A_710 = tpu.memref_squeeze %dma_start3A_709 : memref<1x80x128xf32, #tpu.memory_space<hbm>> -> memref<80x128xf32, #tpu.memory_space<hbm>>
        %dma_start3A_711 = tpu.memref_slice %arg15[%select_n3A_657] : memref<4x!tpu.dma_semaphore, #tpu.memory_space<semaphore_mem>> -> memref<1x!tpu.dma_semaphore, #tpu.memory_space<semaphore_mem>>
        %dma_start3A_712 = tpu.memref_squeeze %dma_start3A_711 : memref<1x!tpu.dma_semaphore, #tpu.memory_space<semaphore_mem>> -> memref<!tpu.dma_semaphore, #tpu.memory_space<semaphore_mem>>
        %dma_start3A_713 = arith.constant 0 : i32
        %dma_start3A_714 = arith.constant 0 : i32
        %dma_start3A_715 = tpu.memref_slice %arg11[%select_n3A_657, %dma_start3A_713, %dma_start3A_714] : memref<4x80x128xf32, #tpu.memory_space<vmem>> -> memref<1x80x128xf32, #tpu.memory_space<vmem>>
        %dma_start3A_716 = tpu.memref_squeeze %dma_start3A_715 : memref<1x80x128xf32, #tpu.memory_space<vmem>> -> memref<80x128xf32, #tpu.memory_space<vmem>>
        %dma_start3A_717 = arith.constant 0 : i32
        %dma_start3A_718 = arith.constant 0 : i32
        %dma_start3A_719 = tpu.memref_slice %arg2[%add3A_690, %dma_start3A_717, %dma_start3A_718] : memref<10240x80x128xf32, #tpu.memory_space<hbm>> -> memref<1x80x128xf32, #tpu.memory_space<hbm>>
        %dma_start3A_720 = tpu.memref_squeeze %dma_start3A_719 : memref<1x80x128xf32, #tpu.memory_space<hbm>> -> memref<80x128xf32, #tpu.memory_space<hbm>>
        tpu.enqueue_dma source(%dma_start3A_720 : memref<80x128xf32, #tpu.memory_space<hbm>>) target(%dma_start3A_716 : memref<80x128xf32, #tpu.memory_space<vmem>>) target_semaphore(%dma_start3A_712 : memref<!tpu.dma_semaphore, #tpu.memory_space<semaphore_mem>>)
      } else {
      }
      %mul3A_581 = arith.constant 320 : i32
      %mul3A_582 = arith.muli %add3A, %mul3A_581 : i32
      %add3A_583 = arith.addi %mul3A_582, %add3A_566 : i32
      %dma_wait3A_584 = arith.constant 3 : i32
      %dma_wait3A_585 = arith.constant 3 : i32
      %dma_wait3A_586 = arith.constant 3 : i32
      %dma_wait3A_587 = arith.constant 0 : i32
      %dma_wait3A_588 = arith.constant 0 : i32
      %dma_wait3A_589 = tpu.memref_slice %arg12[%dma_wait3A_585, %dma_wait3A_587, %dma_wait3A_588] : memref<4x80x128xf32, #tpu.memory_space<vmem>> -> memref<1x80x128xf32, #tpu.memory_space<vmem>>
      %dma_wait3A_590 = tpu.memref_squeeze %dma_wait3A_589 : memref<1x80x128xf32, #tpu.memory_space<vmem>> -> memref<80x128xf32, #tpu.memory_space<vmem>>
      %dma_wait3A_591 = arith.constant 0 : i32
      %dma_wait3A_592 = tpu.memref_slice %arg10[%dma_wait3A_584, %dma_wait3A_591] : memref<4x80xi32, #tpu.memory_space<vmem>> -> memref<1x80xi32, #tpu.memory_space<vmem>>
      %dma_wait3A_593 = tpu.memref_squeeze %dma_wait3A_592 : memref<1x80xi32, #tpu.memory_space<vmem>> -> memref<80xi32, #tpu.memory_space<vmem>>
      %dma_wait3A_594 = arith.constant 0 : i32
      %dma_wait3A_595 = arith.constant 0 : i32
      %dma_wait3A_596 = tpu.memref_slice %arg7[%dma_wait3A_594, %dma_wait3A_595] : memref<5001x128xf32, #tpu.memory_space<vmem_shared>> -> memref<5001x128xf32, #tpu.memory_space<vmem_shared>>
      %dma_wait3A_597 = tpu.memref_slice %arg14[%dma_wait3A_586] : memref<4x!tpu.dma_semaphore, #tpu.memory_space<semaphore_mem>> -> memref<1x!tpu.dma_semaphore, #tpu.memory_space<semaphore_mem>>
      %dma_wait3A_598 = tpu.memref_squeeze %dma_wait3A_597 : memref<1x!tpu.dma_semaphore, #tpu.memory_space<semaphore_mem>> -> memref<!tpu.dma_semaphore, #tpu.memory_space<semaphore_mem>>
      tpu.wait_indirect_dma semaphore(%dma_wait3A_598 : memref<!tpu.dma_semaphore, #tpu.memory_space<semaphore_mem>>) src(%dma_wait3A_596 : memref<5001x128xf32, #tpu.memory_space<vmem_shared>>) dst(%dma_wait3A_590 : memref<80x128xf32, #tpu.memory_space<vmem>>)
      %dma_wait3A_599 = arith.constant 3 : i32
      %dma_wait3A_600 = arith.constant 3 : i32
      %dma_wait3A_601 = arith.constant 0 : i32
      %dma_wait3A_602 = arith.constant 0 : i32
      %dma_wait3A_603 = tpu.memref_slice %arg11[%dma_wait3A_599, %dma_wait3A_601, %dma_wait3A_602] : memref<4x80x128xf32, #tpu.memory_space<vmem>> -> memref<1x80x128xf32, #tpu.memory_space<vmem>>
      %dma_wait3A_604 = tpu.memref_squeeze %dma_wait3A_603 : memref<1x80x128xf32, #tpu.memory_space<vmem>> -> memref<80x128xf32, #tpu.memory_space<vmem>>
      %dma_wait3A_605 = arith.constant 0 : i32
      %dma_wait3A_606 = arith.constant 0 : i32
      %dma_wait3A_607 = tpu.memref_slice %arg2[%add3A_583, %dma_wait3A_605, %dma_wait3A_606] : memref<10240x80x128xf32, #tpu.memory_space<hbm>> -> memref<1x80x128xf32, #tpu.memory_space<hbm>>
      %dma_wait3A_608 = tpu.memref_squeeze %dma_wait3A_607 : memref<1x80x128xf32, #tpu.memory_space<hbm>> -> memref<80x128xf32, #tpu.memory_space<hbm>>
      %dma_wait3A_609 = tpu.memref_slice %arg15[%dma_wait3A_600] : memref<4x!tpu.dma_semaphore, #tpu.memory_space<semaphore_mem>> -> memref<1x!tpu.dma_semaphore, #tpu.memory_space<semaphore_mem>>
      %dma_wait3A_610 = tpu.memref_squeeze %dma_wait3A_609 : memref<1x!tpu.dma_semaphore, #tpu.memory_space<semaphore_mem>> -> memref<!tpu.dma_semaphore, #tpu.memory_space<semaphore_mem>>
      %dma_wait3A_611 = arith.constant 0 : i32
      %dma_wait3A_612 = arith.constant 0 : i32
      %dma_wait3A_613 = tpu.memref_slice %arg11[%dma_wait3A_599, %dma_wait3A_611, %dma_wait3A_612] : memref<4x80x128xf32, #tpu.memory_space<vmem>> -> memref<1x80x128xf32, #tpu.memory_space<vmem>>
      %dma_wait3A_614 = tpu.memref_squeeze %dma_wait3A_613 : memref<1x80x128xf32, #tpu.memory_space<vmem>> -> memref<80x128xf32, #tpu.memory_space<vmem>>
      %dma_wait3A_615 = arith.constant 0 : i32
      %dma_wait3A_616 = arith.constant 0 : i32
      %dma_wait3A_617 = tpu.memref_slice %arg2[%add3A_583, %dma_wait3A_615, %dma_wait3A_616] : memref<10240x80x128xf32, #tpu.memory_space<hbm>> -> memref<1x80x128xf32, #tpu.memory_space<hbm>>
      %dma_wait3A_618 = tpu.memref_squeeze %dma_wait3A_617 : memref<1x80x128xf32, #tpu.memory_space<hbm>> -> memref<80x128xf32, #tpu.memory_space<hbm>>
      tpu.wait_dma2 semaphore(%dma_wait3A_610 : memref<!tpu.dma_semaphore, #tpu.memory_space<semaphore_mem>>) src(%dma_wait3A_618 : memref<80x128xf32, #tpu.memory_space<hbm>>) dst(%dma_wait3A_614 : memref<80x128xf32, #tpu.memory_space<vmem>>)
      %parallel_loop3A_619 = arith.constant 0 : i32
      %parallel_loop3A_620 = arith.constant 80 : i32
      %parallel_loop3A_621 = arith.constant 1 : i32
      scf.for %parallel_loop3A_645 = %parallel_loop3A_619 to %parallel_loop3A_620 step %parallel_loop3A_621  : i32 {
        %parallel_loop3A_646 = arith.constant 3 : i32
        %parallel_loop3A_647 = arith.index_cast %parallel_loop3A_646 : i32 to index
        %parallel_loop3A_648 = arith.index_cast %parallel_loop3A_645 : i32 to index
        %parallel_loop3A_649 = arith.constant 0 : index
        %parallel_loop3A_650 = tpu.vector_load %arg11[%parallel_loop3A_647, %parallel_loop3A_648, %parallel_loop3A_649] {strides = array<i32>} : memref<4x80x128xf32, #tpu.memory_space<vmem>>, vector<1x1x16xf32>,
        %parallel_loop3A_651 = vector.shape_cast %parallel_loop3A_650 : vector<1x1x16xf32> to vector<16xf32>
        %parallel_loop3A_652 = arith.constant 11.3137083 : f32
        %parallel_loop3A_653 = vector.broadcast %parallel_loop3A_652 : f32 to vector<16xf32>
        %parallel_loop3A_654 = arith.mulf %parallel_loop3A_651, %parallel_loop3A_653 : vector<16xf32>
        %parallel_loop3A_655 = arith.constant 3 : i32
        %parallel_loop3A_656 = arith.index_cast %parallel_loop3A_655 : i32 to index
        %parallel_loop3A_657 = arith.index_cast %parallel_loop3A_645 : i32 to index
        %parallel_loop3A_658 = arith.constant 0 : index
        %parallel_loop3A_659 = tpu.vector_load %arg12[%parallel_loop3A_656, %parallel_loop3A_657, %parallel_loop3A_658] {strides = array<i32>} : memref<4x80x128xf32, #tpu.memory_space<vmem>>, vector<1x1x16xf32>,
        %parallel_loop3A_660 = vector.shape_cast %parallel_loop3A_659 : vector<1x1x16xf32> to vector<16xf32>
        %parallel_loop3A_661 = vector.shape_cast %parallel_loop3A_654 : vector<16xf32> to vector<1x1x16xf32>
        tpu.vector_store %arg12[%parallel_loop3A_656, %parallel_loop3A_657, %parallel_loop3A_658], %parallel_loop3A_661 {add = true, strides = array<i32>} : memref<4x80x128xf32, #tpu.memory_space<vmem>>, vector<1x1x16xf32>,
        %parallel_loop3A_662 = arith.constant 3 : i32
        %parallel_loop3A_663 = arith.index_cast %parallel_loop3A_662 : i32 to index
        %parallel_loop3A_664 = arith.index_cast %parallel_loop3A_645 : i32 to index
        %parallel_loop3A_665 = arith.constant 16 : index
        %parallel_loop3A_666 = tpu.vector_load %arg11[%parallel_loop3A_663, %parallel_loop3A_664, %parallel_loop3A_665] {strides = array<i32>} : memref<4x80x128xf32, #tpu.memory_space<vmem>>, vector<1x1x16xf32>,
        %parallel_loop3A_667 = vector.shape_cast %parallel_loop3A_666 : vector<1x1x16xf32> to vector<16xf32>
        %parallel_loop3A_668 = arith.constant 11.3137083 : f32
        %parallel_loop3A_669 = vector.broadcast %parallel_loop3A_668 : f32 to vector<16xf32>
        %parallel_loop3A_670 = arith.mulf %parallel_loop3A_667, %parallel_loop3A_669 : vector<16xf32>
        %parallel_loop3A_671 = arith.constant 3 : i32
        %parallel_loop3A_672 = arith.index_cast %parallel_loop3A_671 : i32 to index
        %parallel_loop3A_673 = arith.index_cast %parallel_loop3A_645 : i32 to index
        %parallel_loop3A_674 = arith.constant 16 : index
        %parallel_loop3A_675 = tpu.vector_load %arg12[%parallel_loop3A_672, %parallel_loop3A_673, %parallel_loop3A_674] {strides = array<i32>} : memref<4x80x128xf32, #tpu.memory_space<vmem>>, vector<1x1x16xf32>,
        %parallel_loop3A_676 = vector.shape_cast %parallel_loop3A_675 : vector<1x1x16xf32> to vector<16xf32>
        %parallel_loop3A_677 = vector.shape_cast %parallel_loop3A_670 : vector<16xf32> to vector<1x1x16xf32>
        tpu.vector_store %arg12[%parallel_loop3A_672, %parallel_loop3A_673, %parallel_loop3A_674], %parallel_loop3A_677 {add = true, strides = array<i32>} : memref<4x80x128xf32, #tpu.memory_space<vmem>>, vector<1x1x16xf32>,
        %parallel_loop3A_678 = arith.constant 3 : i32
        %parallel_loop3A_679 = arith.index_cast %parallel_loop3A_678 : i32 to index
        %parallel_loop3A_680 = arith.index_cast %parallel_loop3A_645 : i32 to index
        %parallel_loop3A_681 = arith.constant 32 : index
        %parallel_loop3A_682 = tpu.vector_load %arg11[%parallel_loop3A_679, %parallel_loop3A_680, %parallel_loop3A_681] {strides = array<i32>} : memref<4x80x128xf32, #tpu.memory_space<vmem>>, vector<1x1x16xf32>,
        %parallel_loop3A_683 = vector.shape_cast %parallel_loop3A_682 : vector<1x1x16xf32> to vector<16xf32>
        %parallel_loop3A_684 = arith.constant 11.3137083 : f32
        %parallel_loop3A_685 = vector.broadcast %parallel_loop3A_684 : f32 to vector<16xf32>
        %parallel_loop3A_686 = arith.mulf %parallel_loop3A_683, %parallel_loop3A_685 : vector<16xf32>
        %parallel_loop3A_687 = arith.constant 3 : i32
        %parallel_loop3A_688 = arith.index_cast %parallel_loop3A_687 : i32 to index
        %parallel_loop3A_689 = arith.index_cast %parallel_loop3A_645 : i32 to index
        %parallel_loop3A_690 = arith.constant 32 : index
        %parallel_loop3A_691 = tpu.vector_load %arg12[%parallel_loop3A_688, %parallel_loop3A_689, %parallel_loop3A_690] {strides = array<i32>} : memref<4x80x128xf32, #tpu.memory_space<vmem>>, vector<1x1x16xf32>,
        %parallel_loop3A_692 = vector.shape_cast %parallel_loop3A_691 : vector<1x1x16xf32> to vector<16xf32>
        %parallel_loop3A_693 = vector.shape_cast %parallel_loop3A_686 : vector<16xf32> to vector<1x1x16xf32>
        tpu.vector_store %arg12[%parallel_loop3A_688, %parallel_loop3A_689, %parallel_loop3A_690], %parallel_loop3A_693 {add = true, strides = array<i32>} : memref<4x80x128xf32, #tpu.memory_space<vmem>>, vector<1x1x16xf32>,
        %parallel_loop3A_694 = arith.constant 3 : i32
        %parallel_loop3A_695 = arith.index_cast %parallel_loop3A_694 : i32 to index
        %parallel_loop3A_696 = arith.index_cast %parallel_loop3A_645 : i32 to index
        %parallel_loop3A_697 = arith.constant 48 : index
        %parallel_loop3A_698 = tpu.vector_load %arg11[%parallel_loop3A_695, %parallel_loop3A_696, %parallel_loop3A_697] {strides = array<i32>} : memref<4x80x128xf32, #tpu.memory_space<vmem>>, vector<1x1x16xf32>,
        %parallel_loop3A_699 = vector.shape_cast %parallel_loop3A_698 : vector<1x1x16xf32> to vector<16xf32>
        %parallel_loop3A_700 = arith.constant 11.3137083 : f32
        %parallel_loop3A_701 = vector.broadcast %parallel_loop3A_700 : f32 to vector<16xf32>
        %parallel_loop3A_702 = arith.mulf %parallel_loop3A_699, %parallel_loop3A_701 : vector<16xf32>
        %parallel_loop3A_703 = arith.constant 3 : i32
        %parallel_loop3A_704 = arith.index_cast %parallel_loop3A_703 : i32 to index
        %parallel_loop3A_705 = arith.index_cast %parallel_loop3A_645 : i32 to index
        %parallel_loop3A_706 = arith.constant 48 : index
        %parallel_loop3A_707 = tpu.vector_load %arg12[%parallel_loop3A_704, %parallel_loop3A_705, %parallel_loop3A_706] {strides = array<i32>} : memref<4x80x128xf32, #tpu.memory_space<vmem>>, vector<1x1x16xf32>,
        %parallel_loop3A_708 = vector.shape_cast %parallel_loop3A_707 : vector<1x1x16xf32> to vector<16xf32>
        %parallel_loop3A_709 = vector.shape_cast %parallel_loop3A_702 : vector<16xf32> to vector<1x1x16xf32>
        tpu.vector_store %arg12[%parallel_loop3A_704, %parallel_loop3A_705, %parallel_loop3A_706], %parallel_loop3A_709 {add = true, strides = array<i32>} : memref<4x80x128xf32, #tpu.memory_space<vmem>>, vector<1x1x16xf32>,
        %parallel_loop3A_710 = arith.constant 3 : i32
        %parallel_loop3A_711 = arith.index_cast %parallel_loop3A_710 : i32 to index
        %parallel_loop3A_712 = arith.index_cast %parallel_loop3A_645 : i32 to index
        %parallel_loop3A_713 = arith.constant 64 : index
        %parallel_loop3A_714 = tpu.vector_load %arg11[%parallel_loop3A_711, %parallel_loop3A_712, %parallel_loop3A_713] {strides = array<i32>} : memref<4x80x128xf32, #tpu.memory_space<vmem>>, vector<1x1x16xf32>,
        %parallel_loop3A_715 = vector.shape_cast %parallel_loop3A_714 : vector<1x1x16xf32> to vector<16xf32>
        %parallel_loop3A_716 = arith.constant 11.3137083 : f32
        %parallel_loop3A_717 = vector.broadcast %parallel_loop3A_716 : f32 to vector<16xf32>
        %parallel_loop3A_718 = arith.mulf %parallel_loop3A_715, %parallel_loop3A_717 : vector<16xf32>
        %parallel_loop3A_719 = arith.constant 3 : i32
        %parallel_loop3A_720 = arith.index_cast %parallel_loop3A_719 : i32 to index
        %parallel_loop3A_721 = arith.index_cast %parallel_loop3A_645 : i32 to index
        %parallel_loop3A_722 = arith.constant 64 : index
        %parallel_loop3A_723 = tpu.vector_load %arg12[%parallel_loop3A_720, %parallel_loop3A_721, %parallel_loop3A_722] {strides = array<i32>} : memref<4x80x128xf32, #tpu.memory_space<vmem>>, vector<1x1x16xf32>,
        %parallel_loop3A_724 = vector.shape_cast %parallel_loop3A_723 : vector<1x1x16xf32> to vector<16xf32>
        %parallel_loop3A_725 = vector.shape_cast %parallel_loop3A_718 : vector<16xf32> to vector<1x1x16xf32>
        tpu.vector_store %arg12[%parallel_loop3A_720, %parallel_loop3A_721, %parallel_loop3A_722], %parallel_loop3A_725 {add = true, strides = array<i32>} : memref<4x80x128xf32, #tpu.memory_space<vmem>>, vector<1x1x16xf32>,
        %parallel_loop3A_726 = arith.constant 3 : i32
        %parallel_loop3A_727 = arith.index_cast %parallel_loop3A_726 : i32 to index
        %parallel_loop3A_728 = arith.index_cast %parallel_loop3A_645 : i32 to index
        %parallel_loop3A_729 = arith.constant 80 : index
        %parallel_loop3A_730 = tpu.vector_load %arg11[%parallel_loop3A_727, %parallel_loop3A_728, %parallel_loop3A_729] {strides = array<i32>} : memref<4x80x128xf32, #tpu.memory_space<vmem>>, vector<1x1x16xf32>,
        %parallel_loop3A_731 = vector.shape_cast %parallel_loop3A_730 : vector<1x1x16xf32> to vector<16xf32>
        %parallel_loop3A_732 = arith.constant 11.3137083 : f32
        %parallel_loop3A_733 = vector.broadcast %parallel_loop3A_732 : f32 to vector<16xf32>
        %parallel_loop3A_734 = arith.mulf %parallel_loop3A_731, %parallel_loop3A_733 : vector<16xf32>
        %parallel_loop3A_735 = arith.constant 3 : i32
        %parallel_loop3A_736 = arith.index_cast %parallel_loop3A_735 : i32 to index
        %parallel_loop3A_737 = arith.index_cast %parallel_loop3A_645 : i32 to index
        %parallel_loop3A_738 = arith.constant 80 : index
        %parallel_loop3A_739 = tpu.vector_load %arg12[%parallel_loop3A_736, %parallel_loop3A_737, %parallel_loop3A_738] {strides = array<i32>} : memref<4x80x128xf32, #tpu.memory_space<vmem>>, vector<1x1x16xf32>,
        %parallel_loop3A_740 = vector.shape_cast %parallel_loop3A_739 : vector<1x1x16xf32> to vector<16xf32>
        %parallel_loop3A_741 = vector.shape_cast %parallel_loop3A_734 : vector<16xf32> to vector<1x1x16xf32>
        tpu.vector_store %arg12[%parallel_loop3A_736, %parallel_loop3A_737, %parallel_loop3A_738], %parallel_loop3A_741 {add = true, strides = array<i32>} : memref<4x80x128xf32, #tpu.memory_space<vmem>>, vector<1x1x16xf32>,
        %parallel_loop3A_742 = arith.constant 3 : i32
        %parallel_loop3A_743 = arith.index_cast %parallel_loop3A_742 : i32 to index
        %parallel_loop3A_744 = arith.index_cast %parallel_loop3A_645 : i32 to index
        %parallel_loop3A_745 = arith.constant 96 : index
        %parallel_loop3A_746 = tpu.vector_load %arg11[%parallel_loop3A_743, %parallel_loop3A_744, %parallel_loop3A_745] {strides = array<i32>} : memref<4x80x128xf32, #tpu.memory_space<vmem>>, vector<1x1x16xf32>,
        %parallel_loop3A_747 = vector.shape_cast %parallel_loop3A_746 : vector<1x1x16xf32> to vector<16xf32>
        %parallel_loop3A_748 = arith.constant 11.3137083 : f32
        %parallel_loop3A_749 = vector.broadcast %parallel_loop3A_748 : f32 to vector<16xf32>
        %parallel_loop3A_750 = arith.mulf %parallel_loop3A_747, %parallel_loop3A_749 : vector<16xf32>
        %parallel_loop3A_751 = arith.constant 3 : i32
        %parallel_loop3A_752 = arith.index_cast %parallel_loop3A_751 : i32 to index
        %parallel_loop3A_753 = arith.index_cast %parallel_loop3A_645 : i32 to index
        %parallel_loop3A_754 = arith.constant 96 : index
        %parallel_loop3A_755 = tpu.vector_load %arg12[%parallel_loop3A_752, %parallel_loop3A_753, %parallel_loop3A_754] {strides = array<i32>} : memref<4x80x128xf32, #tpu.memory_space<vmem>>, vector<1x1x16xf32>,
        %parallel_loop3A_756 = vector.shape_cast %parallel_loop3A_755 : vector<1x1x16xf32> to vector<16xf32>
        %parallel_loop3A_757 = vector.shape_cast %parallel_loop3A_750 : vector<16xf32> to vector<1x1x16xf32>
        tpu.vector_store %arg12[%parallel_loop3A_752, %parallel_loop3A_753, %parallel_loop3A_754], %parallel_loop3A_757 {add = true, strides = array<i32>} : memref<4x80x128xf32, #tpu.memory_space<vmem>>, vector<1x1x16xf32>,
        %parallel_loop3A_758 = arith.constant 3 : i32
        %parallel_loop3A_759 = arith.index_cast %parallel_loop3A_758 : i32 to index
        %parallel_loop3A_760 = arith.index_cast %parallel_loop3A_645 : i32 to index
        %parallel_loop3A_761 = arith.constant 112 : index
        %parallel_loop3A_762 = tpu.vector_load %arg11[%parallel_loop3A_759, %parallel_loop3A_760, %parallel_loop3A_761] {strides = array<i32>} : memref<4x80x128xf32, #tpu.memory_space<vmem>>, vector<1x1x16xf32>,
        %parallel_loop3A_763 = vector.shape_cast %parallel_loop3A_762 : vector<1x1x16xf32> to vector<16xf32>
        %parallel_loop3A_764 = arith.constant 11.3137083 : f32
        %parallel_loop3A_765 = vector.broadcast %parallel_loop3A_764 : f32 to vector<16xf32>
        %parallel_loop3A_766 = arith.mulf %parallel_loop3A_763, %parallel_loop3A_765 : vector<16xf32>
        %parallel_loop3A_767 = arith.constant 3 : i32
        %parallel_loop3A_768 = arith.index_cast %parallel_loop3A_767 : i32 to index
        %parallel_loop3A_769 = arith.index_cast %parallel_loop3A_645 : i32 to index
        %parallel_loop3A_770 = arith.constant 112 : index
        %parallel_loop3A_771 = tpu.vector_load %arg12[%parallel_loop3A_768, %parallel_loop3A_769, %parallel_loop3A_770] {strides = array<i32>} : memref<4x80x128xf32, #tpu.memory_space<vmem>>, vector<1x1x16xf32>,
        %parallel_loop3A_772 = vector.shape_cast %parallel_loop3A_771 : vector<1x1x16xf32> to vector<16xf32>
        %parallel_loop3A_773 = vector.shape_cast %parallel_loop3A_766 : vector<16xf32> to vector<1x1x16xf32>
        tpu.vector_store %arg12[%parallel_loop3A_768, %parallel_loop3A_769, %parallel_loop3A_770], %parallel_loop3A_773 {add = true, strides = array<i32>} : memref<4x80x128xf32, #tpu.memory_space<vmem>>, vector<1x1x16xf32>,
      } {sc.loop_unroll_factor = 4 : i64, sc.parallel_access}
      %mul3A_622 = arith.constant 320 : i32
      %mul3A_623 = arith.muli %add3A, %mul3A_622 : i32
      %add3A_624 = arith.addi %mul3A_623, %add3A_566 : i32
      %dma_start3A_625 = arith.constant 3 : i32
      %dma_start3A_626 = arith.constant 3 : i32
      %dma_start3A_627 = arith.constant 0 : i32
      %dma_start3A_628 = arith.constant 0 : i32
      %dma_start3A_629 = tpu.memref_slice %arg12[%dma_start3A_625, %dma_start3A_627, %dma_start3A_628] : memref<4x80x128xf32, #tpu.memory_space<vmem>> -> memref<1x80x128xf32, #tpu.memory_space<vmem>>
      %dma_start3A_630 = tpu.memref_squeeze %dma_start3A_629 : memref<1x80x128xf32, #tpu.memory_space<vmem>> -> memref<80x128xf32, #tpu.memory_space<vmem>>
      %dma_start3A_631 = arith.constant 0 : i32
      %dma_start3A_632 = arith.constant 0 : i32
      %dma_start3A_633 = tpu.memref_slice %arg6[%add3A_624, %dma_start3A_631, %dma_start3A_632] : memref<10240x80x128xf32, #tpu.memory_space<hbm>> -> memref<1x80x128xf32, #tpu.memory_space<hbm>>
      %dma_start3A_634 = tpu.memref_squeeze %dma_start3A_633 : memref<1x80x128xf32, #tpu.memory_space<hbm>> -> memref<80x128xf32, #tpu.memory_space<hbm>>
      %dma_start3A_635 = tpu.memref_slice %arg16[%dma_start3A_626] : memref<4x!tpu.dma_semaphore, #tpu.memory_space<semaphore_mem>> -> memref<1x!tpu.dma_semaphore, #tpu.memory_space<semaphore_mem>>
      %dma_start3A_636 = tpu.memref_squeeze %dma_start3A_635 : memref<1x!tpu.dma_semaphore, #tpu.memory_space<semaphore_mem>> -> memref<!tpu.dma_semaphore, #tpu.memory_space<semaphore_mem>>
      %dma_start3A_637 = arith.constant 0 : i32
      %dma_start3A_638 = arith.constant 0 : i32
      %dma_start3A_639 = tpu.memref_slice %arg6[%add3A_624, %dma_start3A_637, %dma_start3A_638] : memref<10240x80x128xf32, #tpu.memory_space<hbm>> -> memref<1x80x128xf32, #tpu.memory_space<hbm>>
      %dma_start3A_640 = tpu.memref_squeeze %dma_start3A_639 : memref<1x80x128xf32, #tpu.memory_space<hbm>> -> memref<80x128xf32, #tpu.memory_space<hbm>>
      %dma_start3A_641 = arith.constant 0 : i32
      %dma_start3A_642 = arith.constant 0 : i32
      %dma_start3A_643 = tpu.memref_slice %arg12[%dma_start3A_625, %dma_start3A_641, %dma_start3A_642] : memref<4x80x128xf32, #tpu.memory_space<vmem>> -> memref<1x80x128xf32, #tpu.memory_space<vmem>>
      %dma_start3A_644 = tpu.memref_squeeze %dma_start3A_643 : memref<1x80x128xf32, #tpu.memory_space<vmem>> -> memref<80x128xf32, #tpu.memory_space<vmem>>
      tpu.enqueue_dma source(%dma_start3A_644 : memref<80x128xf32, #tpu.memory_space<vmem>>) target(%dma_start3A_640 : memref<80x128xf32, #tpu.memory_space<hbm>>) target_semaphore(%dma_start3A_636 : memref<!tpu.dma_semaphore, #tpu.memory_space<semaphore_mem>>)
    }
    %scan3A_220 = arith.constant 80 : i32
    %mul3A_221 = arith.constant 320 : i32
    %mul3A_222 = arith.muli %add3A, %mul3A_221 : i32
    %add3A_223 = arith.constant 316 : i32
    %add3A_224 = arith.addi %mul3A_222, %add3A_223 : i32
    %dma_wait3A_225 = arith.constant 0 : i32
    %dma_wait3A_226 = arith.constant 0 : i32
    %dma_wait3A_227 = arith.constant 0 : i32
    %dma_wait3A_228 = arith.constant 0 : i32
    %dma_wait3A_229 = tpu.memref_slice %arg12[%dma_wait3A_225, %dma_wait3A_227, %dma_wait3A_228] : memref<4x80x128xf32, #tpu.memory_space<vmem>> -> memref<1x80x128xf32, #tpu.memory_space<vmem>>
    %dma_wait3A_230 = tpu.memref_squeeze %dma_wait3A_229 : memref<1x80x128xf32, #tpu.memory_space<vmem>> -> memref<80x128xf32, #tpu.memory_space<vmem>>
    %dma_wait3A_231 = arith.constant 0 : i32
    %dma_wait3A_232 = arith.constant 0 : i32
    %dma_wait3A_233 = tpu.memref_slice %arg6[%add3A_224, %dma_wait3A_231, %dma_wait3A_232] : memref<10240x80x128xf32, #tpu.memory_space<hbm>> -> memref<1x80x128xf32, #tpu.memory_space<hbm>>
    %dma_wait3A_234 = tpu.memref_squeeze %dma_wait3A_233 : memref<1x80x128xf32, #tpu.memory_space<hbm>> -> memref<80x128xf32, #tpu.memory_space<hbm>>
    %dma_wait3A_235 = tpu.memref_slice %arg16[%dma_wait3A_226] : memref<4x!tpu.dma_semaphore, #tpu.memory_space<semaphore_mem>> -> memref<1x!tpu.dma_semaphore, #tpu.memory_space<semaphore_mem>>
    %dma_wait3A_236 = tpu.memref_squeeze %dma_wait3A_235 : memref<1x!tpu.dma_semaphore, #tpu.memory_space<semaphore_mem>> -> memref<!tpu.dma_semaphore, #tpu.memory_space<semaphore_mem>>
    %dma_wait3A_237 = arith.constant 0 : i32
    %dma_wait3A_238 = arith.constant 0 : i32
    %dma_wait3A_239 = tpu.memref_slice %arg6[%add3A_224, %dma_wait3A_237, %dma_wait3A_238] : memref<10240x80x128xf32, #tpu.memory_space<hbm>> -> memref<1x80x128xf32, #tpu.memory_space<hbm>>
    %dma_wait3A_240 = tpu.memref_squeeze %dma_wait3A_239 : memref<1x80x128xf32, #tpu.memory_space<hbm>> -> memref<80x128xf32, #tpu.memory_space<hbm>>
    %dma_wait3A_241 = arith.constant 0 : i32
    %dma_wait3A_242 = arith.constant 0 : i32
    %dma_wait3A_243 = tpu.memref_slice %arg12[%dma_wait3A_225, %dma_wait3A_241, %dma_wait3A_242] : memref<4x80x128xf32, #tpu.memory_space<vmem>> -> memref<1x80x128xf32, #tpu.memory_space<vmem>>
    %dma_wait3A_244 = tpu.memref_squeeze %dma_wait3A_243 : memref<1x80x128xf32, #tpu.memory_space<vmem>> -> memref<80x128xf32, #tpu.memory_space<vmem>>
    tpu.wait_dma2 semaphore(%dma_wait3A_236 : memref<!tpu.dma_semaphore, #tpu.memory_space<semaphore_mem>>) src(%dma_wait3A_244 : memref<80x128xf32, #tpu.memory_space<vmem>>) dst(%dma_wait3A_240 : memref<80x128xf32, #tpu.memory_space<hbm>>)
    %mul3A_245 = arith.constant 320 : i32
    %mul3A_246 = arith.muli %add3A, %mul3A_245 : i32
    %add3A_247 = arith.constant 317 : i32
    %add3A_248 = arith.addi %mul3A_246, %add3A_247 : i32
    %dma_wait3A_249 = arith.constant 1 : i32
    %dma_wait3A_250 = arith.constant 1 : i32
    %dma_wait3A_251 = arith.constant 0 : i32
    %dma_wait3A_252 = arith.constant 0 : i32
    %dma_wait3A_253 = tpu.memref_slice %arg12[%dma_wait3A_249, %dma_wait3A_251, %dma_wait3A_252] : memref<4x80x128xf32, #tpu.memory_space<vmem>> -> memref<1x80x128xf32, #tpu.memory_space<vmem>>
    %dma_wait3A_254 = tpu.memref_squeeze %dma_wait3A_253 : memref<1x80x128xf32, #tpu.memory_space<vmem>> -> memref<80x128xf32, #tpu.memory_space<vmem>>
    %dma_wait3A_255 = arith.constant 0 : i32
    %dma_wait3A_256 = arith.constant 0 : i32
    %dma_wait3A_257 = tpu.memref_slice %arg6[%add3A_248, %dma_wait3A_255, %dma_wait3A_256] : memref<10240x80x128xf32, #tpu.memory_space<hbm>> -> memref<1x80x128xf32, #tpu.memory_space<hbm>>
    %dma_wait3A_258 = tpu.memref_squeeze %dma_wait3A_257 : memref<1x80x128xf32, #tpu.memory_space<hbm>> -> memref<80x128xf32, #tpu.memory_space<hbm>>
    %dma_wait3A_259 = tpu.memref_slice %arg16[%dma_wait3A_250] : memref<4x!tpu.dma_semaphore, #tpu.memory_space<semaphore_mem>> -> memref<1x!tpu.dma_semaphore, #tpu.memory_space<semaphore_mem>>
    %dma_wait3A_260 = tpu.memref_squeeze %dma_wait3A_259 : memref<1x!tpu.dma_semaphore, #tpu.memory_space<semaphore_mem>> -> memref<!tpu.dma_semaphore, #tpu.memory_space<semaphore_mem>>
    %dma_wait3A_261 = arith.constant 0 : i32
    %dma_wait3A_262 = arith.constant 0 : i32
    %dma_wait3A_263 = tpu.memref_slice %arg6[%add3A_248, %dma_wait3A_261, %dma_wait3A_262] : memref<10240x80x128xf32, #tpu.memory_space<hbm>> -> memref<1x80x128xf32, #tpu.memory_space<hbm>>
    %dma_wait3A_264 = tpu.memref_squeeze %dma_wait3A_263 : memref<1x80x128xf32, #tpu.memory_space<hbm>> -> memref<80x128xf32, #tpu.memory_space<hbm>>
    %dma_wait3A_265 = arith.constant 0 : i32
    %dma_wait3A_266 = arith.constant 0 : i32
    %dma_wait3A_267 = tpu.memref_slice %arg12[%dma_wait3A_249, %dma_wait3A_265, %dma_wait3A_266] : memref<4x80x128xf32, #tpu.memory_space<vmem>> -> memref<1x80x128xf32, #tpu.memory_space<vmem>>
    %dma_wait3A_268 = tpu.memref_squeeze %dma_wait3A_267 : memref<1x80x128xf32, #tpu.memory_space<vmem>> -> memref<80x128xf32, #tpu.memory_space<vmem>>
    tpu.wait_dma2 semaphore(%dma_wait3A_260 : memref<!tpu.dma_semaphore, #tpu.memory_space<semaphore_mem>>) src(%dma_wait3A_268 : memref<80x128xf32, #tpu.memory_space<vmem>>) dst(%dma_wait3A_264 : memref<80x128xf32, #tpu.memory_space<hbm>>)
    %mul3A_269 = arith.constant 320 : i32
    %mul3A_270 = arith.muli %add3A, %mul3A_269 : i32
    %add3A_271 = arith.constant 318 : i32
    %add3A_272 = arith.addi %mul3A_270, %add3A_271 : i32
    %dma_wait3A_273 = arith.constant 2 : i32
    %dma_wait3A_274 = arith.constant 2 : i32
    %dma_wait3A_275 = arith.constant 0 : i32
    %dma_wait3A_276 = arith.constant 0 : i32
    %dma_wait3A_277 = tpu.memref_slice %arg12[%dma_wait3A_273, %dma_wait3A_275, %dma_wait3A_276] : memref<4x80x128xf32, #tpu.memory_space<vmem>> -> memref<1x80x128xf32, #tpu.memory_space<vmem>>
    %dma_wait3A_278 = tpu.memref_squeeze %dma_wait3A_277 : memref<1x80x128xf32, #tpu.memory_space<vmem>> -> memref<80x128xf32, #tpu.memory_space<vmem>>
    %dma_wait3A_279 = arith.constant 0 : i32
    %dma_wait3A_280 = arith.constant 0 : i32
    %dma_wait3A_281 = tpu.memref_slice %arg6[%add3A_272, %dma_wait3A_279, %dma_wait3A_280] : memref<10240x80x128xf32, #tpu.memory_space<hbm>> -> memref<1x80x128xf32, #tpu.memory_space<hbm>>
    %dma_wait3A_282 = tpu.memref_squeeze %dma_wait3A_281 : memref<1x80x128xf32, #tpu.memory_space<hbm>> -> memref<80x128xf32, #tpu.memory_space<hbm>>
    %dma_wait3A_283 = tpu.memref_slice %arg16[%dma_wait3A_274] : memref<4x!tpu.dma_semaphore, #tpu.memory_space<semaphore_mem>> -> memref<1x!tpu.dma_semaphore, #tpu.memory_space<semaphore_mem>>
    %dma_wait3A_284 = tpu.memref_squeeze %dma_wait3A_283 : memref<1x!tpu.dma_semaphore, #tpu.memory_space<semaphore_mem>> -> memref<!tpu.dma_semaphore, #tpu.memory_space<semaphore_mem>>
    %dma_wait3A_285 = arith.constant 0 : i32
    %dma_wait3A_286 = arith.constant 0 : i32
    %dma_wait3A_287 = tpu.memref_slice %arg6[%add3A_272, %dma_wait3A_285, %dma_wait3A_286] : memref<10240x80x128xf32, #tpu.memory_space<hbm>> -> memref<1x80x128xf32, #tpu.memory_space<hbm>>
    %dma_wait3A_288 = tpu.memref_squeeze %dma_wait3A_287 : memref<1x80x128xf32, #tpu.memory_space<hbm>> -> memref<80x128xf32, #tpu.memory_space<hbm>>
    %dma_wait3A_289 = arith.constant 0 : i32
    %dma_wait3A_290 = arith.constant 0 : i32
    %dma_wait3A_291 = tpu.memref_slice %arg12[%dma_wait3A_273, %dma_wait3A_289, %dma_wait3A_290] : memref<4x80x128xf32, #tpu.memory_space<vmem>> -> memref<1x80x128xf32, #tpu.memory_space<vmem>>
    %dma_wait3A_292 = tpu.memref_squeeze %dma_wait3A_291 : memref<1x80x128xf32, #tpu.memory_space<vmem>> -> memref<80x128xf32, #tpu.memory_space<vmem>>
    tpu.wait_dma2 semaphore(%dma_wait3A_284 : memref<!tpu.dma_semaphore, #tpu.memory_space<semaphore_mem>>) src(%dma_wait3A_292 : memref<80x128xf32, #tpu.memory_space<vmem>>) dst(%dma_wait3A_288 : memref<80x128xf32, #tpu.memory_space<hbm>>)
    %mul3A_293 = arith.constant 320 : i32
    %mul3A_294 = arith.muli %add3A, %mul3A_293 : i32
    %add3A_295 = arith.constant 319 : i32
    %add3A_296 = arith.addi %mul3A_294, %add3A_295 : i32
    %dma_wait3A_297 = arith.constant 3 : i32
    %dma_wait3A_298 = arith.constant 3 : i32
    %dma_wait3A_299 = arith.constant 0 : i32
    %dma_wait3A_300 = arith.constant 0 : i32
    %dma_wait3A_301 = tpu.memref_slice %arg12[%dma_wait3A_297, %dma_wait3A_299, %dma_wait3A_300] : memref<4x80x128xf32, #tpu.memory_space<vmem>> -> memref<1x80x128xf32, #tpu.memory_space<vmem>>
    %dma_wait3A_302 = tpu.memref_squeeze %dma_wait3A_301 : memref<1x80x128xf32, #tpu.memory_space<vmem>> -> memref<80x128xf32, #tpu.memory_space<vmem>>
    %dma_wait3A_303 = arith.constant 0 : i32
    %dma_wait3A_304 = arith.constant 0 : i32
    %dma_wait3A_305 = tpu.memref_slice %arg6[%add3A_296, %dma_wait3A_303, %dma_wait3A_304] : memref<10240x80x128xf32, #tpu.memory_space<hbm>> -> memref<1x80x128xf32, #tpu.memory_space<hbm>>
    %dma_wait3A_306 = tpu.memref_squeeze %dma_wait3A_305 : memref<1x80x128xf32, #tpu.memory_space<hbm>> -> memref<80x128xf32, #tpu.memory_space<hbm>>
    %dma_wait3A_307 = tpu.memref_slice %arg16[%dma_wait3A_298] : memref<4x!tpu.dma_semaphore, #tpu.memory_space<semaphore_mem>> -> memref<1x!tpu.dma_semaphore, #tpu.memory_space<semaphore_mem>>
    %dma_wait3A_308 = tpu.memref_squeeze %dma_wait3A_307 : memref<1x!tpu.dma_semaphore, #tpu.memory_space<semaphore_mem>> -> memref<!tpu.dma_semaphore, #tpu.memory_space<semaphore_mem>>
    %dma_wait3A_309 = arith.constant 0 : i32
    %dma_wait3A_310 = arith.constant 0 : i32
    %dma_wait3A_311 = tpu.memref_slice %arg6[%add3A_296, %dma_wait3A_309, %dma_wait3A_310] : memref<10240x80x128xf32, #tpu.memory_space<hbm>> -> memref<1x80x128xf32, #tpu.memory_space<hbm>>
    %dma_wait3A_312 = tpu.memref_squeeze %dma_wait3A_311 : memref<1x80x128xf32, #tpu.memory_space<hbm>> -> memref<80x128xf32, #tpu.memory_space<hbm>>
    %dma_wait3A_313 = arith.constant 0 : i32
    %dma_wait3A_314 = arith.constant 0 : i32
    %dma_wait3A_315 = tpu.memref_slice %arg12[%dma_wait3A_297, %dma_wait3A_313, %dma_wait3A_314] : memref<4x80x128xf32, #tpu.memory_space<vmem>> -> memref<1x80x128xf32, #tpu.memory_space<vmem>>
    %dma_wait3A_316 = tpu.memref_squeeze %dma_wait3A_315 : memref<1x80x128xf32, #tpu.memory_space<vmem>> -> memref<80x128xf32, #tpu.memory_space<vmem>>
    tpu.wait_dma2 semaphore(%dma_wait3A_308 : memref<!tpu.dma_semaphore, #tpu.memory_space<semaphore_mem>>) src(%dma_wait3A_316 : memref<80x128xf32, #tpu.memory_space<vmem>>) dst(%dma_wait3A_312 : memref<80x128xf32, #tpu.memory_space<hbm>>)
    return
  }
}

</mosaic_0001>

<sc_bundles>
// kernel: kernel.3.cloned.1.call-start
scs
__scs_entry_jumppad:
0x0: {  	(pc) =	sbr.rel $0x88, $3  }
0x1: {  	(tag) =	ssettag $0x0;
	lr =	simm.s32 $0x1  }
0x2: {  	[smem:$0x3F9D] =	sst lr;
	_ =	strace $0xD0000000  }
0x3: {  	_ = 	snop  }
0x4: {  	_ = 	snop  }
0x5: {  	_ = 	snop  }
0x6: {  	_ = 	snop  }
0x7: {  	_ = 	snop  }
__scs_overlays_trampoline_lowered:
0x8: {  	[smem:$0x3FAC] =	sst s0  }
0x9: {  	[smem:$0x3FAD] =	sst s1  }
0xa: {  	[smem:$0x3FAE] =	sst s2  }
0xb: {  	[smem:$0x3FAF] =	sst s3  }
0xc: {  	[smem:$0x3FB0] =	sst s4  }
0xd: {  	[smem:$0x3FB1] =	sst s5  }
0xe: {  	[smem:$0x3FB2] =	sst s6  }
0xf: {  	[smem:$0x3FB3] =	sst s7  }
0x10: {  	[smem:$0x3FB4] =	sst s8  }
0x11: {  	[smem:$0x3FB5] =	sst s9;
	s0 =	simm.s32 @!p0 $0x0  }
0x12: {  	s1 =	sld [smem:$0x3F9B];
	s0 =	simm.s32 @p0 $0x1  }
0x13: {  	[smem:$0x3FB6] =	sst s0;
	s0 =	simm.s32 @!p1 $0x0  }
0x14: {  	s2 =	sld [smem:$0x3F9A];
	s0 =	simm.s32 @p1 $0x1  }
0x15: {  	[smem:$0x3FB7] =	sst s0;
	s0 =	simm.s32 @!p2 $0x0  }
0x16: {  	s3 =	sld [smem:$0x3FDB];
	s0 =	simm.s32 @p2 $0x1  }
0x17: {  	s4 =	simm.s32 $0x1BF5;
	[smem:$0x3FB9] =	sst s0  }
0x18: {  	s0 =	sld [smem:$0x3F9C];
	_ =	swait.ge [sflag:s4], $0x0  }
0x19: {  	s7 =	sld [smem:$0x3F9D]  }
0x1a: {  	s8 =	sadd.s32 $0xFFFFE003, lr  }
0x1b: {  	s9 =	sadd.s32 $0xFFFFFEF7, lr;
	s5 =	simm.s32 $0xFFFFFFFF;
	p2 =	slt.u32 s8, $0xFFFFF086  }
0x1c: {  	p1 =	slt.u32 s9, $0xF7A;
	s5 =	simm.s32 @!p2 $0x0  }
0x1d: {  	s5 =	simm.s32 @p1 $0x1;
	p0 =	seq.s32 s7, s2  }
0x1e: {  	s7 =	smul.u32 @!p0 $0xF7A, s2;
	p2 =	seq.s32 @!p0 s5, $0x0  }
0x1f: {  	s9 =	smul.u32 $0xF7A, s1;
	s8 =	simm.s32 @!p0 $0x1BF5;
	p2 =	por !p2, p0  }
0x20: {  	[sflag:s8] =	ssyncset.s32 @!p0 $0xFFFFF086;
	s6 =	sadd.s32 @!p0 s3, s7;
	s7 =	simm.s32 @!p0 $0x108  }
0x21: {  	s3 =	sadd.s32 s3, s9;
	s6 =	sadd.s32 @!p0 $0x88, s6;
	s7 =	simm.s32 @p2 $0x1082  }
0x22: {  	[simem:s7], [sflag:s8] =	dma.local @!p0 [hbm:s6], $0xF7A  }
0x23: {  	s9 =	sor.u32 $0xD0000000, s2;
	s6 =	simm.s32 $0x108;
	_ =	swait.ge @!p0 [sflag:s8], $0x0  }
0x24: {  	s3 =	sadd.s32 $0x88, s3;
	s6 =	simm.s32 @!p1 $0x1082;
	[sflag:s4] =	ssyncset.s32 $0xFFFFF086  }
0x25: {  	[simem:s6], [sflag:s4] =	dma.local [hbm:s3], $0xF7A  }
0x26: {  	[smem:$0x3F9D] =	sst s1;
	(tag) =	ssettag s2;
	_ =	strace s9  }
0x27: {  	s1 =	sld [smem:$0x3FAD]  }
0x28: {  	s2 =	sld [smem:$0x3FAE]  }
0x29: {  	s4 =	sld [smem:$0x3FB0]  }
0x2a: {  	p0 =	seq.s32 s5, $0x0;
	s5 =	sld [smem:$0x3FB1]  }
0x2b: {  	s6 =	sld [smem:$0x3FB2]  }
0x2c: {  	s7 =	sld [smem:$0x3FB3]  }
0x2d: {  	s3 =	simm.s32 $0x108;
	s8 =	sld [smem:$0x3FB4]  }
0x2e: {  	s3 =	simm.s32 @!p0 $0x1082;
	s9 =	sld [smem:$0x3FB5]  }
0x2f: {  	lr =	sadd.s32 s0, s3;
	s0 =	sld [smem:$0x3FAC]  }
0x30: {  	s3 =	sld [smem:$0x3FAF]  }
0x31: {  	[smem:$0x3FB8] =	sst s10  }
0x32: {  	s10 =	sld [smem:$0x3FB6];
	_ =	sdelay $0x3  }
0x33: {  	p0 =	seq.s32 s10, $0x1;
	s10 =	sld [smem:$0x3FB8];
	_ =	sdelay $0x3  }
0x34: {  	[smem:$0x3FB8] =	sst s10  }
0x35: {  	s10 =	sld [smem:$0x3FB7];
	_ =	sdelay $0x3  }
0x36: {  	p1 =	seq.s32 s10, $0x1;
	s10 =	sld [smem:$0x3FB8];
	_ =	sdelay $0x3  }
0x37: {  	[smem:$0x3FB8] =	sst s10  }
0x38: {  	s10 =	sld [smem:$0x3FB9]  }
0x39: {  	_ = 	snop;
	(pc) =	sbr.ind lr, $3  }
0x3a: {  	_ = 	snop  }
0x3b: {  	_ = 	snop  }
0x3c: {  	p2 =	seq.s32 s10, $0x1;
	s10 =	sld [smem:$0x3FB8]  }
0x3d: {  	_ =	shalt  }
0x3e: {  	_ =	shalt  }
0x3f: {  	_ =	shalt  }
0x40: {  	_ =	shalt  }
0x41: {  	_ =	shalt  }
0x42: {  	_ =	shalt  }
0x43: {  	_ =	shalt  }
0x44: {  	_ =	shalt  }
0x45: {  	_ =	shalt  }
0x46: {  	_ =	shalt  }
0x47: {  	_ =	shalt  }
0x48: {  	_ =	shalt  }
0x49: {  	_ =	shalt  }
0x4a: {  	_ =	shalt  }
0x4b: {  	_ =	shalt  }
0x4c: {  	_ =	shalt  }
0x4d: {  	_ =	shalt  }
0x4e: {  	_ =	shalt  }
0x4f: {  	_ =	shalt  }
0x50: {  	_ =	shalt  }
0x51: {  	_ =	shalt  }
0x52: {  	_ =	shalt  }
0x53: {  	_ =	shalt  }
0x54: {  	_ =	shalt  }
0x55: {  	_ =	shalt  }
0x56: {  	_ =	shalt  }
0x57: {  	_ =	shalt  }
0x58: {  	_ =	shalt  }
0x59: {  	_ =	shalt  }
0x5a: {  	_ =	shalt  }
0x5b: {  	_ =	shalt  }
0x5c: {  	_ =	shalt  }
0x5d: {  	_ =	shalt  }
0x5e: {  	_ =	shalt  }
0x5f: {  	_ =	shalt  }
0x60: {  	_ =	shalt  }
0x61: {  	_ =	shalt  }
0x62: {  	_ =	shalt  }
0x63: {  	_ =	shalt  }
0x64: {  	_ =	shalt  }
0x65: {  	_ =	shalt  }
0x66: {  	_ =	shalt  }
0x67: {  	_ =	shalt  }
0x68: {  	_ =	shalt  }
0x69: {  	_ =	shalt  }
0x6a: {  	_ =	shalt  }
0x6b: {  	_ =	shalt  }
0x6c: {  	_ =	shalt  }
0x6d: {  	_ =	shalt  }
0x6e: {  	_ =	shalt  }
0x6f: {  	_ =	shalt  }
0x70: {  	_ =	shalt  }
0x71: {  	_ =	shalt  }
0x72: {  	_ =	shalt  }
0x73: {  	_ =	shalt  }
0x74: {  	_ =	shalt  }
0x75: {  	_ =	shalt  }
0x76: {  	_ =	shalt  }
0x77: {  	_ =	shalt  }
0x78: {  	_ =	shalt  }
0x79: {  	_ =	shalt  }
0x7a: {  	_ =	shalt  }
0x7b: {  	_ =	shalt  }
0x7c: {  	_ =	shalt  }
0x7d: {  	_ =	shalt  }
0x7e: {  	_ =	shalt  }
0x7f: {  	_ =	shalt  }
0x80: {  	_ =	shalt  }
0x81: {  	_ =	shalt  }
0x82: {  	_ =	shalt  }
0x83: {  	_ =	shalt  }
0x84: {  	_ =	shalt  }
0x85: {  	_ =	shalt  }
0x86: {  	_ =	shalt  }
0x87: {  	_ =	shalt  }
.Lfunc_end0:
.L_simem_size_0:
called_computation_lowered:
.L_overlay_start_0:
0x88: {  	s2 =	sld [smem:$0x3FD9]  }
0x89: {  	s3 =	sld [smem:$0x3FFE];
	_ =	sdelay $0x1  }
0x8a: {  	s1 =	srdreg.scid  }
0x8b: {  	s0 =	sand.u32 $0x1, s1  }
0x8c: {  	s17 =	sshll.u32 s0, $0xA;
	s2 =	sadd.s32 s3, s2  }
0x8d: {  	s2 =	sadd.s32 s2, s17  }
0x8e: {  	[smem:$0x3FC4] =	sst s2  }
0x8f: {  	_ = 	snop  }
0x90: {  	s2 =	sld [smem:$0x3FC9]  }
0x91: {  	s18 =	sld [smem:$0x3FD0];
	(tm) =	ssettm $0x1  }
0x92: {  	s4 =	sld [smem:$0x3FFB];
	_ =	sdelay $0x3  }
0x93: {  	_ =	strace s4  }
0x94: {  	s4 =	sld [smem:$0x3FFC];
	_ =	sdelay $0x3  }
0x95: {  	_ =	strace s4  }
0x96: {  	s4 =	sld [smem:$0x3FFD];
	_ =	sdelay $0x3  }
0x97: {  	_ =	strace s4  }
0x98: {  	_ =	strace $0x8FFFFFFF  }
0x99: {  	s19 =	sld [smem:$0x3FDB];
	_ =	sdelay $0x1  }
0x9a: {  	s5 =	simm.s32 $_scs_section_size  }
0x9b: {  	s6 =	simm.s32 $_size__tile_overlayer_lowered;
	s7 =	simm.s32 $_tile_overlayer_lowered  }
0x9c: {  	s22 =	simm.s32 $0x1BFF;
	s21 =	sshll.u32 s7, $0x1;
	s4 =	sadd.s32 s5, s19  }
0x9d: {  	s8 =	simm.s32 $0x0;
	s20 =	sshll.u32 s6, $0x1;
	s6 =	sadd.s32 s21, s4  }
0x9e: {  	[timem:s8], [sflag:s22] =	dma.local [hbm:s6], s20  }
0x9f: {  	_ =	swait.ge [sflag:s22], s20  }
0xa0: {  	s5 =	ssub.s32 $0x0, s20;
	[sflag:s22] =	ssyncset.done $0x0  }
0xa1: {  	[sflag:s22] =	ssyncadd.s32 s5;
	_ =	sdelay $0x1  }
0xa2: {  	s23 =	simm.s32 $0x1B8B  }
0xa3: {  	_ =	swait.ge [sflag:s23], $0x1  }
0xa4: {  	[sflag:s23] =	ssyncset.done $0x0  }
0xa5: {  	s25 =	simm.s32 $0x1B8E;
	s24 =	sld [smem:$0x3FFE];
	[sflag:s23] =	ssyncadd.s32 $0xFFFFFFFF  }
0xa6: {  	s26 =	simm.s32 $execute0_lowered;
	[smem:$0x3FD2] =	sst s25  }
0xa7: {  	s6 =	sshll.u32 s26, $0x1;
	_ =	strace $0x80000046;
	[dreg:$0x1] =	wrdreg $0xFFFFFFFF  }
0xa8: {  	s28 =	simm.s32 $_size_execute0_lowered;
	s4 =	sadd.s32 s4, s6;
	[dreg:$0x0] =	wrdreg $0x0  }
0xa9: {  	s6 =	sshll.u32 s28, $0x1;
	[dreg:$0x2] =	wrdreg s4  }
0xaa: {  	[dreg:$0x3] =	wrdreg s6  }
0xab: {  	[dreg:$0x4] =	wrdreg $0xC0  }
0xac: {  	_ =	task [dreg:s8], $0x5FFFF  }
0xad: {  	[dreg:$0x1] =	wrdreg $0xFFFFFFFF  }
0xae: {  	[dreg:$0x0] =	wrdreg $0x60  }
0xaf: {  	[dreg:$0x2] =	wrdreg s2  }
0xb0: {  	[dreg:$0x3] =	wrdreg s24  }
0xb1: {  	[dreg:$0x4] =	wrdreg s18  }
0xb2: {  	[dreg:$0x5] =	wrdreg $0x0  }
0xb3: {  	[dreg:$0x6] =	wrdreg $0x9  }
0xb4: {  	_ =	task.clear_ibuf [dreg:s8], $0x7FFFF;
	_ =	strace $0x90000046  }
0xb5: {  	s29 =	simm.s32 $0x9;
	_ =	strace $0x80000048  }
0xb6: {  	_ =	swait.ge [sflag:s29], $0x1  }
0xb7: {  	[sflag:s29] =	ssyncadd.s32 $0xFFFFFFFF  }
0xb8: {  	_ =	strace $0x90000048  }
0xb9: {  	_ =	sfence  }
0xba: {  	s30 =	sld [smem:$0x0];
	_ =	sdelay $0x2  }
0xbb: {  	s31 =	sshll.u32 s1, $0xD;
	s1 =	sshrl.u32 s1, $0x2  }
0xbc: {  	s3 =	sand.u32 $0x4000, s31;
	s1 =	sadd.s32 s1, s30  }
0xbd: {  	s0 =	sor.u32 s3, s0;
	s1 =	sshll.u32 s1, $0x11  }
0xbe: {  	s0 =	sor.u32 s1, s0  }
0xbf: {  	s0 =	sadd.s32 $0x8F2B, s0  }
0xc0: {  	[sflag:s0] =	ssyncadd.remote.s32 $0x1  }
0xc1: {  	_ =	sfence.sel $0xFFFF  }
0xc2: {  	[dreg:$0x0] =	wrdreg $0xFFFFFFFF;
	(pc) =	sbr.abs _section_cstart, $3  }
0xc3: {  	[dreg:$0x1] =	wrdreg $0xFFFFFFFF  }
0xc4: {  	_ =	task.clear_ibuf [dreg:s8], $0x2FFFF;
	_ =	strace $0x9FFFFFFF  }
0xc5: {  	(tm) =	ssettm $0x7FFFFFFF  }
tec
execute0_lowered:
.L_overlay_start_1:
0x0: {  	(tag) =	ssettag $0x1  }
0x1: {  	s1 =	rddreg [dreg:$0x0]  }
0x2: {  	s0 =	rddreg [dreg:$0x1]  }
0x3: {  	s2 =	rddreg [dreg:$0x2]  }
0x4: {  	s3 =	rddreg [dreg:$0x3]  }
0x5: {  	s5 =	srdreg.scid;
	s8 =	stileid.u32;
	s4 =	simm.s32 $0x0  }
0x6: {  	s28 =	simm.s32 $0x1;
	s29 =	simm.s32 $0x50;
	s16 =	simm.s32 $0x3  }
0x7: {  	s14 =	simm.s32 $0x5;
	s15 =	simm.s32 $0xC;
	s18 =	simm.s32 $0x0  }
0x8: {  	s5 =	sand.u32 $0x1, s5;
	s6 =	sshll.u32 s8, $0x1;
	[smem:$0x7FF] =	sst s4  }
0x9: {  	s7 =	sadd.s32 $0xA00, s0;
	p0 =	sne.s32 s8, $0x0;
	s9 =	sor.u32 s5, s6  }
0xa: {  	_ =	strace $0x80000047;
	s10 =	ssub.s32 $0x2, s5;
	s12 =	smul.u32 $0x64000, s9  }
0xb: {  	s6 =	sadd.s32 $0x19A00, s0;
	s0 =	sadd.s32 $0x32A00, s0;
	s5 =	smul.u32 $0x6400, s9  }
0xc: {  	s11 =	sshrl.u32 s10, $0x1;
	[dreg:$0x5] =	wrdreg s0;
	s24 =	sadd.s32 s1, s12  }
0xd: {  	s19 =	ssub.s32 s10, s11;
	s31 =	sor.u32 $0x1E0, s5;
	[dreg:$0xa] =	wrdreg s24  }
0xe: {  	s20 =	sshrl.u32 s5, $0x3;
	s0 =	smax.u32 s19, $0x1;
	[dreg:$0x10] =	wrdreg s31  }
0xf: {  	s8 =	simm.s32 $0x2;
	s21 =	sadd.s32 s6, s20;
	[dreg:$0x11] =	wrdreg s0  }
0x10: {  	s12 =	simm.s32 $0x8;
	s13 =	sadd.s32 s7, s20;
	[dreg:$0x6] =	wrdreg s21  }
0x11: {  	s22 =	sor.u32 $0xA, s20;
	s0 =	sshrl.u32 @!p0 s3, $0x3;
	[dreg:$0x7] =	wrdreg s13  }
0x12: {  	s10 =	sor.u32 $0x14, s20;
	s23 =	sadd.s32 s6, s22;
	[dreg:$0x12] =	wrdreg s0  }
0x13: {  	s20 =	simm.s32 $0xB;
	s11 =	sadd.s32 s7, s22;
	[dreg:$0x8] =	wrdreg s23  }
0x14: {  	s13 =	smul.u32 $0x140, s9;
	s25 =	sadd.s32 s6, s10;
	[dreg:$0x9] =	wrdreg s11  }
0x15: {  	s10 =	sadd.s32 s7, s10;
	s9 =	sadd.s32 $0x500, s24;
	[dreg:$0xb] =	wrdreg s25  }
0x16: {  	s24 =	simm.s32 $0x4;
	s0 =	simm.s32 $0x6;
	[dreg:$0xc] =	wrdreg s10  }
0x17: {  	[dreg:$0xd] =	wrdreg s9;
	s23 =	simm.s32 $0x9;
	s26 =	sor.u32 $0x2, s13  }
0x18: {  	s9 =	simm.s32 $0xA;
	s30 =	sor.u32 $0x1, s13;
	[dreg:$0xe] =	wrdreg s26  }
0x19: {  	s11 =	simm.s32 $0x7;
	[dreg:$0xf] =	wrdreg s30;
	s26 =	simm.s32 $0x1BA48  }
.LBB2_1:
0x1a: {  	[dreg:$0x13] =	wrdreg s18  }
0x1b: {  	s17 =	rddreg [dreg:$0x5]  }
0x1c: {  	s10 =	simm.s32 @!p0 $0x1C11;
	s18 =	rddreg [dreg:$0x12]  }
0x1d: {  	[spmem:s18], [sflag:s10] =	dma.local @!p0 [hbm:s17], $0x13890  }
0x1e: {  	s10 =	simm.s32 @!p0 $0x11  }
0x1f: {  	_ =	swait.ge @!p0 [sflag:s10], $0x13890  }
0x20: {  	[sflag:s10] =	ssyncset.done @!p0 $0x0  }
0x21: {  	[sflag:s10] =	ssyncadd.s32 @!p0 $0xFFFEC770  }
0x22: {  	[bflag:$0x0] =	sbarrier.arrive $0xFFFF  }
0x23: {  	s10 =	simm.s32 $0x9C48;
	s25 =	rddreg [dreg:$0x6]  }
0x24: {  	[tilespmem:s10], [sflag:$0x1] =	stream.linear.gather [hbm4b:s25+s4], $0x50, $0x38;
	[tilespmem:$0x1E248] =	vst v63  }
0x25: {  	s17 =	simm.s32 $0x9E48;
	s30 =	rddreg [dreg:$0x7]  }
0x26: {  	[tilespmem:s17], [sflag:$0x1] =	stream.linear.gather [hbm4b:s30+s4], $0x50, $0x38;
	[tilespmem:$0x1E248] =	vst v63  }
0x27: {  	s19 =	simm.s32 $0x9CC8;
	s31 =	rddreg [dreg:$0x8]  }
0x28: {  	[tilespmem:s19], [sflag:$0x2] =	stream.linear.gather [hbm4b:s31+s4], $0x50, $0x38;
	[tilespmem:$0x1E248] =	vst v63  }
0x29: {  	s21 =	simm.s32 $0x9EC8;
	s19 =	rddreg [dreg:$0x9]  }
0x2a: {  	[tilespmem:s21], [sflag:$0x2] =	stream.linear.gather [hbm4b:s19+s4], $0x50, $0x38;
	[tilespmem:$0x1E248] =	vst v63  }
0x2b: {  	s22 =	rddreg [dreg:$0xb];
	s25 =	simm.s32 $0x9D48  }
0x2c: {  	[tilespmem:s25], [sflag:$0x3] =	stream.linear.gather [hbm4b:s22+s4], $0x50, $0x38;
	[tilespmem:$0x1E248] =	vst v63  }
0x2d: {  	s30 =	rddreg [dreg:$0xc];
	s31 =	simm.s32 $0x9F48  }
0x2e: {  	[tilespmem:s31], [sflag:$0x3] =	stream.linear.gather [hbm4b:s30+s4], $0x50, $0x38;
	[tilespmem:$0x1E248] =	vst v63  }
0x2f: {  	_ =	swait.ge [sflag:s28], $0x50  }
0x30: {  	[sflag:s28] =	ssyncset.done $0x0  }
0x31: {  	[sflag:s28] =	ssyncadd.s32 $0xFFFFFFB0  }
0x32: {  	_ =	swait.ge [sflag:s28], $0x50  }
0x33: {  	[sflag:s28] =	ssyncset.done $0x0  }
0x34: {  	[sflag:s28] =	ssyncadd.s32 $0xFFFFFFB0  }
0x35: {  	v1 =	vld [tilespmem:s10+$0x0]  }
0x36: {  	v2 =	vld [tilespmem:s17+$0x0];
	_ =	sdelay $0x3  }
0x37: {  	s10 =	simm.s32 $0x9C58;
	vm0 =	vlt.s32 v1, $0x1388  }
0x38: {  	s18 =	simm.s32 $0x9E58;
	v0 =	vld [tilespmem:s10+$0x0];
	vm1 =	veq.s32 v2, $0x0;
	v2 =	vnsel vm0, $0x1388, v1  }
0x39: {  	s19 =	simm.s32 $0x10;
	s17 =	simm.s32 $0xA048;
	v1 =	vld [tilespmem:s18+$0x0];
	v2 =	vnsel vm1, $0x1388, v2  }
.LBB2_2:
0x3a: {  	s19 =	sadd.s32 $0x10, s19  }
0x3b: {  	[tilespmem:s17+$0x0] =	vst v2;
	s17 =	sadd.s32 $0x10, s17;
	p1 =	slt.u32 s19, $0x40  }
.Ltmp0:
0x3c: {  	(pc) =	sbr.rel @p1 .LBB2_2-.Ltmp0, $4  }
0x3d: {  	_ = 	snop  }
0x3e: {  	s10 =	sadd.s32 $0x10, s10;
	vm0 =	vlt.s32 v0, $0x1388  }
0x3f: {  	s18 =	sadd.s32 $0x10, s18;
	vm1 =	veq.s32 v1, $0x0;
	v2 =	vnsel vm0, $0x1388, v0;
	v0 =	vld [tilespmem:s10+$0x0]  }
0x40: {  	v1 =	vld [tilespmem:s18+$0x0];
	v2 =	vnsel vm1, $0x1388, v2  }
0x41: {  	_ =	sdelay $0x2  }
0x42: {  	vm0 =	vlt.s32 v0, $0x1388  }
0x43: {  	vm1 =	veq.s32 v1, $0x0;
	v0 =	vnsel vm0, $0x1388, v0  }
0x44: {  	[tilespmem:s17+$0x0] =	vst v2;
	s10 =	sadd.s32 $0x10, s17;
	v0 =	vnsel vm1, $0x1388, v0  }
0x45: {  	s19 =	simm.s32 $0xA048;
	s21 =	simm.s32 $0x14248;
	[tilespmem:s10+$0x0] =	vst v0  }
0x46: {  	[tilespmem:s21], [sflag:$0x5] =	stream.indirect.gather [spmem:s3], $0x80, s19, s29, $0xb8;
	[tilespmem:$0x1E248] =	vst v63  }
0x47: {  	s25 =	simm.s32 $0xA248;
	s22 =	rddreg [dreg:$0xa]  }
0x48: {  	[tilespmem:s25], [sflag:$0x9] =	stream.linear.gather [hbm4b:s22+s4], $0x2800, $0x38;
	[tilespmem:$0x1E248] =	vst v63  }
0x49: {  	_ =	swait.ge [sflag:s8], $0x50  }
0x4a: {  	[sflag:s8] =	ssyncset.done $0x0  }
0x4b: {  	[sflag:s8] =	ssyncadd.s32 $0xFFFFFFB0  }
0x4c: {  	_ =	swait.ge [sflag:s8], $0x50  }
0x4d: {  	[sflag:s8] =	ssyncset.done $0x0  }
0x4e: {  	s30 =	simm.s32 $0x9CC8;
	[sflag:s8] =	ssyncadd.s32 $0xFFFFFFB0  }
0x4f: {  	s31 =	simm.s32 $0x9EC8;
	v1 =	vld [tilespmem:s30+$0x0]  }
0x50: {  	v2 =	vld [tilespmem:s31+$0x0];
	_ =	sdelay $0x3  }
0x51: {  	s17 =	simm.s32 $0x9CD8;
	vm14 =	vlt.s32 v1, $0x1388  }
0x52: {  	s18 =	simm.s32 $0x9ED8;
	v0 =	vld [tilespmem:s17+$0x0];
	vm15 =	veq.s32 v2, $0x0;
	v2 =	vnsel vm14, $0x1388, v1  }
0x53: {  	s10 =	simm.s32 $0xA0C8;
	s19 =	simm.s32 $0x10;
	v1 =	vld [tilespmem:s18+$0x0];
	v2 =	vnsel vm15, $0x1388, v2  }
.LBB2_4:
0x54: {  	s19 =	sadd.s32 $0x10, s19  }
0x55: {  	[tilespmem:s10+$0x0] =	vst v2;
	s10 =	sadd.s32 $0x10, s10;
	p1 =	slt.u32 s19, $0x40  }
.Ltmp1:
0x56: {  	(pc) =	sbr.rel @p1 .LBB2_4-.Ltmp1, $4  }
0x57: {  	_ = 	snop  }
0x58: {  	s17 =	sadd.s32 $0x10, s17;
	vm0 =	vlt.s32 v0, $0x1388  }
0x59: {  	s18 =	sadd.s32 $0x10, s18;
	vm1 =	veq.s32 v1, $0x0;
	v2 =	vnsel vm0, $0x1388, v0;
	v0 =	vld [tilespmem:s17+$0x0]  }
0x5a: {  	v1 =	vld [tilespmem:s18+$0x0];
	v2 =	vnsel vm1, $0x1388, v2  }
0x5b: {  	_ =	sdelay $0x2  }
0x5c: {  	vm0 =	vlt.s32 v0, $0x1388  }
0x5d: {  	vm1 =	veq.s32 v1, $0x0;
	v0 =	vnsel vm0, $0x1388, v0  }
0x5e: {  	[tilespmem:s10+$0x0] =	vst v2;
	s22 =	sadd.s32 $0x10, s10;
	v0 =	vnsel vm1, $0x1388, v0  }
0x5f: {  	s25 =	simm.s32 $0xA0C8;
	s17 =	simm.s32 $0x16A48;
	[tilespmem:s22+$0x0] =	vst v0  }
0x60: {  	[tilespmem:s17], [sflag:$0x6] =	stream.indirect.gather [spmem:s3], $0x80, s25, s29, $0xb8;
	[tilespmem:$0x1E248] =	vst v63  }
0x61: {  	s31 =	simm.s32 $0xCA48;
	s25 =	simm.s32 $0x0;
	s30 =	rddreg [dreg:$0xd]  }
0x62: {  	[tilespmem:s31], [sflag:$0xA] =	stream.linear.gather [hbm4b:s30+s25], $0x2800, $0x38;
	[tilespmem:$0x1E248] =	vst v63  }
.LBB2_6:
0x63: {  	s31 =	sshllo.u32 s25, $0x2  }
0x64: {  	s10 =	smul.u32 $0x50, s31;
	_ =	sdelay $0x1  }
0x65: {  	s10 =	sadd.s32 s5, s10  }
0x66: {  	s10 =	sshrl.u32 s10, $0x3  }
0x67: {  	s18 =	simm.s32 $0x9DC8;
	s17 =	sadd.s32 s6, s10  }
0x68: {  	[tilespmem:s18], [sflag:$0x4] =	stream.linear.gather [hbm4b:s17+s4], $0x50, $0x38;
	[tilespmem:$0x1E248] =	vst v63  }
0x69: {  	s21 =	simm.s32 $0x9FC8;
	s10 =	sadd.s32 s7, s10  }
0x6a: {  	[tilespmem:s21], [sflag:$0x4] =	stream.linear.gather [hbm4b:s10+s4], $0x50, $0x38;
	[tilespmem:$0x1E248] =	vst v63  }
0x6b: {  	_ =	swait.ge [sflag:s16], $0x50  }
0x6c: {  	[sflag:s16] =	ssyncset.done $0x0  }
0x6d: {  	[sflag:s16] =	ssyncadd.s32 $0xFFFFFFB0  }
0x6e: {  	_ =	swait.ge [sflag:s16], $0x50  }
0x6f: {  	[sflag:s16] =	ssyncset.done $0x0  }
0x70: {  	s22 =	simm.s32 $0x9D48;
	[sflag:s16] =	ssyncadd.s32 $0xFFFFFFB0  }
0x71: {  	s30 =	simm.s32 $0x9F48;
	v1 =	vld [tilespmem:s22+$0x0]  }
0x72: {  	v2 =	vld [tilespmem:s30+$0x0];
	_ =	sdelay $0x3  }
0x73: {  	s17 =	simm.s32 $0x9D58;
	vm0 =	vlt.s32 v1, $0x1388  }
0x74: {  	s19 =	simm.s32 $0x9F58;
	v0 =	vld [tilespmem:s17+$0x0];
	vm1 =	veq.s32 v2, $0x0;
	v2 =	vnsel vm0, $0x1388, v1  }
0x75: {  	s18 =	simm.s32 $0xA148;
	s10 =	sshll.u32 s25, $0x2;
	s22 =	simm.s32 $0x10;
	v1 =	vld [tilespmem:s19+$0x0];
	v2 =	vnsel vm1, $0x1388, v2  }
.LBB2_7:
0x76: {  	s22 =	sadd.s32 $0x10, s22  }
0x77: {  	[tilespmem:s18+$0x0] =	vst v2;
	s18 =	sadd.s32 $0x10, s18;
	p1 =	slt.u32 s22, $0x40  }
.Ltmp2:
0x78: {  	(pc) =	sbr.rel @p1 .LBB2_7-.Ltmp2, $4  }
0x79: {  	_ = 	snop  }
0x7a: {  	s17 =	sadd.s32 $0x10, s17;
	vm0 =	vlt.s32 v0, $0x1388  }
0x7b: {  	s19 =	sadd.s32 $0x10, s19;
	vm1 =	veq.s32 v1, $0x0;
	v2 =	vnsel vm0, $0x1388, v0;
	v0 =	vld [tilespmem:s17+$0x0]  }
0x7c: {  	v1 =	vld [tilespmem:s19+$0x0];
	v2 =	vnsel vm1, $0x1388, v2  }
0x7d: {  	_ =	sdelay $0x2  }
0x7e: {  	vm0 =	vlt.s32 v0, $0x1388  }
0x7f: {  	vm1 =	veq.s32 v1, $0x0;
	v0 =	vnsel vm0, $0x1388, v0  }
0x80: {  	[tilespmem:s18+$0x0] =	vst v2;
	s17 =	sadd.s32 $0x10, s18;
	p2 =	seq.s32 s25, $0x0;
	v0 =	vnsel vm1, $0x1388, v0  }
0x81: {  	[tilespmem:s17+$0x0] =	vst v0;
	s17 =	simm.s32 @!p2 $0xF  }
0x82: {  	_ =	swait.ge @!p2 [sflag:s17], $0x2800  }
0x83: {  	s22 =	rddreg [dreg:$0xe]  }
0x84: {  	s19 =	simm.s32 $0x19248;
	[sflag:s17] =	ssyncset.done @!p2 $0x0;
	s18 =	sadd.s32 s10, s22  }
0x85: {  	[sflag:s17] =	ssyncadd.s32 @!p2 $0xFFFFD800;
	s30 =	smul.u32 $0x500, s18;
	s18 =	simm.s32 $0xA148  }
0x86: {  	[tilespmem:s19], [sflag:$0x7] =	stream.indirect.gather [spmem:s3], $0x80, s18, s29, $0xb8;
	[tilespmem:$0x1E248] =	vst v63  }
0x87: {  	s22 =	simm.s32 $0x0;
	s19 =	simm.s32 $0xF248;
	s21 =	sadd.s32 s1, s30  }
0x88: {  	[tilespmem:s19], [sflag:$0xB] =	stream.linear.gather [hbm4b:s21+s22], $0x2800, $0x38;
	[tilespmem:$0x1E248] =	vst v63  }
0x89: {  	_ =	swait.ge [sflag:s14], $0x2800  }
0x8a: {  	[sflag:s14] =	ssyncset.done $0x0  }
0x8b: {  	[sflag:s14] =	ssyncadd.s32 $0xFFFFD800  }
0x8c: {  	_ =	swait.ge [sflag:s23], $0x2800  }
0x8d: {  	[sflag:s23] =	ssyncset.done $0x0  }
0x8e: {  	s22 =	simm.s32 $0x0;
	[sflag:s23] =	ssyncadd.s32 $0xFFFFD800  }
0x8f: {  	v0 =	vld [tilespmem:s22+$0xA438]  }
0x90: {  	v1 =	vld [tilespmem:s22+$0xA248]  }
0x91: {  	v2 =	vld [tilespmem:s22+$0xA258]  }
0x92: {  	v3 =	vld [tilespmem:s22+$0xA268]  }
0x93: {  	v4 =	vld [tilespmem:s22+$0xA278]  }
0x94: {  	v5 =	vld [tilespmem:s22+$0xA288]  }
0x95: {  	v6 =	vld [tilespmem:s22+$0xA298]  }
0x96: {  	v7 =	vld [tilespmem:s22+$0xA2B8]  }
0x97: {  	v8 =	vld [tilespmem:s22+$0xA2C8]  }
0x98: {  	v9 =	vld [tilespmem:s22+$0xA2D8]  }
0x99: {  	v10 =	vld [tilespmem:s22+$0xA2E8]  }
0x9a: {  	v11 =	vld [tilespmem:s22+$0xA2F8]  }
0x9b: {  	v12 =	vld [tilespmem:s22+$0xA308]  }
0x9c: {  	v13 =	vld [tilespmem:s22+$0xA318]  }
0x9d: {  	v14 =	vld [tilespmem:s22+$0xA328]  }
0x9e: {  	v15 =	vld [tilespmem:s22+$0xA338]  }
0x9f: {  	v16 =	vld [tilespmem:s22+$0xA348]  }
0xa0: {  	v17 =	vld [tilespmem:s22+$0xA358]  }
0xa1: {  	v18 =	vld [tilespmem:s22+$0xA368]  }
0xa2: {  	v19 =	vld [tilespmem:s22+$0xA378]  }
0xa3: {  	v20 =	vld [tilespmem:s22+$0xA388]  }
0xa4: {  	v21 =	vld [tilespmem:s22+$0xA398]  }
0xa5: {  	v22 =	vld [tilespmem:s22+$0xA3A8]  }
0xa6: {  	v23 =	vld [tilespmem:s22+$0xA3B8]  }
0xa7: {  	v24 =	vld [tilespmem:s22+$0xA3C8]  }
0xa8: {  	v25 =	vld [tilespmem:s22+$0xA3D8]  }
0xa9: {  	v26 =	vld [tilespmem:s22+$0xA3E8]  }
0xaa: {  	v27 =	vld [tilespmem:s22+$0xA3F8]  }
0xab: {  	v28 =	vld [tilespmem:s22+$0xA408]  }
0xac: {  	v29 =	vld [tilespmem:s22+$0xA418];
	v0 =	vmul.f32 $1.131370830e+01, v0  }
0xad: {  	v30 =	vld [tilespmem:s22+$0xA428]  }
0xae: {  	v1 =	vmul.f32 $1.131370830e+01, v1;
	[tilespmem:s22+$0x14438] =	vst.add.f32.msk $0xffff, v0  }
0xaf: {  	v2 =	vmul.f32 $1.131370830e+01, v2;
	v0 =	vld [tilespmem:s22+$0xA2A8]  }
0xb0: {  	v3 =	vmul.f32 $1.131370830e+01, v3;
	[tilespmem:s22+$0x14248] =	vst.add.f32.msk $0xffff, v1  }
0xb1: {  	v1 =	vmul.f32 $1.131370830e+01, v4;
	[tilespmem:s22+$0x14258] =	vst.add.f32.msk $0xffff, v2  }
0xb2: {  	v2 =	vmul.f32 $1.131370830e+01, v5;
	[tilespmem:s22+$0x14268] =	vst.add.f32.msk $0xffff, v3  }
0xb3: {  	v3 =	vmul.f32 $1.131370830e+01, v6;
	[tilespmem:s22+$0x14278] =	vst.add.f32.msk $0xffff, v1  }
0xb4: {  	[tilespmem:s22+$0x14288] =	vst.add.f32.msk $0xffff, v2;
	v1 =	vmul.f32 $1.131370830e+01, v7  }
0xb5: {  	[tilespmem:s22+$0x14298] =	vst.add.f32.msk $0xffff, v3;
	v2 =	vmul.f32 $1.131370830e+01, v8  }
0xb6: {  	[tilespmem:s22+$0x142B8] =	vst.add.f32.msk $0xffff, v1;
	v1 =	vmul.f32 $1.131370830e+01, v10  }
0xb7: {  	[tilespmem:s22+$0x142C8] =	vst.add.f32.msk $0xffff, v2;
	v2 =	vmul.f32 $1.131370830e+01, v11  }
0xb8: {  	v0 =	vmul.f32 $1.131370830e+01, v0;
	[tilespmem:s22+$0x142E8] =	vst.add.f32.msk $0xffff, v1  }
0xb9: {  	v1 =	vmul.f32 $1.131370830e+01, v13;
	[tilespmem:s22+$0x142F8] =	vst.add.f32.msk $0xffff, v2  }
0xba: {  	v2 =	vmul.f32 $1.131370830e+01, v14;
	[tilespmem:s22+$0x142A8] =	vst.add.f32.msk $0xffff, v0  }
0xbb: {  	v0 =	vmul.f32 $1.131370830e+01, v9;
	[tilespmem:s22+$0x14318] =	vst.add.f32.msk $0xffff, v1  }
0xbc: {  	v1 =	vmul.f32 $1.131370830e+01, v16;
	[tilespmem:s22+$0x14328] =	vst.add.f32.msk $0xffff, v2  }
0xbd: {  	v2 =	vmul.f32 $1.131370830e+01, v17;
	[tilespmem:s22+$0x142D8] =	vst.add.f32.msk $0xffff, v0  }
0xbe: {  	v0 =	vmul.f32 $1.131370830e+01, v12;
	[tilespmem:s22+$0x14348] =	vst.add.f32.msk $0xffff, v1  }
0xbf: {  	v1 =	vmul.f32 $1.131370830e+01, v19;
	[tilespmem:s22+$0x14358] =	vst.add.f32.msk $0xffff, v2  }
0xc0: {  	v2 =	vmul.f32 $1.131370830e+01, v20;
	[tilespmem:s22+$0x14308] =	vst.add.f32.msk $0xffff, v0  }
0xc1: {  	v0 =	vmul.f32 $1.131370830e+01, v15;
	[tilespmem:s22+$0x14378] =	vst.add.f32.msk $0xffff, v1  }
0xc2: {  	v1 =	vmul.f32 $1.131370830e+01, v22;
	[tilespmem:s22+$0x14388] =	vst.add.f32.msk $0xffff, v2  }
0xc3: {  	v2 =	vmul.f32 $1.131370830e+01, v23;
	[tilespmem:s22+$0x14338] =	vst.add.f32.msk $0xffff, v0  }
0xc4: {  	v0 =	vmul.f32 $1.131370830e+01, v18;
	[tilespmem:s22+$0x143A8] =	vst.add.f32.msk $0xffff, v1  }
0xc5: {  	v1 =	vmul.f32 $1.131370830e+01, v25;
	[tilespmem:s22+$0x143B8] =	vst.add.f32.msk $0xffff, v2  }
0xc6: {  	[tilespmem:s22+$0x14368] =	vst.add.f32.msk $0xffff, v0;
	v0 =	vmul.f32 $1.131370830e+01, v21  }
0xc7: {  	v2 =	vmul.f32 $1.131370830e+01, v26;
	[tilespmem:s22+$0x143D8] =	vst.add.f32.msk $0xffff, v1  }
0xc8: {  	[tilespmem:s22+$0x14398] =	vst.add.f32.msk $0xffff, v0;
	v0 =	vmul.f32 $1.131370830e+01, v24  }
0xc9: {  	v1 =	vmul.f32 $1.131370830e+01, v28;
	[tilespmem:s22+$0x143E8] =	vst.add.f32.msk $0xffff, v2  }
0xca: {  	[tilespmem:s22+$0x143C8] =	vst.add.f32.msk $0xffff, v0;
	v0 =	vmul.f32 $1.131370830e+01, v27  }
0xcb: {  	v2 =	vmul.f32 $1.131370830e+01, v29;
	[tilespmem:s22+$0x14408] =	vst.add.f32.msk $0xffff, v1  }
0xcc: {  	[tilespmem:s22+$0x143F8] =	vst.add.f32.msk $0xffff, v0;
	v0 =	vmul.f32 $1.131370830e+01, v30  }
0xcd: {  	s17 =	simm.s32 $0x0;
	s18 =	simm.s32 $0x800;
	[tilespmem:s22+$0x14418] =	vst.add.f32.msk $0xffff, v2  }
.LBB2_9:
0xce: {  	s17 =	sadd.s32 $0x4, s17;
	[tilespmem:s22+$0x14428] =	vst.add.f32.msk $0xffff, v0;
	s22 =	sshra.s32 s18, $0x2  }
0xcf: {  	v0 =	vld [tilespmem:s22+$0xA438];
	p1 =	slt.u32 s17, $0x4C  }
0xd0: {  	v1 =	vld [tilespmem:s22+$0xA248]  }
0xd1: {  	v2 =	vld [tilespmem:s22+$0xA258]  }
0xd2: {  	v3 =	vld [tilespmem:s22+$0xA268]  }
0xd3: {  	v4 =	vld [tilespmem:s22+$0xA278]  }
0xd4: {  	v5 =	vld [tilespmem:s22+$0xA288];
	v0 =	vmul.f32 $1.131370830e+01, v0  }
0xd5: {  	v1 =	vmul.f32 $1.131370830e+01, v1;
	v6 =	vld [tilespmem:s22+$0xA298]  }
0xd6: {  	v2 =	vmul.f32 $1.131370830e+01, v2;
	[tilespmem:s22+$0x14438] =	vst.add.f32.msk $0xffff, v0  }
0xd7: {  	v0 =	vmul.f32 $1.131370830e+01, v3;
	v3 =	vld [tilespmem:s22+$0xA2A8]  }
0xd8: {  	v4 =	vmul.f32 $1.131370830e+01, v4;
	v7 =	vld [tilespmem:s22+$0xA2B8]  }
0xd9: {  	v5 =	vmul.f32 $1.131370830e+01, v5;
	v8 =	vld [tilespmem:s22+$0xA2C8]  }
0xda: {  	v6 =	vmul.f32 $1.131370830e+01, v6;
	v9 =	vld [tilespmem:s22+$0xA2D8]  }
0xdb: {  	v10 =	vld [tilespmem:s22+$0xA2E8]  }
0xdc: {  	v3 =	vmul.f32 $1.131370830e+01, v3;
	v11 =	vld [tilespmem:s22+$0xA2F8]  }
0xdd: {  	v7 =	vmul.f32 $1.131370830e+01, v7;
	v12 =	vld [tilespmem:s22+$0xA308]  }
0xde: {  	v8 =	vmul.f32 $1.131370830e+01, v8;
	v13 =	vld [tilespmem:s22+$0xA318]  }
0xdf: {  	v9 =	vmul.f32 $1.131370830e+01, v9;
	v14 =	vld [tilespmem:s22+$0xA328]  }
0xe0: {  	v10 =	vmul.f32 $1.131370830e+01, v10;
	v15 =	vld [tilespmem:s22+$0xA338]  }
0xe1: {  	v11 =	vmul.f32 $1.131370830e+01, v11;
	v16 =	vld [tilespmem:s22+$0xA348]  }
0xe2: {  	v12 =	vmul.f32 $1.131370830e+01, v12;
	v17 =	vld [tilespmem:s22+$0xA358]  }
0xe3: {  	v13 =	vmul.f32 $1.131370830e+01, v13;
	v18 =	vld [tilespmem:s22+$0xA368]  }
0xe4: {  	v14 =	vmul.f32 $1.131370830e+01, v14;
	v19 =	vld [tilespmem:s22+$0xA378]  }
0xe5: {  	v15 =	vmul.f32 $1.131370830e+01, v15;
	v20 =	vld [tilespmem:s22+$0xA388]  }
0xe6: {  	v16 =	vmul.f32 $1.131370830e+01, v16;
	v21 =	vld [tilespmem:s22+$0xA398]  }
0xe7: {  	v17 =	vmul.f32 $1.131370830e+01, v17;
	v22 =	vld [tilespmem:s22+$0xA3A8]  }
0xe8: {  	v18 =	vmul.f32 $1.131370830e+01, v18;
	v23 =	vld [tilespmem:s22+$0xA3B8]  }
0xe9: {  	v19 =	vmul.f32 $1.131370830e+01, v19;
	v24 =	vld [tilespmem:s22+$0xA3C8]  }
0xea: {  	v20 =	vmul.f32 $1.131370830e+01, v20;
	v25 =	vld [tilespmem:s22+$0xA3D8]  }
0xeb: {  	v21 =	vmul.f32 $1.131370830e+01, v21;
	v26 =	vld [tilespmem:s22+$0xA3E8]  }
0xec: {  	v22 =	vmul.f32 $1.131370830e+01, v22;
	v27 =	vld [tilespmem:s22+$0xA3F8]  }
0xed: {  	v23 =	vmul.f32 $1.131370830e+01, v23;
	v28 =	vld [tilespmem:s22+$0xA408]  }
0xee: {  	v24 =	vmul.f32 $1.131370830e+01, v24;
	v29 =	vld [tilespmem:s22+$0xA418]  }
0xef: {  	v25 =	vmul.f32 $1.131370830e+01, v25;
	v30 =	vld [tilespmem:s22+$0xA428]  }
0xf0: {  	[tilespmem:s22+$0x14248] =	vst.add.f32.msk $0xffff, v1;
	v1 =	vmul.f32 $1.131370830e+01, v26  }
0xf1: {  	[tilespmem:s22+$0x14258] =	vst.add.f32.msk $0xffff, v2;
	v2 =	vmul.f32 $1.131370830e+01, v27  }
0xf2: {  	[tilespmem:s22+$0x14268] =	vst.add.f32.msk $0xffff, v0;
	v26 =	vmul.f32 $1.131370830e+01, v28  }
0xf3: {  	[tilespmem:s22+$0x14278] =	vst.add.f32.msk $0xffff, v4;
	v4 =	vmul.f32 $1.131370830e+01, v29  }
0xf4: {  	[tilespmem:s22+$0x14288] =	vst.add.f32.msk $0xffff, v5;
	v0 =	vmul.f32 $1.131370830e+01, v30  }
0xf5: {  	[tilespmem:s22+$0x14298] =	vst.add.f32.msk $0xffff, v6  }
0xf6: {  	[tilespmem:s22+$0x142A8] =	vst.add.f32.msk $0xffff, v3  }
0xf7: {  	[tilespmem:s22+$0x142B8] =	vst.add.f32.msk $0xffff, v7  }
0xf8: {  	[tilespmem:s22+$0x142C8] =	vst.add.f32.msk $0xffff, v8  }
0xf9: {  	[tilespmem:s22+$0x142D8] =	vst.add.f32.msk $0xffff, v9  }
0xfa: {  	[tilespmem:s22+$0x142E8] =	vst.add.f32.msk $0xffff, v10  }
0xfb: {  	[tilespmem:s22+$0x142F8] =	vst.add.f32.msk $0xffff, v11  }
0xfc: {  	[tilespmem:s22+$0x14308] =	vst.add.f32.msk $0xffff, v12  }
0xfd: {  	[tilespmem:s22+$0x14318] =	vst.add.f32.msk $0xffff, v13  }
0xfe: {  	[tilespmem:s22+$0x14328] =	vst.add.f32.msk $0xffff, v14  }
0xff: {  	[tilespmem:s22+$0x14338] =	vst.add.f32.msk $0xffff, v15  }
0x100: {  	[tilespmem:s22+$0x14348] =	vst.add.f32.msk $0xffff, v16  }
0x101: {  	[tilespmem:s22+$0x14358] =	vst.add.f32.msk $0xffff, v17  }
0x102: {  	[tilespmem:s22+$0x14368] =	vst.add.f32.msk $0xffff, v18  }
0x103: {  	[tilespmem:s22+$0x14378] =	vst.add.f32.msk $0xffff, v19  }
0x104: {  	[tilespmem:s22+$0x14388] =	vst.add.f32.msk $0xffff, v20  }
0x105: {  	[tilespmem:s22+$0x14398] =	vst.add.f32.msk $0xffff, v21  }
0x106: {  	[tilespmem:s22+$0x143A8] =	vst.add.f32.msk $0xffff, v22  }
0x107: {  	[tilespmem:s22+$0x143B8] =	vst.add.f32.msk $0xffff, v23  }
0x108: {  	[tilespmem:s22+$0x143C8] =	vst.add.f32.msk $0xffff, v24  }
.Ltmp3:
0x109: {  	[tilespmem:s22+$0x143D8] =	vst.add.f32.msk $0xffff, v25;
	(pc) =	sbr.rel @p1 .LBB2_9-.Ltmp3, $4  }
0x10a: {  	[tilespmem:s22+$0x143E8] =	vst.add.f32.msk $0xffff, v1  }
0x10b: {  	[tilespmem:s22+$0x143F8] =	vst.add.f32.msk $0xffff, v2  }
0x10c: {  	[tilespmem:s22+$0x14408] =	vst.add.f32.msk $0xffff, v26  }
0x10d: {  	s18 =	sadd.s32 $0x800, s18;
	[tilespmem:s22+$0x14418] =	vst.add.f32.msk $0xffff, v4  }
0x10e: {  	s17 =	sadd.s32 s13, s10  }
0x10f: {  	s18 =	smul.u32 $0x500, s17  }
0x110: {  	p1 =	seq.s32 s25, $0x4F;
	s17 =	sadd.s32 $0x4, s10  }
0x111: {  	[tilespmem:s22+$0x14428] =	vst.add.f32.msk $0xffff, v0;
	s21 =	simm.s32 $0x14248;
	s19 =	smul.u32 @!p1 $0x50, s17;
	s18 =	sadd.s32 s2, s18  }
0x112: {  	[hbm4b:s18+s4] =	stream.linear.scatter [tilespmem:s21], [sflag:$0xD], $0x2800, $0x38;
	[tilespmem:$0x1E248] =	vst v63  }
0x113: {  	s18 =	sadd.s32 @!p1 s5, s19  }
0x114: {  	s18 =	sshrl.u32 @!p1 s18, $0x3  }
0x115: {  	s22 =	simm.s32 @!p1 $0x9C48;
	s21 =	simm.s32 @!p1 $0x0;
	s19 =	sadd.s32 @!p1 s6, s18  }
0x116: {  	[tilespmem:s22], [sflag:$0x1] =	stream.linear.gather @!p1 [hbm4b:s19+s21], $0x50, $0x38;
	[tilespmem:$0x1E248] =	vst v63  }
0x117: {  	s18 =	sadd.s32 @!p1 s7, s18;
	s19 =	simm.s32 @!p1 $0x9E48  }
0x118: {  	[tilespmem:s19], [sflag:$0x1] =	stream.linear.gather @!p1 [hbm4b:s18+s21], $0x50, $0x38;
	[tilespmem:$0x1E248] =	vst v63  }
0x119: {  	_ =	swait.ge [sflag:s24], $0x50  }
0x11a: {  	[sflag:s24] =	ssyncset.done $0x0  }
0x11b: {  	[sflag:s24] =	ssyncadd.s32 $0xFFFFFFB0  }
0x11c: {  	_ =	swait.ge [sflag:s24], $0x50  }
0x11d: {  	[sflag:s24] =	ssyncset.done $0x0  }
0x11e: {  	s21 =	simm.s32 $0x9DC8;
	[sflag:s24] =	ssyncadd.s32 $0xFFFFFFB0  }
0x11f: {  	s22 =	simm.s32 $0x9FC8;
	v1 =	vld [tilespmem:s21+$0x0]  }
0x120: {  	v2 =	vld [tilespmem:s22+$0x0];
	_ =	sdelay $0x3  }
0x121: {  	s19 =	simm.s32 $0x9DD8;
	vm0 =	vlt.s32 v1, $0x1388  }
0x122: {  	v0 =	vld [tilespmem:s19+$0x0];
	s22 =	simm.s32 $0x9FD8;
	vm1 =	veq.s32 v2, $0x0;
	v2 =	vnsel vm0, $0x1388, v1  }
0x123: {  	s18 =	simm.s32 $0xA1C8;
	s21 =	simm.s32 $0x10;
	v1 =	vld [tilespmem:s22+$0x0];
	v2 =	vnsel vm1, $0x1388, v2  }
.LBB2_11:
0x124: {  	s21 =	sadd.s32 $0x10, s21  }
0x125: {  	[tilespmem:s18+$0x0] =	vst v2;
	s18 =	sadd.s32 $0x10, s18;
	p3 =	slt.u32 s21, $0x40  }
.Ltmp4:
0x126: {  	(pc) =	sbr.rel @p3 .LBB2_11-.Ltmp4, $4  }
0x127: {  	_ = 	snop  }
0x128: {  	s19 =	sadd.s32 $0x10, s19;
	vm0 =	vlt.s32 v0, $0x1388  }
0x129: {  	s22 =	sadd.s32 $0x10, s22;
	vm1 =	veq.s32 v1, $0x0;
	v2 =	vnsel vm0, $0x1388, v0;
	v0 =	vld [tilespmem:s19+$0x0]  }
0x12a: {  	v1 =	vld [tilespmem:s22+$0x0];
	v2 =	vnsel vm1, $0x1388, v2  }
0x12b: {  	_ =	sdelay $0x2  }
0x12c: {  	vm0 =	vlt.s32 v0, $0x1388  }
0x12d: {  	vm1 =	veq.s32 v1, $0x0;
	v0 =	vnsel vm0, $0x1388, v0  }
0x12e: {  	[tilespmem:s18+$0x0] =	vst v2;
	s21 =	sadd.s32 $0x10, s18;
	v0 =	vnsel vm1, $0x1388, v0  }
0x12f: {  	s18 =	simm.s32 @!p2 $0x10;
	[tilespmem:s21+$0x0] =	vst v0  }
0x130: {  	_ =	swait.ge @!p2 [sflag:s18], $0x2800  }
0x131: {  	s19 =	sadd.s32 s13, s31;
	[sflag:s18] =	ssyncset.done @!p2 $0x0  }
0x132: {  	s22 =	simm.s32 $0xA1C8;
	s31 =	smul.u32 $0x500, s19;
	[sflag:s18] =	ssyncadd.s32 @!p2 $0xFFFFD800  }
0x133: {  	[tilespmem:s26], [sflag:$0x8] =	stream.indirect.gather [spmem:s3], $0x80, s22, s29, $0xb8;
	[tilespmem:$0x1E248] =	vst v63  }
0x134: {  	s19 =	sadd.s32 s1, s31;
	s21 =	simm.s32 $0x11A48;
	s22 =	simm.s32 $0x0  }
0x135: {  	[tilespmem:s21], [sflag:$0xC] =	stream.linear.gather [hbm4b:s19+s22], $0x2800, $0x38;
	[tilespmem:$0x1E248] =	vst v63  }
0x136: {  	_ =	swait.ge [sflag:s0], $0x2800  }
0x137: {  	[sflag:s0] =	ssyncset.done $0x0  }
0x138: {  	[sflag:s0] =	ssyncadd.s32 $0xFFFFD800  }
0x139: {  	_ =	swait.ge [sflag:s9], $0x2800  }
0x13a: {  	[sflag:s9] =	ssyncset.done $0x0  }
0x13b: {  	s22 =	simm.s32 $0x0;
	[sflag:s9] =	ssyncadd.s32 $0xFFFFD800  }
0x13c: {  	v0 =	vld [tilespmem:s22+$0xCC38]  }
0x13d: {  	v1 =	vld [tilespmem:s22+$0xCA48]  }
0x13e: {  	v2 =	vld [tilespmem:s22+$0xCA58]  }
0x13f: {  	v3 =	vld [tilespmem:s22+$0xCA68]  }
0x140: {  	v4 =	vld [tilespmem:s22+$0xCA78]  }
0x141: {  	v5 =	vld [tilespmem:s22+$0xCA88]  }
0x142: {  	v6 =	vld [tilespmem:s22+$0xCA98]  }
0x143: {  	v7 =	vld [tilespmem:s22+$0xCAB8]  }
0x144: {  	v8 =	vld [tilespmem:s22+$0xCAC8]  }
0x145: {  	v9 =	vld [tilespmem:s22+$0xCAD8]  }
0x146: {  	v10 =	vld [tilespmem:s22+$0xCAE8]  }
0x147: {  	v11 =	vld [tilespmem:s22+$0xCAF8]  }
0x148: {  	v12 =	vld [tilespmem:s22+$0xCB08]  }
0x149: {  	v13 =	vld [tilespmem:s22+$0xCB18]  }
0x14a: {  	v14 =	vld [tilespmem:s22+$0xCB28]  }
0x14b: {  	v15 =	vld [tilespmem:s22+$0xCB38]  }
0x14c: {  	v16 =	vld [tilespmem:s22+$0xCB48]  }
0x14d: {  	v17 =	vld [tilespmem:s22+$0xCB58]  }
0x14e: {  	v18 =	vld [tilespmem:s22+$0xCB68]  }
0x14f: {  	v19 =	vld [tilespmem:s22+$0xCB78]  }
0x150: {  	v20 =	vld [tilespmem:s22+$0xCB88]  }
0x151: {  	v21 =	vld [tilespmem:s22+$0xCB98]  }
0x152: {  	v22 =	vld [tilespmem:s22+$0xCBA8]  }
0x153: {  	v23 =	vld [tilespmem:s22+$0xCBB8]  }
0x154: {  	v24 =	vld [tilespmem:s22+$0xCBC8]  }
0x155: {  	v25 =	vld [tilespmem:s22+$0xCBD8]  }
0x156: {  	v26 =	vld [tilespmem:s22+$0xCBE8]  }
0x157: {  	v27 =	vld [tilespmem:s22+$0xCBF8]  }
0x158: {  	v28 =	vld [tilespmem:s22+$0xCC08]  }
0x159: {  	v29 =	vld [tilespmem:s22+$0xCC18];
	v0 =	vmul.f32 $1.131370830e+01, v0  }
0x15a: {  	v30 =	vld [tilespmem:s22+$0xCC28]  }
0x15b: {  	v1 =	vmul.f32 $1.131370830e+01, v1;
	[tilespmem:s22+$0x16C38] =	vst.add.f32.msk $0xffff, v0  }
0x15c: {  	v2 =	vmul.f32 $1.131370830e+01, v2;
	v0 =	vld [tilespmem:s22+$0xCAA8]  }
0x15d: {  	v3 =	vmul.f32 $1.131370830e+01, v3;
	[tilespmem:s22+$0x16A48] =	vst.add.f32.msk $0xffff, v1  }
0x15e: {  	v1 =	vmul.f32 $1.131370830e+01, v4;
	[tilespmem:s22+$0x16A58] =	vst.add.f32.msk $0xffff, v2  }
0x15f: {  	v2 =	vmul.f32 $1.131370830e+01, v5;
	[tilespmem:s22+$0x16A68] =	vst.add.f32.msk $0xffff, v3  }
0x160: {  	v3 =	vmul.f32 $1.131370830e+01, v6;
	[tilespmem:s22+$0x16A78] =	vst.add.f32.msk $0xffff, v1  }
0x161: {  	[tilespmem:s22+$0x16A88] =	vst.add.f32.msk $0xffff, v2;
	v1 =	vmul.f32 $1.131370830e+01, v7  }
0x162: {  	[tilespmem:s22+$0x16A98] =	vst.add.f32.msk $0xffff, v3;
	v2 =	vmul.f32 $1.131370830e+01, v8  }
0x163: {  	[tilespmem:s22+$0x16AB8] =	vst.add.f32.msk $0xffff, v1;
	v1 =	vmul.f32 $1.131370830e+01, v10  }
0x164: {  	[tilespmem:s22+$0x16AC8] =	vst.add.f32.msk $0xffff, v2;
	v2 =	vmul.f32 $1.131370830e+01, v11  }
0x165: {  	v0 =	vmul.f32 $1.131370830e+01, v0;
	[tilespmem:s22+$0x16AE8] =	vst.add.f32.msk $0xffff, v1  }
0x166: {  	v1 =	vmul.f32 $1.131370830e+01, v13;
	[tilespmem:s22+$0x16AF8] =	vst.add.f32.msk $0xffff, v2  }
0x167: {  	v2 =	vmul.f32 $1.131370830e+01, v14;
	[tilespmem:s22+$0x16AA8] =	vst.add.f32.msk $0xffff, v0  }
0x168: {  	v0 =	vmul.f32 $1.131370830e+01, v9;
	[tilespmem:s22+$0x16B18] =	vst.add.f32.msk $0xffff, v1  }
0x169: {  	v1 =	vmul.f32 $1.131370830e+01, v16;
	[tilespmem:s22+$0x16B28] =	vst.add.f32.msk $0xffff, v2  }
0x16a: {  	v2 =	vmul.f32 $1.131370830e+01, v17;
	[tilespmem:s22+$0x16AD8] =	vst.add.f32.msk $0xffff, v0  }
0x16b: {  	v0 =	vmul.f32 $1.131370830e+01, v12;
	[tilespmem:s22+$0x16B48] =	vst.add.f32.msk $0xffff, v1  }
0x16c: {  	v1 =	vmul.f32 $1.131370830e+01, v19;
	[tilespmem:s22+$0x16B58] =	vst.add.f32.msk $0xffff, v2  }
0x16d: {  	v2 =	vmul.f32 $1.131370830e+01, v20;
	[tilespmem:s22+$0x16B08] =	vst.add.f32.msk $0xffff, v0  }
0x16e: {  	v0 =	vmul.f32 $1.131370830e+01, v15;
	[tilespmem:s22+$0x16B78] =	vst.add.f32.msk $0xffff, v1  }
0x16f: {  	v1 =	vmul.f32 $1.131370830e+01, v22;
	[tilespmem:s22+$0x16B88] =	vst.add.f32.msk $0xffff, v2  }
0x170: {  	v2 =	vmul.f32 $1.131370830e+01, v23;
	[tilespmem:s22+$0x16B38] =	vst.add.f32.msk $0xffff, v0  }
0x171: {  	v0 =	vmul.f32 $1.131370830e+01, v18;
	[tilespmem:s22+$0x16BA8] =	vst.add.f32.msk $0xffff, v1  }
0x172: {  	v1 =	vmul.f32 $1.131370830e+01, v25;
	[tilespmem:s22+$0x16BB8] =	vst.add.f32.msk $0xffff, v2  }
0x173: {  	[tilespmem:s22+$0x16B68] =	vst.add.f32.msk $0xffff, v0;
	v0 =	vmul.f32 $1.131370830e+01, v21  }
0x174: {  	v2 =	vmul.f32 $1.131370830e+01, v26;
	[tilespmem:s22+$0x16BD8] =	vst.add.f32.msk $0xffff, v1  }
0x175: {  	[tilespmem:s22+$0x16B98] =	vst.add.f32.msk $0xffff, v0;
	v0 =	vmul.f32 $1.131370830e+01, v24  }
0x176: {  	v1 =	vmul.f32 $1.131370830e+01, v28;
	[tilespmem:s22+$0x16BE8] =	vst.add.f32.msk $0xffff, v2  }
0x177: {  	[tilespmem:s22+$0x16BC8] =	vst.add.f32.msk $0xffff, v0;
	v0 =	vmul.f32 $1.131370830e+01, v27  }
0x178: {  	v2 =	vmul.f32 $1.131370830e+01, v29;
	[tilespmem:s22+$0x16C08] =	vst.add.f32.msk $0xffff, v1  }
0x179: {  	[tilespmem:s22+$0x16BF8] =	vst.add.f32.msk $0xffff, v0;
	v0 =	vmul.f32 $1.131370830e+01, v30  }
0x17a: {  	s18 =	simm.s32 $0x0;
	s19 =	simm.s32 $0x800;
	[tilespmem:s22+$0x16C18] =	vst.add.f32.msk $0xffff, v2  }
.LBB2_13:
0x17b: {  	s18 =	sadd.s32 $0x4, s18;
	[tilespmem:s22+$0x16C28] =	vst.add.f32.msk $0xffff, v0;
	s22 =	sshra.s32 s19, $0x2  }
0x17c: {  	v0 =	vld [tilespmem:s22+$0xCC38];
	p2 =	slt.u32 s18, $0x4C  }
0x17d: {  	v1 =	vld [tilespmem:s22+$0xCA48]  }
0x17e: {  	v2 =	vld [tilespmem:s22+$0xCA58]  }
0x17f: {  	v3 =	vld [tilespmem:s22+$0xCA68]  }
0x180: {  	v4 =	vld [tilespmem:s22+$0xCA78]  }
0x181: {  	v5 =	vld [tilespmem:s22+$0xCA88];
	v0 =	vmul.f32 $1.131370830e+01, v0  }
0x182: {  	v1 =	vmul.f32 $1.131370830e+01, v1;
	v6 =	vld [tilespmem:s22+$0xCA98]  }
0x183: {  	v2 =	vmul.f32 $1.131370830e+01, v2;
	[tilespmem:s22+$0x16C38] =	vst.add.f32.msk $0xffff, v0  }
0x184: {  	v0 =	vmul.f32 $1.131370830e+01, v3;
	v3 =	vld [tilespmem:s22+$0xCAA8]  }
0x185: {  	v4 =	vmul.f32 $1.131370830e+01, v4;
	v7 =	vld [tilespmem:s22+$0xCAB8]  }
0x186: {  	v5 =	vmul.f32 $1.131370830e+01, v5;
	v8 =	vld [tilespmem:s22+$0xCAC8]  }
0x187: {  	v6 =	vmul.f32 $1.131370830e+01, v6;
	v9 =	vld [tilespmem:s22+$0xCAD8]  }
0x188: {  	v10 =	vld [tilespmem:s22+$0xCAE8]  }
0x189: {  	v3 =	vmul.f32 $1.131370830e+01, v3;
	v11 =	vld [tilespmem:s22+$0xCAF8]  }
0x18a: {  	v7 =	vmul.f32 $1.131370830e+01, v7;
	v12 =	vld [tilespmem:s22+$0xCB08]  }
0x18b: {  	v8 =	vmul.f32 $1.131370830e+01, v8;
	v13 =	vld [tilespmem:s22+$0xCB18]  }
0x18c: {  	v9 =	vmul.f32 $1.131370830e+01, v9;
	v14 =	vld [tilespmem:s22+$0xCB28]  }
0x18d: {  	v10 =	vmul.f32 $1.131370830e+01, v10;
	v15 =	vld [tilespmem:s22+$0xCB38]  }
0x18e: {  	v11 =	vmul.f32 $1.131370830e+01, v11;
	v16 =	vld [tilespmem:s22+$0xCB48]  }
0x18f: {  	v12 =	vmul.f32 $1.131370830e+01, v12;
	v17 =	vld [tilespmem:s22+$0xCB58]  }
0x190: {  	v13 =	vmul.f32 $1.131370830e+01, v13;
	v18 =	vld [tilespmem:s22+$0xCB68]  }
0x191: {  	v14 =	vmul.f32 $1.131370830e+01, v14;
	v19 =	vld [tilespmem:s22+$0xCB78]  }
0x192: {  	v15 =	vmul.f32 $1.131370830e+01, v15;
	v20 =	vld [tilespmem:s22+$0xCB88]  }
0x193: {  	v16 =	vmul.f32 $1.131370830e+01, v16;
	v21 =	vld [tilespmem:s22+$0xCB98]  }
0x194: {  	v17 =	vmul.f32 $1.131370830e+01, v17;
	v22 =	vld [tilespmem:s22+$0xCBA8]  }
0x195: {  	v18 =	vmul.f32 $1.131370830e+01, v18;
	v23 =	vld [tilespmem:s22+$0xCBB8]  }
0x196: {  	v19 =	vmul.f32 $1.131370830e+01, v19;
	v24 =	vld [tilespmem:s22+$0xCBC8]  }
0x197: {  	v20 =	vmul.f32 $1.131370830e+01, v20;
	v25 =	vld [tilespmem:s22+$0xCBD8]  }
0x198: {  	v21 =	vmul.f32 $1.131370830e+01, v21;
	v26 =	vld [tilespmem:s22+$0xCBE8]  }
0x199: {  	v22 =	vmul.f32 $1.131370830e+01, v22;
	v27 =	vld [tilespmem:s22+$0xCBF8]  }
0x19a: {  	v23 =	vmul.f32 $1.131370830e+01, v23;
	v28 =	vld [tilespmem:s22+$0xCC08]  }
0x19b: {  	v24 =	vmul.f32 $1.131370830e+01, v24;
	v29 =	vld [tilespmem:s22+$0xCC18]  }
0x19c: {  	v25 =	vmul.f32 $1.131370830e+01, v25;
	v30 =	vld [tilespmem:s22+$0xCC28]  }
0x19d: {  	[tilespmem:s22+$0x16A48] =	vst.add.f32.msk $0xffff, v1;
	v1 =	vmul.f32 $1.131370830e+01, v26  }
0x19e: {  	[tilespmem:s22+$0x16A58] =	vst.add.f32.msk $0xffff, v2;
	v2 =	vmul.f32 $1.131370830e+01, v27  }
0x19f: {  	[tilespmem:s22+$0x16A68] =	vst.add.f32.msk $0xffff, v0;
	v26 =	vmul.f32 $1.131370830e+01, v28  }
0x1a0: {  	[tilespmem:s22+$0x16A78] =	vst.add.f32.msk $0xffff, v4;
	v4 =	vmul.f32 $1.131370830e+01, v29  }
0x1a1: {  	[tilespmem:s22+$0x16A88] =	vst.add.f32.msk $0xffff, v5;
	v0 =	vmul.f32 $1.131370830e+01, v30  }
0x1a2: {  	[tilespmem:s22+$0x16A98] =	vst.add.f32.msk $0xffff, v6  }
0x1a3: {  	[tilespmem:s22+$0x16AA8] =	vst.add.f32.msk $0xffff, v3  }
0x1a4: {  	[tilespmem:s22+$0x16AB8] =	vst.add.f32.msk $0xffff, v7  }
0x1a5: {  	[tilespmem:s22+$0x16AC8] =	vst.add.f32.msk $0xffff, v8  }
0x1a6: {  	[tilespmem:s22+$0x16AD8] =	vst.add.f32.msk $0xffff, v9  }
0x1a7: {  	[tilespmem:s22+$0x16AE8] =	vst.add.f32.msk $0xffff, v10  }
0x1a8: {  	[tilespmem:s22+$0x16AF8] =	vst.add.f32.msk $0xffff, v11  }
0x1a9: {  	[tilespmem:s22+$0x16B08] =	vst.add.f32.msk $0xffff, v12  }
0x1aa: {  	[tilespmem:s22+$0x16B18] =	vst.add.f32.msk $0xffff, v13  }
0x1ab: {  	[tilespmem:s22+$0x16B28] =	vst.add.f32.msk $0xffff, v14  }
0x1ac: {  	[tilespmem:s22+$0x16B38] =	vst.add.f32.msk $0xffff, v15  }
0x1ad: {  	[tilespmem:s22+$0x16B48] =	vst.add.f32.msk $0xffff, v16  }
0x1ae: {  	[tilespmem:s22+$0x16B58] =	vst.add.f32.msk $0xffff, v17  }
0x1af: {  	[tilespmem:s22+$0x16B68] =	vst.add.f32.msk $0xffff, v18  }
0x1b0: {  	[tilespmem:s22+$0x16B78] =	vst.add.f32.msk $0xffff, v19  }
0x1b1: {  	[tilespmem:s22+$0x16B88] =	vst.add.f32.msk $0xffff, v20  }
0x1b2: {  	[tilespmem:s22+$0x16B98] =	vst.add.f32.msk $0xffff, v21  }
0x1b3: {  	[tilespmem:s22+$0x16BA8] =	vst.add.f32.msk $0xffff, v22  }
0x1b4: {  	[tilespmem:s22+$0x16BB8] =	vst.add.f32.msk $0xffff, v23  }
0x1b5: {  	[tilespmem:s22+$0x16BC8] =	vst.add.f32.msk $0xffff, v24  }
.Ltmp5:
0x1b6: {  	[tilespmem:s22+$0x16BD8] =	vst.add.f32.msk $0xffff, v25;
	(pc) =	sbr.rel @p2 .LBB2_13-.Ltmp5, $4  }
0x1b7: {  	[tilespmem:s22+$0x16BE8] =	vst.add.f32.msk $0xffff, v1  }
0x1b8: {  	[tilespmem:s22+$0x16BF8] =	vst.add.f32.msk $0xffff, v2  }
0x1b9: {  	[tilespmem:s22+$0x16C08] =	vst.add.f32.msk $0xffff, v26  }
0x1ba: {  	s19 =	sadd.s32 $0x800, s19;
	[tilespmem:s22+$0x16C18] =	vst.add.f32.msk $0xffff, v4  }
0x1bb: {  	s18 =	rddreg [dreg:$0xf]  }
.Ltmp6:
0x1bc: {  	s18 =	sadd.s32 s10, s18;
	(pc) =	sbr.rel @p1 .LBB2_18-.Ltmp6, $3  }
0x1bd: {  	s18 =	smul.u32 $0x500, s18;
	_ =	sdelay $0x1  }
0x1be: {  	[tilespmem:s22+$0x16C28] =	vst.add.f32.msk $0xffff, v0;
	s19 =	simm.s32 $0x16A48;
	s10 =	sadd.s32 $0x5, s10;
	s18 =	sadd.s32 s2, s18  }
0x1bf: {  	[hbm4b:s18+s4] =	stream.linear.scatter [tilespmem:s19], [sflag:$0xE], $0x2800, $0x38;
	[tilespmem:$0x1E248] =	vst v63  }
0x1c0: {  	s18 =	smul.u32 $0x50, s10;
	_ =	sdelay $0x1  }
0x1c1: {  	s18 =	sadd.s32 s5, s18  }
0x1c2: {  	s18 =	sshrl.u32 s18, $0x3  }
0x1c3: {  	s21 =	simm.s32 $0x9CC8;
	s19 =	sadd.s32 s6, s18  }
0x1c4: {  	[tilespmem:s21], [sflag:$0x2] =	stream.linear.gather [hbm4b:s19+s4], $0x50, $0x38;
	[tilespmem:$0x1E248] =	vst v63  }
0x1c5: {  	s22 =	simm.s32 $0x9EC8;
	s18 =	sadd.s32 s7, s18  }
0x1c6: {  	[tilespmem:s22], [sflag:$0x2] =	stream.linear.gather [hbm4b:s18+s4], $0x50, $0x38;
	[tilespmem:$0x1E248] =	vst v63  }
0x1c7: {  	_ =	swait.ge [sflag:s28], $0x50  }
0x1c8: {  	[sflag:s28] =	ssyncset.done $0x0  }
0x1c9: {  	[sflag:s28] =	ssyncadd.s32 $0xFFFFFFB0  }
0x1ca: {  	_ =	swait.ge [sflag:s28], $0x50  }
0x1cb: {  	[sflag:s28] =	ssyncset.done $0x0  }
0x1cc: {  	s21 =	simm.s32 $0x9C48;
	[sflag:s28] =	ssyncadd.s32 $0xFFFFFFB0  }
0x1cd: {  	s22 =	simm.s32 $0x9E48;
	v1 =	vld [tilespmem:s21+$0x0]  }
0x1ce: {  	v2 =	vld [tilespmem:s22+$0x0];
	_ =	sdelay $0x3  }
0x1cf: {  	s19 =	simm.s32 $0x9C58;
	vm0 =	vlt.s32 v1, $0x1388  }
0x1d0: {  	v0 =	vld [tilespmem:s19+$0x0];
	s22 =	simm.s32 $0x9E58;
	vm1 =	veq.s32 v2, $0x0;
	v2 =	vnsel vm0, $0x1388, v1  }
0x1d1: {  	s18 =	simm.s32 $0xA048;
	s21 =	simm.s32 $0x10;
	v1 =	vld [tilespmem:s22+$0x0];
	v2 =	vnsel vm1, $0x1388, v2  }
.LBB2_16:
0x1d2: {  	s21 =	sadd.s32 $0x10, s21  }
0x1d3: {  	[tilespmem:s18+$0x0] =	vst v2;
	s18 =	sadd.s32 $0x10, s18;
	p2 =	slt.u32 s21, $0x40  }
.Ltmp7:
0x1d4: {  	(pc) =	sbr.rel @p2 .LBB2_16-.Ltmp7, $4  }
0x1d5: {  	_ = 	snop  }
0x1d6: {  	s19 =	sadd.s32 $0x10, s19;
	vm0 =	vlt.s32 v0, $0x1388  }
0x1d7: {  	s22 =	sadd.s32 $0x10, s22;
	vm1 =	veq.s32 v1, $0x0;
	v2 =	vnsel vm0, $0x1388, v0;
	v0 =	vld [tilespmem:s19+$0x0]  }
0x1d8: {  	v1 =	vld [tilespmem:s22+$0x0];
	v2 =	vnsel vm1, $0x1388, v2  }
0x1d9: {  	_ =	sdelay $0x2  }
0x1da: {  	vm0 =	vlt.s32 v0, $0x1388  }
0x1db: {  	vm1 =	veq.s32 v1, $0x0;
	v0 =	vnsel vm0, $0x1388, v0  }
0x1dc: {  	[tilespmem:s18+$0x0] =	vst v2;
	s22 =	sadd.s32 $0x10, s18;
	v0 =	vnsel vm1, $0x1388, v0  }
0x1dd: {  	s19 =	simm.s32 $0xD;
	[tilespmem:s22+$0x0] =	vst v0  }
0x1de: {  	_ =	swait.ge [sflag:s19], $0x2800  }
0x1df: {  	s17 =	sadd.s32 s13, s17;
	s21 =	simm.s32 $0xA048;
	[sflag:s19] =	ssyncset.done $0x0  }
0x1e0: {  	s17 =	smul.u32 $0x500, s17;
	[sflag:s19] =	ssyncadd.s32 $0xFFFFD800;
	s19 =	simm.s32 $0x14248  }
0x1e1: {  	[tilespmem:s19], [sflag:$0x5] =	stream.indirect.gather [spmem:s3], $0x80, s21, s29, $0xb8;
	[tilespmem:$0x1E248] =	vst v63  }
0x1e2: {  	s17 =	sadd.s32 s1, s17;
	s22 =	simm.s32 $0xA248  }
0x1e3: {  	[tilespmem:s22], [sflag:$0x9] =	stream.linear.gather [hbm4b:s17+s4], $0x2800, $0x38;
	[tilespmem:$0x1E248] =	vst v63  }
.LBB2_18:
0x1e4: {  	_ =	swait.ge [sflag:s11], $0x2800  }
0x1e5: {  	[sflag:s11] =	ssyncset.done $0x0  }
0x1e6: {  	[sflag:s11] =	ssyncadd.s32 $0xFFFFD800  }
0x1e7: {  	_ =	swait.ge [sflag:s20], $0x2800  }
0x1e8: {  	[sflag:s20] =	ssyncset.done $0x0  }
0x1e9: {  	s17 =	simm.s32 $0x0;
	[sflag:s20] =	ssyncadd.s32 $0xFFFFD800  }
0x1ea: {  	v0 =	vld [tilespmem:s17+$0xF438]  }
0x1eb: {  	v1 =	vld [tilespmem:s17+$0xF248]  }
0x1ec: {  	v2 =	vld [tilespmem:s17+$0xF258]  }
0x1ed: {  	v3 =	vld [tilespmem:s17+$0xF268]  }
0x1ee: {  	v4 =	vld [tilespmem:s17+$0xF278]  }
0x1ef: {  	v5 =	vld [tilespmem:s17+$0xF288]  }
0x1f0: {  	v6 =	vld [tilespmem:s17+$0xF298]  }
0x1f1: {  	v7 =	vld [tilespmem:s17+$0xF2B8]  }
0x1f2: {  	v8 =	vld [tilespmem:s17+$0xF2C8]  }
0x1f3: {  	v9 =	vld [tilespmem:s17+$0xF2D8]  }
0x1f4: {  	v10 =	vld [tilespmem:s17+$0xF2E8]  }
0x1f5: {  	v11 =	vld [tilespmem:s17+$0xF2F8]  }
0x1f6: {  	v12 =	vld [tilespmem:s17+$0xF308]  }
0x1f7: {  	v13 =	vld [tilespmem:s17+$0xF318]  }
0x1f8: {  	v14 =	vld [tilespmem:s17+$0xF328]  }
0x1f9: {  	v15 =	vld [tilespmem:s17+$0xF338]  }
0x1fa: {  	v16 =	vld [tilespmem:s17+$0xF348]  }
0x1fb: {  	v17 =	vld [tilespmem:s17+$0xF358]  }
0x1fc: {  	v18 =	vld [tilespmem:s17+$0xF368]  }
0x1fd: {  	v19 =	vld [tilespmem:s17+$0xF378]  }
0x1fe: {  	v20 =	vld [tilespmem:s17+$0xF388]  }
0x1ff: {  	v21 =	vld [tilespmem:s17+$0xF398]  }
0x200: {  	v22 =	vld [tilespmem:s17+$0xF3A8]  }
0x201: {  	v23 =	vld [tilespmem:s17+$0xF3B8]  }
0x202: {  	v24 =	vld [tilespmem:s17+$0xF3C8]  }
0x203: {  	v25 =	vld [tilespmem:s17+$0xF3D8]  }
0x204: {  	v26 =	vld [tilespmem:s17+$0xF3E8]  }
0x205: {  	v27 =	vld [tilespmem:s17+$0xF3F8]  }
0x206: {  	v28 =	vld [tilespmem:s17+$0xF408]  }
0x207: {  	v29 =	vld [tilespmem:s17+$0xF418];
	v0 =	vmul.f32 $1.131370830e+01, v0  }
0x208: {  	v30 =	vld [tilespmem:s17+$0xF428]  }
0x209: {  	v1 =	vmul.f32 $1.131370830e+01, v1;
	[tilespmem:s17+$0x19438] =	vst.add.f32.msk $0xffff, v0  }
0x20a: {  	v2 =	vmul.f32 $1.131370830e+01, v2;
	v0 =	vld [tilespmem:s17+$0xF2A8]  }
0x20b: {  	v3 =	vmul.f32 $1.131370830e+01, v3;
	[tilespmem:s17+$0x19248] =	vst.add.f32.msk $0xffff, v1  }
0x20c: {  	v1 =	vmul.f32 $1.131370830e+01, v4;
	[tilespmem:s17+$0x19258] =	vst.add.f32.msk $0xffff, v2  }
0x20d: {  	v2 =	vmul.f32 $1.131370830e+01, v5;
	[tilespmem:s17+$0x19268] =	vst.add.f32.msk $0xffff, v3  }
0x20e: {  	v3 =	vmul.f32 $1.131370830e+01, v6;
	[tilespmem:s17+$0x19278] =	vst.add.f32.msk $0xffff, v1  }
0x20f: {  	[tilespmem:s17+$0x19288] =	vst.add.f32.msk $0xffff, v2;
	v1 =	vmul.f32 $1.131370830e+01, v7  }
0x210: {  	[tilespmem:s17+$0x19298] =	vst.add.f32.msk $0xffff, v3;
	v2 =	vmul.f32 $1.131370830e+01, v8  }
0x211: {  	[tilespmem:s17+$0x192B8] =	vst.add.f32.msk $0xffff, v1;
	v1 =	vmul.f32 $1.131370830e+01, v10  }
0x212: {  	[tilespmem:s17+$0x192C8] =	vst.add.f32.msk $0xffff, v2;
	v2 =	vmul.f32 $1.131370830e+01, v11  }
0x213: {  	v0 =	vmul.f32 $1.131370830e+01, v0;
	[tilespmem:s17+$0x192E8] =	vst.add.f32.msk $0xffff, v1  }
0x214: {  	v1 =	vmul.f32 $1.131370830e+01, v13;
	[tilespmem:s17+$0x192F8] =	vst.add.f32.msk $0xffff, v2  }
0x215: {  	v2 =	vmul.f32 $1.131370830e+01, v14;
	[tilespmem:s17+$0x192A8] =	vst.add.f32.msk $0xffff, v0  }
0x216: {  	v0 =	vmul.f32 $1.131370830e+01, v9;
	[tilespmem:s17+$0x19318] =	vst.add.f32.msk $0xffff, v1  }
0x217: {  	v1 =	vmul.f32 $1.131370830e+01, v16;
	[tilespmem:s17+$0x19328] =	vst.add.f32.msk $0xffff, v2  }
0x218: {  	v2 =	vmul.f32 $1.131370830e+01, v17;
	[tilespmem:s17+$0x192D8] =	vst.add.f32.msk $0xffff, v0  }
0x219: {  	v0 =	vmul.f32 $1.131370830e+01, v12;
	[tilespmem:s17+$0x19348] =	vst.add.f32.msk $0xffff, v1  }
0x21a: {  	v1 =	vmul.f32 $1.131370830e+01, v19;
	[tilespmem:s17+$0x19358] =	vst.add.f32.msk $0xffff, v2  }
0x21b: {  	v2 =	vmul.f32 $1.131370830e+01, v20;
	[tilespmem:s17+$0x19308] =	vst.add.f32.msk $0xffff, v0  }
0x21c: {  	v0 =	vmul.f32 $1.131370830e+01, v15;
	[tilespmem:s17+$0x19378] =	vst.add.f32.msk $0xffff, v1  }
0x21d: {  	v1 =	vmul.f32 $1.131370830e+01, v22;
	[tilespmem:s17+$0x19388] =	vst.add.f32.msk $0xffff, v2  }
0x21e: {  	v2 =	vmul.f32 $1.131370830e+01, v23;
	[tilespmem:s17+$0x19338] =	vst.add.f32.msk $0xffff, v0  }
0x21f: {  	v0 =	vmul.f32 $1.131370830e+01, v18;
	[tilespmem:s17+$0x193A8] =	vst.add.f32.msk $0xffff, v1  }
0x220: {  	v1 =	vmul.f32 $1.131370830e+01, v25;
	[tilespmem:s17+$0x193B8] =	vst.add.f32.msk $0xffff, v2  }
0x221: {  	[tilespmem:s17+$0x19368] =	vst.add.f32.msk $0xffff, v0;
	v0 =	vmul.f32 $1.131370830e+01, v21  }
0x222: {  	v2 =	vmul.f32 $1.131370830e+01, v26;
	[tilespmem:s17+$0x193D8] =	vst.add.f32.msk $0xffff, v1  }
0x223: {  	[tilespmem:s17+$0x19398] =	vst.add.f32.msk $0xffff, v0;
	v0 =	vmul.f32 $1.131370830e+01, v24  }
0x224: {  	v1 =	vmul.f32 $1.131370830e+01, v28;
	[tilespmem:s17+$0x193E8] =	vst.add.f32.msk $0xffff, v2  }
0x225: {  	[tilespmem:s17+$0x193C8] =	vst.add.f32.msk $0xffff, v0;
	v0 =	vmul.f32 $1.131370830e+01, v27  }
0x226: {  	v2 =	vmul.f32 $1.131370830e+01, v29;
	[tilespmem:s17+$0x19408] =	vst.add.f32.msk $0xffff, v1  }
0x227: {  	[tilespmem:s17+$0x193F8] =	vst.add.f32.msk $0xffff, v0;
	v0 =	vmul.f32 $1.131370830e+01, v30  }
0x228: {  	s18 =	simm.s32 $0x0;
	s19 =	simm.s32 $0x800;
	[tilespmem:s17+$0x19418] =	vst.add.f32.msk $0xffff, v2  }
.LBB2_19:
0x229: {  	s18 =	sadd.s32 $0x4, s18;
	[tilespmem:s17+$0x19428] =	vst.add.f32.msk $0xffff, v0;
	s17 =	sshra.s32 s19, $0x2  }
0x22a: {  	v0 =	vld [tilespmem:s17+$0xF438];
	p2 =	slt.u32 s18, $0x4C  }
0x22b: {  	v1 =	vld [tilespmem:s17+$0xF248]  }
0x22c: {  	v2 =	vld [tilespmem:s17+$0xF258]  }
0x22d: {  	v3 =	vld [tilespmem:s17+$0xF268]  }
0x22e: {  	v4 =	vld [tilespmem:s17+$0xF278]  }
0x22f: {  	v5 =	vld [tilespmem:s17+$0xF288];
	v0 =	vmul.f32 $1.131370830e+01, v0  }
0x230: {  	v1 =	vmul.f32 $1.131370830e+01, v1;
	v6 =	vld [tilespmem:s17+$0xF298]  }
0x231: {  	v2 =	vmul.f32 $1.131370830e+01, v2;
	[tilespmem:s17+$0x19438] =	vst.add.f32.msk $0xffff, v0  }
0x232: {  	v0 =	vmul.f32 $1.131370830e+01, v3;
	v3 =	vld [tilespmem:s17+$0xF2A8]  }
0x233: {  	v4 =	vmul.f32 $1.131370830e+01, v4;
	v7 =	vld [tilespmem:s17+$0xF2B8]  }
0x234: {  	v5 =	vmul.f32 $1.131370830e+01, v5;
	v8 =	vld [tilespmem:s17+$0xF2C8]  }
0x235: {  	v6 =	vmul.f32 $1.131370830e+01, v6;
	v9 =	vld [tilespmem:s17+$0xF2D8]  }
0x236: {  	v10 =	vld [tilespmem:s17+$0xF2E8]  }
0x237: {  	v3 =	vmul.f32 $1.131370830e+01, v3;
	v11 =	vld [tilespmem:s17+$0xF2F8]  }
0x238: {  	v7 =	vmul.f32 $1.131370830e+01, v7;
	v12 =	vld [tilespmem:s17+$0xF308]  }
0x239: {  	v8 =	vmul.f32 $1.131370830e+01, v8;
	v13 =	vld [tilespmem:s17+$0xF318]  }
0x23a: {  	v9 =	vmul.f32 $1.131370830e+01, v9;
	v14 =	vld [tilespmem:s17+$0xF328]  }
0x23b: {  	v10 =	vmul.f32 $1.131370830e+01, v10;
	v15 =	vld [tilespmem:s17+$0xF338]  }
0x23c: {  	v11 =	vmul.f32 $1.131370830e+01, v11;
	v16 =	vld [tilespmem:s17+$0xF348]  }
0x23d: {  	v12 =	vmul.f32 $1.131370830e+01, v12;
	v17 =	vld [tilespmem:s17+$0xF358]  }
0x23e: {  	v13 =	vmul.f32 $1.131370830e+01, v13;
	v18 =	vld [tilespmem:s17+$0xF368]  }
0x23f: {  	v14 =	vmul.f32 $1.131370830e+01, v14;
	v19 =	vld [tilespmem:s17+$0xF378]  }
0x240: {  	v15 =	vmul.f32 $1.131370830e+01, v15;
	v20 =	vld [tilespmem:s17+$0xF388]  }
0x241: {  	v16 =	vmul.f32 $1.131370830e+01, v16;
	v21 =	vld [tilespmem:s17+$0xF398]  }
0x242: {  	v17 =	vmul.f32 $1.131370830e+01, v17;
	v22 =	vld [tilespmem:s17+$0xF3A8]  }
0x243: {  	v18 =	vmul.f32 $1.131370830e+01, v18;
	v23 =	vld [tilespmem:s17+$0xF3B8]  }
0x244: {  	v19 =	vmul.f32 $1.131370830e+01, v19;
	v24 =	vld [tilespmem:s17+$0xF3C8]  }
0x245: {  	v20 =	vmul.f32 $1.131370830e+01, v20;
	v25 =	vld [tilespmem:s17+$0xF3D8]  }
0x246: {  	v21 =	vmul.f32 $1.131370830e+01, v21;
	v26 =	vld [tilespmem:s17+$0xF3E8]  }
0x247: {  	v22 =	vmul.f32 $1.131370830e+01, v22;
	v27 =	vld [tilespmem:s17+$0xF3F8]  }
0x248: {  	v23 =	vmul.f32 $1.131370830e+01, v23;
	v28 =	vld [tilespmem:s17+$0xF408]  }
0x249: {  	v24 =	vmul.f32 $1.131370830e+01, v24;
	v29 =	vld [tilespmem:s17+$0xF418]  }
0x24a: {  	v25 =	vmul.f32 $1.131370830e+01, v25;
	v30 =	vld [tilespmem:s17+$0xF428]  }
0x24b: {  	[tilespmem:s17+$0x19248] =	vst.add.f32.msk $0xffff, v1;
	v1 =	vmul.f32 $1.131370830e+01, v26  }
0x24c: {  	[tilespmem:s17+$0x19258] =	vst.add.f32.msk $0xffff, v2;
	v2 =	vmul.f32 $1.131370830e+01, v27  }
0x24d: {  	[tilespmem:s17+$0x19268] =	vst.add.f32.msk $0xffff, v0;
	v26 =	vmul.f32 $1.131370830e+01, v28  }
0x24e: {  	[tilespmem:s17+$0x19278] =	vst.add.f32.msk $0xffff, v4;
	v4 =	vmul.f32 $1.131370830e+01, v29  }
0x24f: {  	[tilespmem:s17+$0x19288] =	vst.add.f32.msk $0xffff, v5;
	v0 =	vmul.f32 $1.131370830e+01, v30  }
0x250: {  	[tilespmem:s17+$0x19298] =	vst.add.f32.msk $0xffff, v6  }
0x251: {  	[tilespmem:s17+$0x192A8] =	vst.add.f32.msk $0xffff, v3  }
0x252: {  	[tilespmem:s17+$0x192B8] =	vst.add.f32.msk $0xffff, v7  }
0x253: {  	[tilespmem:s17+$0x192C8] =	vst.add.f32.msk $0xffff, v8  }
0x254: {  	[tilespmem:s17+$0x192D8] =	vst.add.f32.msk $0xffff, v9  }
0x255: {  	[tilespmem:s17+$0x192E8] =	vst.add.f32.msk $0xffff, v10  }
0x256: {  	[tilespmem:s17+$0x192F8] =	vst.add.f32.msk $0xffff, v11  }
0x257: {  	[tilespmem:s17+$0x19308] =	vst.add.f32.msk $0xffff, v12  }
0x258: {  	[tilespmem:s17+$0x19318] =	vst.add.f32.msk $0xffff, v13  }
0x259: {  	[tilespmem:s17+$0x19328] =	vst.add.f32.msk $0xffff, v14  }
0x25a: {  	[tilespmem:s17+$0x19338] =	vst.add.f32.msk $0xffff, v15  }
0x25b: {  	[tilespmem:s17+$0x19348] =	vst.add.f32.msk $0xffff, v16  }
0x25c: {  	[tilespmem:s17+$0x19358] =	vst.add.f32.msk $0xffff, v17  }
0x25d: {  	[tilespmem:s17+$0x19368] =	vst.add.f32.msk $0xffff, v18  }
0x25e: {  	[tilespmem:s17+$0x19378] =	vst.add.f32.msk $0xffff, v19  }
0x25f: {  	[tilespmem:s17+$0x19388] =	vst.add.f32.msk $0xffff, v20  }
0x260: {  	[tilespmem:s17+$0x19398] =	vst.add.f32.msk $0xffff, v21  }
0x261: {  	[tilespmem:s17+$0x193A8] =	vst.add.f32.msk $0xffff, v22  }
0x262: {  	[tilespmem:s17+$0x193B8] =	vst.add.f32.msk $0xffff, v23  }
0x263: {  	[tilespmem:s17+$0x193C8] =	vst.add.f32.msk $0xffff, v24  }
.Ltmp8:
0x264: {  	[tilespmem:s17+$0x193D8] =	vst.add.f32.msk $0xffff, v25;
	(pc) =	sbr.rel @p2 .LBB2_19-.Ltmp8, $4  }
0x265: {  	[tilespmem:s17+$0x193E8] =	vst.add.f32.msk $0xffff, v1  }
0x266: {  	[tilespmem:s17+$0x193F8] =	vst.add.f32.msk $0xffff, v2  }
0x267: {  	[tilespmem:s17+$0x19408] =	vst.add.f32.msk $0xffff, v26  }
0x268: {  	s19 =	sadd.s32 $0x800, s19;
	[tilespmem:s17+$0x19418] =	vst.add.f32.msk $0xffff, v4  }
.Ltmp9:
0x269: {  	(pc) =	sbr.rel @p1 .LBB2_24-.Ltmp9, $3  }
0x26a: {  	_ =	sdelay $0x1  }
0x26b: {  	[tilespmem:s17+$0x19428] =	vst.add.f32.msk $0xffff, v0;
	s30 =	sadd.s32 s2, s30;
	s18 =	simm.s32 $0x19248  }
0x26c: {  	[hbm4b:s30+s4] =	stream.linear.scatter [tilespmem:s18], [sflag:$0xF], $0x2800, $0x38;
	[tilespmem:$0x1E248] =	vst v63  }
0x26d: {  	s17 =	smul.u32 $0x140, s25  }
0x26e: {  	s18 =	rddreg [dreg:$0x10]  }
0x26f: {  	s17 =	sadd.s32 s17, s18  }
0x270: {  	s17 =	sshrl.u32 s17, $0x3  }
0x271: {  	s19 =	simm.s32 $0x9D48;
	s30 =	sadd.s32 s6, s17  }
0x272: {  	[tilespmem:s19], [sflag:$0x3] =	stream.linear.gather [hbm4b:s30+s4], $0x50, $0x38;
	[tilespmem:$0x1E248] =	vst v63  }
0x273: {  	s21 =	simm.s32 $0x9F48;
	s17 =	sadd.s32 s7, s17  }
0x274: {  	[tilespmem:s21], [sflag:$0x3] =	stream.linear.gather [hbm4b:s17+s4], $0x50, $0x38;
	[tilespmem:$0x1E248] =	vst v63  }
0x275: {  	_ =	swait.ge [sflag:s8], $0x50  }
0x276: {  	[sflag:s8] =	ssyncset.done $0x0  }
0x277: {  	[sflag:s8] =	ssyncadd.s32 $0xFFFFFFB0  }
0x278: {  	_ =	swait.ge [sflag:s8], $0x50  }
0x279: {  	[sflag:s8] =	ssyncset.done $0x0  }
0x27a: {  	s22 =	simm.s32 $0x9CC8;
	[sflag:s8] =	ssyncadd.s32 $0xFFFFFFB0  }
0x27b: {  	s30 =	simm.s32 $0x9EC8;
	v1 =	vld [tilespmem:s22+$0x0]  }
0x27c: {  	v2 =	vld [tilespmem:s30+$0x0];
	_ =	sdelay $0x3  }
0x27d: {  	s18 =	simm.s32 $0x9CD8;
	vm0 =	vlt.s32 v1, $0x1388  }
0x27e: {  	s19 =	simm.s32 $0x9ED8;
	v0 =	vld [tilespmem:s18+$0x0];
	vm1 =	veq.s32 v2, $0x0;
	v2 =	vnsel vm0, $0x1388, v1  }
0x27f: {  	s17 =	simm.s32 $0xA0C8;
	s21 =	simm.s32 $0x10;
	v1 =	vld [tilespmem:s19+$0x0];
	v2 =	vnsel vm1, $0x1388, v2  }
.LBB2_22:
0x280: {  	s21 =	sadd.s32 $0x10, s21  }
0x281: {  	[tilespmem:s17+$0x0] =	vst v2;
	s17 =	sadd.s32 $0x10, s17;
	p1 =	slt.u32 s21, $0x40  }
.Ltmp10:
0x282: {  	(pc) =	sbr.rel @p1 .LBB2_22-.Ltmp10, $4  }
0x283: {  	_ = 	snop  }
0x284: {  	s18 =	sadd.s32 $0x10, s18;
	vm0 =	vlt.s32 v0, $0x1388  }
0x285: {  	s19 =	sadd.s32 $0x10, s19;
	vm1 =	veq.s32 v1, $0x0;
	v2 =	vnsel vm0, $0x1388, v0;
	v0 =	vld [tilespmem:s18+$0x0]  }
0x286: {  	v1 =	vld [tilespmem:s19+$0x0];
	v2 =	vnsel vm1, $0x1388, v2  }
0x287: {  	_ =	sdelay $0x2  }
0x288: {  	vm0 =	vlt.s32 v0, $0x1388  }
0x289: {  	vm1 =	veq.s32 v1, $0x0;
	v0 =	vnsel vm0, $0x1388, v0  }
0x28a: {  	[tilespmem:s17+$0x0] =	vst v2;
	s19 =	sadd.s32 $0x10, s17;
	v0 =	vnsel vm1, $0x1388, v0  }
0x28b: {  	s21 =	simm.s32 $0xE;
	[tilespmem:s19+$0x0] =	vst v0  }
0x28c: {  	_ =	swait.ge [sflag:s21], $0x2800  }
0x28d: {  	s10 =	sadd.s32 s13, s10;
	s22 =	simm.s32 $0xA0C8;
	[sflag:s21] =	ssyncset.done $0x0  }
0x28e: {  	s18 =	simm.s32 $0x16A48;
	s10 =	smul.u32 $0x500, s10;
	[sflag:s21] =	ssyncadd.s32 $0xFFFFD800  }
0x28f: {  	[tilespmem:s18], [sflag:$0x6] =	stream.indirect.gather [spmem:s3], $0x80, s22, s29, $0xb8;
	[tilespmem:$0x1E248] =	vst v63  }
0x290: {  	s30 =	simm.s32 $0xCA48;
	s10 =	sadd.s32 s1, s10  }
0x291: {  	[tilespmem:s30], [sflag:$0xA] =	stream.linear.gather [hbm4b:s10+s4], $0x2800, $0x38;
	[tilespmem:$0x1E248] =	vst v63  }
.LBB2_24:
0x292: {  	_ =	swait.ge [sflag:s12], $0x2800  }
0x293: {  	[sflag:s12] =	ssyncset.done $0x0  }
0x294: {  	[sflag:s12] =	ssyncadd.s32 $0xFFFFD800  }
0x295: {  	_ =	swait.ge [sflag:s15], $0x2800  }
0x296: {  	[sflag:s15] =	ssyncset.done $0x0  }
0x297: {  	s10 =	simm.s32 $0x0;
	[sflag:s15] =	ssyncadd.s32 $0xFFFFD800  }
0x298: {  	v0 =	vld [tilespmem:s10+$0x11C38]  }
0x299: {  	v1 =	vld [tilespmem:s10+$0x11A48]  }
0x29a: {  	v2 =	vld [tilespmem:s10+$0x11A58]  }
0x29b: {  	v3 =	vld [tilespmem:s10+$0x11A68]  }
0x29c: {  	v4 =	vld [tilespmem:s10+$0x11A78]  }
0x29d: {  	v5 =	vld [tilespmem:s10+$0x11A88]  }
0x29e: {  	v6 =	vld [tilespmem:s10+$0x11A98]  }
0x29f: {  	v7 =	vld [tilespmem:s10+$0x11AB8]  }
0x2a0: {  	v8 =	vld [tilespmem:s10+$0x11AC8]  }
0x2a1: {  	v9 =	vld [tilespmem:s10+$0x11AD8]  }
0x2a2: {  	v10 =	vld [tilespmem:s10+$0x11AE8]  }
0x2a3: {  	v11 =	vld [tilespmem:s10+$0x11AF8]  }
0x2a4: {  	v12 =	vld [tilespmem:s10+$0x11B08]  }
0x2a5: {  	v13 =	vld [tilespmem:s10+$0x11B18]  }
0x2a6: {  	v14 =	vld [tilespmem:s10+$0x11B28]  }
0x2a7: {  	v15 =	vld [tilespmem:s10+$0x11B38]  }
0x2a8: {  	v16 =	vld [tilespmem:s10+$0x11B48]  }
0x2a9: {  	v17 =	vld [tilespmem:s10+$0x11B58]  }
0x2aa: {  	v18 =	vld [tilespmem:s10+$0x11B68]  }
0x2ab: {  	v19 =	vld [tilespmem:s10+$0x11B78]  }
0x2ac: {  	v20 =	vld [tilespmem:s10+$0x11B88]  }
0x2ad: {  	v21 =	vld [tilespmem:s10+$0x11B98]  }
0x2ae: {  	v22 =	vld [tilespmem:s10+$0x11BA8]  }
0x2af: {  	v23 =	vld [tilespmem:s10+$0x11BB8]  }
0x2b0: {  	v24 =	vld [tilespmem:s10+$0x11BC8]  }
0x2b1: {  	v25 =	vld [tilespmem:s10+$0x11BD8]  }
0x2b2: {  	v26 =	vld [tilespmem:s10+$0x11BE8]  }
0x2b3: {  	v27 =	vld [tilespmem:s10+$0x11BF8]  }
0x2b4: {  	v28 =	vld [tilespmem:s10+$0x11C08]  }
0x2b5: {  	v29 =	vld [tilespmem:s10+$0x11C18];
	v0 =	vmul.f32 $1.131370830e+01, v0  }
0x2b6: {  	v30 =	vld [tilespmem:s10+$0x11C28]  }
0x2b7: {  	v1 =	vmul.f32 $1.131370830e+01, v1;
	[tilespmem:s10+$0x1BC38] =	vst.add.f32.msk $0xffff, v0  }
0x2b8: {  	v2 =	vmul.f32 $1.131370830e+01, v2;
	v0 =	vld [tilespmem:s10+$0x11AA8]  }
0x2b9: {  	v3 =	vmul.f32 $1.131370830e+01, v3;
	[tilespmem:s10+$0x1BA48] =	vst.add.f32.msk $0xffff, v1  }
0x2ba: {  	v1 =	vmul.f32 $1.131370830e+01, v4;
	[tilespmem:s10+$0x1BA58] =	vst.add.f32.msk $0xffff, v2  }
0x2bb: {  	v2 =	vmul.f32 $1.131370830e+01, v5;
	[tilespmem:s10+$0x1BA68] =	vst.add.f32.msk $0xffff, v3  }
0x2bc: {  	v3 =	vmul.f32 $1.131370830e+01, v6;
	[tilespmem:s10+$0x1BA78] =	vst.add.f32.msk $0xffff, v1  }
0x2bd: {  	[tilespmem:s10+$0x1BA88] =	vst.add.f32.msk $0xffff, v2;
	v1 =	vmul.f32 $1.131370830e+01, v7  }
0x2be: {  	[tilespmem:s10+$0x1BA98] =	vst.add.f32.msk $0xffff, v3;
	v2 =	vmul.f32 $1.131370830e+01, v8  }
0x2bf: {  	[tilespmem:s10+$0x1BAB8] =	vst.add.f32.msk $0xffff, v1;
	v1 =	vmul.f32 $1.131370830e+01, v10  }
0x2c0: {  	[tilespmem:s10+$0x1BAC8] =	vst.add.f32.msk $0xffff, v2;
	v2 =	vmul.f32 $1.131370830e+01, v11  }
0x2c1: {  	v0 =	vmul.f32 $1.131370830e+01, v0;
	[tilespmem:s10+$0x1BAE8] =	vst.add.f32.msk $0xffff, v1  }
0x2c2: {  	v1 =	vmul.f32 $1.131370830e+01, v13;
	[tilespmem:s10+$0x1BAF8] =	vst.add.f32.msk $0xffff, v2  }
0x2c3: {  	v2 =	vmul.f32 $1.131370830e+01, v14;
	[tilespmem:s10+$0x1BAA8] =	vst.add.f32.msk $0xffff, v0  }
0x2c4: {  	v0 =	vmul.f32 $1.131370830e+01, v9;
	[tilespmem:s10+$0x1BB18] =	vst.add.f32.msk $0xffff, v1  }
0x2c5: {  	v1 =	vmul.f32 $1.131370830e+01, v16;
	[tilespmem:s10+$0x1BB28] =	vst.add.f32.msk $0xffff, v2  }
0x2c6: {  	v2 =	vmul.f32 $1.131370830e+01, v17;
	[tilespmem:s10+$0x1BAD8] =	vst.add.f32.msk $0xffff, v0  }
0x2c7: {  	v0 =	vmul.f32 $1.131370830e+01, v12;
	[tilespmem:s10+$0x1BB48] =	vst.add.f32.msk $0xffff, v1  }
0x2c8: {  	v1 =	vmul.f32 $1.131370830e+01, v19;
	[tilespmem:s10+$0x1BB58] =	vst.add.f32.msk $0xffff, v2  }
0x2c9: {  	v2 =	vmul.f32 $1.131370830e+01, v20;
	[tilespmem:s10+$0x1BB08] =	vst.add.f32.msk $0xffff, v0  }
0x2ca: {  	v0 =	vmul.f32 $1.131370830e+01, v15;
	[tilespmem:s10+$0x1BB78] =	vst.add.f32.msk $0xffff, v1  }
0x2cb: {  	v1 =	vmul.f32 $1.131370830e+01, v22;
	[tilespmem:s10+$0x1BB88] =	vst.add.f32.msk $0xffff, v2  }
0x2cc: {  	v2 =	vmul.f32 $1.131370830e+01, v23;
	[tilespmem:s10+$0x1BB38] =	vst.add.f32.msk $0xffff, v0  }
0x2cd: {  	v0 =	vmul.f32 $1.131370830e+01, v18;
	[tilespmem:s10+$0x1BBA8] =	vst.add.f32.msk $0xffff, v1  }
0x2ce: {  	v1 =	vmul.f32 $1.131370830e+01, v25;
	[tilespmem:s10+$0x1BBB8] =	vst.add.f32.msk $0xffff, v2  }
0x2cf: {  	[tilespmem:s10+$0x1BB68] =	vst.add.f32.msk $0xffff, v0;
	v0 =	vmul.f32 $1.131370830e+01, v21  }
0x2d0: {  	v2 =	vmul.f32 $1.131370830e+01, v26;
	[tilespmem:s10+$0x1BBD8] =	vst.add.f32.msk $0xffff, v1  }
0x2d1: {  	[tilespmem:s10+$0x1BB98] =	vst.add.f32.msk $0xffff, v0;
	v0 =	vmul.f32 $1.131370830e+01, v24  }
0x2d2: {  	v1 =	vmul.f32 $1.131370830e+01, v28;
	[tilespmem:s10+$0x1BBE8] =	vst.add.f32.msk $0xffff, v2  }
0x2d3: {  	[tilespmem:s10+$0x1BBC8] =	vst.add.f32.msk $0xffff, v0;
	v0 =	vmul.f32 $1.131370830e+01, v27  }
0x2d4: {  	v2 =	vmul.f32 $1.131370830e+01, v29;
	[tilespmem:s10+$0x1BC08] =	vst.add.f32.msk $0xffff, v1  }
0x2d5: {  	[tilespmem:s10+$0x1BBF8] =	vst.add.f32.msk $0xffff, v0;
	v0 =	vmul.f32 $1.131370830e+01, v30  }
0x2d6: {  	s17 =	simm.s32 $0x0;
	s18 =	simm.s32 $0x800;
	[tilespmem:s10+$0x1BC18] =	vst.add.f32.msk $0xffff, v2  }
.LBB2_25:
0x2d7: {  	s17 =	sadd.s32 $0x4, s17;
	[tilespmem:s10+$0x1BC28] =	vst.add.f32.msk $0xffff, v0;
	s10 =	sshra.s32 s18, $0x2  }
0x2d8: {  	v0 =	vld [tilespmem:s10+$0x11C38];
	p1 =	slt.u32 s17, $0x4C  }
0x2d9: {  	v1 =	vld [tilespmem:s10+$0x11A48]  }
0x2da: {  	v2 =	vld [tilespmem:s10+$0x11A58]  }
0x2db: {  	v3 =	vld [tilespmem:s10+$0x11A68]  }
0x2dc: {  	v4 =	vld [tilespmem:s10+$0x11A78]  }
0x2dd: {  	v5 =	vld [tilespmem:s10+$0x11A88];
	v0 =	vmul.f32 $1.131370830e+01, v0  }
0x2de: {  	v1 =	vmul.f32 $1.131370830e+01, v1;
	v6 =	vld [tilespmem:s10+$0x11A98]  }
0x2df: {  	v2 =	vmul.f32 $1.131370830e+01, v2;
	[tilespmem:s10+$0x1BC38] =	vst.add.f32.msk $0xffff, v0  }
0x2e0: {  	v0 =	vmul.f32 $1.131370830e+01, v3;
	v3 =	vld [tilespmem:s10+$0x11AA8]  }
0x2e1: {  	v4 =	vmul.f32 $1.131370830e+01, v4;
	v7 =	vld [tilespmem:s10+$0x11AB8]  }
0x2e2: {  	v5 =	vmul.f32 $1.131370830e+01, v5;
	v8 =	vld [tilespmem:s10+$0x11AC8]  }
0x2e3: {  	v6 =	vmul.f32 $1.131370830e+01, v6;
	v9 =	vld [tilespmem:s10+$0x11AD8]  }
0x2e4: {  	v10 =	vld [tilespmem:s10+$0x11AE8]  }
0x2e5: {  	v3 =	vmul.f32 $1.131370830e+01, v3;
	v11 =	vld [tilespmem:s10+$0x11AF8]  }
0x2e6: {  	v7 =	vmul.f32 $1.131370830e+01, v7;
	v12 =	vld [tilespmem:s10+$0x11B08]  }
0x2e7: {  	v8 =	vmul.f32 $1.131370830e+01, v8;
	v13 =	vld [tilespmem:s10+$0x11B18]  }
0x2e8: {  	v9 =	vmul.f32 $1.131370830e+01, v9;
	v14 =	vld [tilespmem:s10+$0x11B28]  }
0x2e9: {  	v10 =	vmul.f32 $1.131370830e+01, v10;
	v15 =	vld [tilespmem:s10+$0x11B38]  }
0x2ea: {  	v11 =	vmul.f32 $1.131370830e+01, v11;
	v16 =	vld [tilespmem:s10+$0x11B48]  }
0x2eb: {  	v12 =	vmul.f32 $1.131370830e+01, v12;
	v17 =	vld [tilespmem:s10+$0x11B58]  }
0x2ec: {  	v13 =	vmul.f32 $1.131370830e+01, v13;
	v18 =	vld [tilespmem:s10+$0x11B68]  }
0x2ed: {  	v14 =	vmul.f32 $1.131370830e+01, v14;
	v19 =	vld [tilespmem:s10+$0x11B78]  }
0x2ee: {  	v15 =	vmul.f32 $1.131370830e+01, v15;
	v20 =	vld [tilespmem:s10+$0x11B88]  }
0x2ef: {  	v16 =	vmul.f32 $1.131370830e+01, v16;
	v21 =	vld [tilespmem:s10+$0x11B98]  }
0x2f0: {  	v17 =	vmul.f32 $1.131370830e+01, v17;
	v22 =	vld [tilespmem:s10+$0x11BA8]  }
0x2f1: {  	v18 =	vmul.f32 $1.131370830e+01, v18;
	v23 =	vld [tilespmem:s10+$0x11BB8]  }
0x2f2: {  	v19 =	vmul.f32 $1.131370830e+01, v19;
	v24 =	vld [tilespmem:s10+$0x11BC8]  }
0x2f3: {  	v20 =	vmul.f32 $1.131370830e+01, v20;
	v25 =	vld [tilespmem:s10+$0x11BD8]  }
0x2f4: {  	v21 =	vmul.f32 $1.131370830e+01, v21;
	v26 =	vld [tilespmem:s10+$0x11BE8]  }
0x2f5: {  	v22 =	vmul.f32 $1.131370830e+01, v22;
	v27 =	vld [tilespmem:s10+$0x11BF8]  }
0x2f6: {  	v23 =	vmul.f32 $1.131370830e+01, v23;
	v28 =	vld [tilespmem:s10+$0x11C08]  }
0x2f7: {  	v24 =	vmul.f32 $1.131370830e+01, v24;
	v29 =	vld [tilespmem:s10+$0x11C18]  }
0x2f8: {  	v25 =	vmul.f32 $1.131370830e+01, v25;
	v30 =	vld [tilespmem:s10+$0x11C28]  }
0x2f9: {  	[tilespmem:s10+$0x1BA48] =	vst.add.f32.msk $0xffff, v1;
	v1 =	vmul.f32 $1.131370830e+01, v26  }
0x2fa: {  	[tilespmem:s10+$0x1BA58] =	vst.add.f32.msk $0xffff, v2;
	v2 =	vmul.f32 $1.131370830e+01, v27  }
0x2fb: {  	[tilespmem:s10+$0x1BA68] =	vst.add.f32.msk $0xffff, v0;
	v26 =	vmul.f32 $1.131370830e+01, v28  }
0x2fc: {  	[tilespmem:s10+$0x1BA78] =	vst.add.f32.msk $0xffff, v4;
	v4 =	vmul.f32 $1.131370830e+01, v29  }
0x2fd: {  	[tilespmem:s10+$0x1BA88] =	vst.add.f32.msk $0xffff, v5;
	v0 =	vmul.f32 $1.131370830e+01, v30  }
0x2fe: {  	[tilespmem:s10+$0x1BA98] =	vst.add.f32.msk $0xffff, v6  }
0x2ff: {  	[tilespmem:s10+$0x1BAA8] =	vst.add.f32.msk $0xffff, v3  }
0x300: {  	[tilespmem:s10+$0x1BAB8] =	vst.add.f32.msk $0xffff, v7  }
0x301: {  	[tilespmem:s10+$0x1BAC8] =	vst.add.f32.msk $0xffff, v8  }
0x302: {  	[tilespmem:s10+$0x1BAD8] =	vst.add.f32.msk $0xffff, v9  }
0x303: {  	[tilespmem:s10+$0x1BAE8] =	vst.add.f32.msk $0xffff, v10  }
0x304: {  	[tilespmem:s10+$0x1BAF8] =	vst.add.f32.msk $0xffff, v11  }
0x305: {  	[tilespmem:s10+$0x1BB08] =	vst.add.f32.msk $0xffff, v12  }
0x306: {  	[tilespmem:s10+$0x1BB18] =	vst.add.f32.msk $0xffff, v13  }
0x307: {  	[tilespmem:s10+$0x1BB28] =	vst.add.f32.msk $0xffff, v14  }
0x308: {  	[tilespmem:s10+$0x1BB38] =	vst.add.f32.msk $0xffff, v15  }
0x309: {  	[tilespmem:s10+$0x1BB48] =	vst.add.f32.msk $0xffff, v16  }
0x30a: {  	[tilespmem:s10+$0x1BB58] =	vst.add.f32.msk $0xffff, v17  }
0x30b: {  	[tilespmem:s10+$0x1BB68] =	vst.add.f32.msk $0xffff, v18  }
0x30c: {  	[tilespmem:s10+$0x1BB78] =	vst.add.f32.msk $0xffff, v19  }
0x30d: {  	[tilespmem:s10+$0x1BB88] =	vst.add.f32.msk $0xffff, v20  }
0x30e: {  	[tilespmem:s10+$0x1BB98] =	vst.add.f32.msk $0xffff, v21  }
0x30f: {  	[tilespmem:s10+$0x1BBA8] =	vst.add.f32.msk $0xffff, v22  }
0x310: {  	[tilespmem:s10+$0x1BBB8] =	vst.add.f32.msk $0xffff, v23  }
0x311: {  	[tilespmem:s10+$0x1BBC8] =	vst.add.f32.msk $0xffff, v24  }
.Ltmp11:
0x312: {  	[tilespmem:s10+$0x1BBD8] =	vst.add.f32.msk $0xffff, v25;
	(pc) =	sbr.rel @p1 .LBB2_25-.Ltmp11, $4  }
0x313: {  	[tilespmem:s10+$0x1BBE8] =	vst.add.f32.msk $0xffff, v1  }
0x314: {  	[tilespmem:s10+$0x1BBF8] =	vst.add.f32.msk $0xffff, v2  }
0x315: {  	[tilespmem:s10+$0x1BC08] =	vst.add.f32.msk $0xffff, v26  }
0x316: {  	s18 =	sadd.s32 $0x800, s18;
	[tilespmem:s10+$0x1BC18] =	vst.add.f32.msk $0xffff, v4  }
0x317: {  	s25 =	sadd.s32 $0x1, s25  }
0x318: {  	p1 =	sne.s32 s25, $0x50  }
.Ltmp12:
0x319: {  	_ = 	snop;
	(pc) =	sbr.rel @p1 .LBB2_6-.Ltmp12, $3  }
0x31a: {  	_ =	sdelay $0x1  }
0x31b: {  	[tilespmem:s10+$0x1BC28] =	vst.add.f32.msk $0xffff, v0;
	s31 =	sadd.s32 s2, s31  }
0x31c: {  	[hbm4b:s31+s4] =	stream.linear.scatter [tilespmem:s26], [sflag:$0x10], $0x2800, $0x38;
	[tilespmem:$0x1E248] =	vst v63  }
0x31d: {  	s10 =	simm.s32 $0xD  }
0x31e: {  	_ =	swait.ge [sflag:s10], $0x2800  }
0x31f: {  	[sflag:s10] =	ssyncset.done $0x0  }
0x320: {  	s25 =	simm.s32 $0xE;
	[sflag:s10] =	ssyncadd.s32 $0xFFFFD800  }
0x321: {  	_ =	swait.ge [sflag:s25], $0x2800  }
0x322: {  	[sflag:s25] =	ssyncset.done $0x0  }
0x323: {  	s30 =	simm.s32 $0xF;
	[sflag:s25] =	ssyncadd.s32 $0xFFFFD800  }
0x324: {  	_ =	swait.ge [sflag:s30], $0x2800  }
0x325: {  	[sflag:s30] =	ssyncset.done $0x0  }
0x326: {  	s17 =	simm.s32 $0x10;
	[sflag:s30] =	ssyncadd.s32 $0xFFFFD800  }
0x327: {  	_ =	swait.ge [sflag:s17], $0x2800  }
0x328: {  	s18 =	rddreg [dreg:$0x13]  }
0x329: {  	s31 =	rddreg [dreg:$0x11];
	s18 =	sadd.s32 $0x1, s18  }
0x32a: {  	p1 =	sne.s32 s18, s31  }
.Ltmp13:
0x32b: {  	_ = 	snop;
	(pc) =	sbr.rel @p1 .LBB2_1-.Ltmp13, $3  }
0x32c: {  	_ =	sdelay $0x1  }
0x32d: {  	[sflag:s17] =	ssyncset.done $0x0  }
0x32e: {  	[sflag:s17] =	ssyncadd.s32 $0xFFFFD800  }
0x32f: {  	_ =	sfence.sel $0x180000  }
0x330: {  	[bflag:$0x0] =	sbarrier.arrive $0xFFFF  }
0x331: {  	_ =	strace $0x90000047  }
0x332: {  	[bflag:$0x2] =	sbarrier.arrive $0xFFFF  }
0x333: {  	s0 =	rddreg [dreg:$0x4]  }
0x334: {  	s0 =	sadd.s32 @!p0 $0x100000, s0  }
0x335: {  	[sflag:s0] =	ssyncadd.tile.s32 @!p0 $0x1;
	_ =	shalt  }
.Lfunc_end2:
_tile_overlayer_lowered:
.L_overlay_start_2:
0x336: {  	(tag) =	ssettag $0x2  }
0x337: {  	s0 =	rddreg [dreg:$0x0];
	s2 =	stileid.u32  }
0x338: {  	s1 =	rddreg [dreg:$0x1];
	p0 =	sne.s32 s2, $0x0  }
0x339: {  	s3 =	rddreg [dreg:$0x2];
	[bflag:$0x3] =	sbarrier.arrive $0xFFFF;
	s2 =	simm.s32 @!p0 $0x1C11  }
0x33a: {  	[timem:s3], [sflag:s2] =	dma.local @!p0 [hbm:s0], s1  }
0x33b: {  	s0 =	simm.s32 @!p0 $0x11  }
0x33c: {  	_ =	swait.ge @!p0 [sflag:s0], s1  }
0x33d: {  	s1 =	ssub.s32 @!p0 $0x0, s1;
	[sflag:s0] =	ssyncset.done @!p0 $0x0  }
0x33e: {  	[sflag:s0] =	ssyncadd.s32 @!p0 s1  }
0x33f: {  	[bflag:$0x3] =	sbarrier.arrive $0xFFFF  }
0x340: {  	_ =	shalt  }

</sc_bundles>
